<compile_context>
chip_gen: v7x
topology: tpu7x:2x2x1
jax: 0.10.2.dev20260603
libtpu: 0.0.44.dev20260713+nightly
codegen_flags: <defaults>
</compile_context>

<pallas_src>
import functools

import jax
import jax.numpy as jnp
from jax import lax
from jax.experimental import pallas as pl
from jax.experimental.pallas import tpu as pltpu
from jax.experimental.pallas import tpu_sc as plsc

_NPOINT = 512
_NSAMPLES = [16, 32]
_KMAX = 32
_CPAD = 128
_EPS = 1e-5


def _coord_tournament(v, x, y, z):
    w = v.shape[1] // 2
    while w >= 128:
        take = v[:, w:] > v[:, :w]
        v = jnp.where(take, v[:, w:], v[:, :w])
        x = jnp.where(take, x[:, w:], x[:, :w])
        y = jnp.where(take, y[:, w:], y[:, :w])
        z = jnp.where(take, z[:, w:], z[:, :w])
        w //= 2
    B, W = v.shape
    f = jnp.argmax(v, axis=1).astype(jnp.int32)[:, None]
    onehot = lax.broadcasted_iota(jnp.int32, (B, W), 1) == f
    cx = jnp.sum(jnp.where(onehot, x, 0.0), axis=1, keepdims=True)
    cy = jnp.sum(jnp.where(onehot, y, 0.0), axis=1, keepdims=True)
    cz = jnp.sum(jnp.where(onehot, z, 0.0), axis=1, keepdims=True)
    return cx, cy, cz


def _fps_body(px_ref, py_ref, pz_ref, f0_ref, ox_ref, oy_ref, oz_ref):
    px = px_ref[...]
    py = py_ref[...]
    pz = pz_ref[...]
    B, N = px.shape
    S = ox_ref.shape[1]
    lane = lax.broadcasted_iota(jnp.int32, (B, N), 1)
    col = lax.broadcasted_iota(jnp.int32, (B, S), 1)

    onehot = lane == f0_ref[...]
    cx0 = jnp.sum(jnp.where(onehot, px, 0.0), axis=1, keepdims=True)
    cy0 = jnp.sum(jnp.where(onehot, py, 0.0), axis=1, keepdims=True)
    cz0 = jnp.sum(jnp.where(onehot, pz, 0.0), axis=1, keepdims=True)

    def step(i, carry):
        dist_min, cx, cy, cz, ax, ay, az = carry
        ax = jnp.where(col == i, cx, ax)
        ay = jnp.where(col == i, cy, ay)
        az = jnp.where(col == i, cz, az)
        dx = px - cx
        dy = py - cy
        dz = pz - cz
        d = dx * dx + dy * dy + dz * dz
        dist_min = jnp.minimum(dist_min, d)
        cx, cy, cz = _coord_tournament(dist_min, px, py, pz)
        return dist_min, cx, cy, cz, ax, ay, az

    dist0 = jnp.full((B, N), 1e10, dtype=jnp.float32)
    zeros = jnp.zeros((B, S), dtype=jnp.float32)
    _, _, _, _, ax, ay, az = lax.fori_loop(
        0, S, step, (dist0, cx0, cy0, cz0, zeros, zeros, zeros)
    )
    ox_ref[...] = ax
    oy_ref[...] = ay
    oz_ref[...] = az


def _fps(px, py, pz, f0):
    B, N = px.shape
    out = jax.ShapeDtypeStruct((B, _NPOINT), jnp.float32)
    return pl.pallas_call(
        _fps_body,
        out_shape=(out, out, out),
    )(px, py, pz, f0)


_QBLK = 128


def _knn_body(px_ref, py_ref, pz_ref, qx_ref, qy_ref, qz_ref, idx_ref):
    b = pl.program_id(0)
    px = px_ref[0, 0, :][None, :]
    py = py_ref[0, 0, :][None, :]
    pz = pz_ref[0, 0, :][None, :]
    qx = qx_ref[0, 0, :][:, None]
    qy = qy_ref[0, 0, :][:, None]
    qz = qz_ref[0, 0, :][:, None]
    dx = qx - px
    dy = qy - py
    dz = qz - pz
    d2 = dx * dx + dy * dy + dz * dz
    N = d2.shape[1]
    lane = lax.broadcasted_iota(jnp.int32, (_QBLK, N), 1)
    base = b * N
    for k in range(_KMAX):
        am = jnp.argmin(d2, axis=1).astype(jnp.int32)
        idx_ref[0, pl.ds(k, 1), :] = (am + base)[None, :]
        d2 = jnp.where(lane == am[:, None], jnp.inf, d2)


def _knn(px, py, pz, nx, ny, nz):
    B, N = px.shape
    S = nx.shape[1]
    grid = (B, S // _QBLK)
    p_spec = pl.BlockSpec((1, 1, N), lambda b, q: (b, 0, 0))
    q_spec = pl.BlockSpec((1, 1, _QBLK), lambda b, q: (b, 0, q))
    idx_spec = pl.BlockSpec((1, _KMAX, _QBLK), lambda b, q: (b, 0, q))
    return pl.pallas_call(
        _knn_body,
        grid=grid,
        in_specs=[p_spec, p_spec, p_spec, q_spec, q_spec, q_spec],
        out_specs=idx_spec,
        out_shape=jax.ShapeDtypeStruct((B, _KMAX, S), jnp.int32),
    )(px[:, None, :], py[:, None, :], pz[:, None, :],
      nx[:, None, :], ny[:, None, :], nz[:, None, :])


_GCHUNK = 256


def _gather_rows(table, idx):
    R = idx.shape[0]
    NW = 32
    per_w = R // NW
    n_chunks = per_w // _GCHUNK
    mesh = plsc.VectorSubcoreMesh(core_axis_name="c", subcore_axis_name="s")

    @functools.partial(
        pl.kernel,
        out_type=jax.ShapeDtypeStruct((R, _CPAD), jnp.float32),
        mesh=mesh,
        scratch_types=[
            pltpu.VMEM((_GCHUNK,), jnp.int32),
            pltpu.VMEM((_GCHUNK,), jnp.int32),
            pltpu.VMEM((_GCHUNK, _CPAD), jnp.float32),
            pltpu.VMEM((_GCHUNK, _CPAD), jnp.float32),
            pltpu.SemaphoreType.DMA,
            pltpu.SemaphoreType.DMA,
        ],
    )
    def gather_kernel(
        table_hbm, idx_hbm, out_hbm, idx_v0, idx_v1, rows_v0, rows_v1, sem0, sem1
    ):
        wid = lax.axis_index("s") * 2 + lax.axis_index("c")
        base = wid * per_w
        idx_vs = (idx_v0, idx_v1)
        rows_vs = (rows_v0, rows_v1)
        sems = (sem0, sem1)
        handles = [None, None]
        pltpu.sync_copy(idx_hbm.at[pl.ds(base, _GCHUNK)], idx_v0)
        handles[0] = pltpu.async_copy(table_hbm.at[idx_v0], rows_v0, sem0)
        for c in range(n_chunks):
            p = c % 2
            q = (c + 1) % 2
            if c + 1 < n_chunks:
                off = base + (c + 1) * _GCHUNK
                pltpu.sync_copy(idx_hbm.at[pl.ds(off, _GCHUNK)], idx_vs[q])
                handles[q] = pltpu.async_copy(
                    table_hbm.at[idx_vs[q]], rows_vs[q], sems[q]
                )
            handles[p].wait()
            pltpu.sync_copy(rows_vs[p], out_hbm.at[pl.ds(base + c * _GCHUNK, _GCHUNK)])

    return gather_kernel(table, idx)


_GBLK = 256


_PBLK = 2048


def _proj_body(x3_ref, feat_ref, wf_ref, w3_ref, o_ref):
    y = jnp.dot(feat_ref[...], wf_ref[...], preferred_element_type=jnp.float32)
    x3 = x3_ref[...]
    w3 = w3_ref[...]
    o_ref[...] = (
        y
        + x3[:, 0:1] * w3[0:1, :]
        + x3[:, 1:2] * w3[1:2, :]
        + x3[:, 2:3] * w3[2:3, :]
    )


def _proj(x3, feat, wf, w3):
    V = x3.shape[0]
    grid = (V // _PBLK,)
    return pl.pallas_call(
        _proj_body,
        grid=grid,
        in_specs=[
            pl.BlockSpec((_PBLK, 3), lambda i: (i, 0)),
            pl.BlockSpec((_PBLK, feat.shape[1]), lambda i: (i, 0)),
            pl.BlockSpec(wf.shape, lambda i: (0, 0)),
            pl.BlockSpec(w3.shape, lambda i: (0, 0)),
        ],
        out_specs=pl.BlockSpec((_PBLK, _CPAD), lambda i: (i, 0)),
        out_shape=jax.ShapeDtypeStruct((V, _CPAD), jnp.float32),
    )(x3, feat, wf, w3)


def _stats(y):
    s = jnp.sum(y, axis=0, keepdims=True)
    ss = jnp.sum(y * y, axis=0, keepdims=True)
    return jnp.concatenate([s, ss], axis=0)


def _mlp_l0_body(K0, g_ref, nxyz_ref, w3_ref, y0_ref, y1_ref, st0_ref, st1_ref):
    gb = pl.program_id(0)
    g = g_ref[...]
    nxyz = nxyz_ref[...]
    w3 = w3_ref[...]
    cp = (
        nxyz[:, 0:1] * w3[0:1, :]
        + nxyz[:, 1:2] * w3[1:2, :]
        + nxyz[:, 2:3] * w3[2:3, :]
    )
    y = g - cp[:, None, :]
    y0 = y[:, :K0, 0:64].reshape(_GBLK * K0, 64)
    y1 = y[:, :, 64:128].reshape(_GBLK * _KMAX, 64)

    @pl.when(gb == 0)
    def _():
        st0_ref[...] = jnp.zeros_like(st0_ref)
        st1_ref[...] = jnp.zeros_like(st1_ref)

    st0_ref[...] += _stats(y0)
    st1_ref[...] += _stats(y1)
    y0_ref[...] = y0
    y1_ref[...] = y1


def _mlp_l0(g4, nxyz, w3, K0):
    G = g4.shape[0]
    grid = (G // _GBLK,)
    st_shape = jax.ShapeDtypeStruct((2, 64), jnp.float32)
    return pl.pallas_call(
        functools.partial(_mlp_l0_body, K0),
        grid=grid,
        in_specs=[
            pl.BlockSpec((_GBLK, _KMAX, _CPAD), lambda i: (i, 0, 0)),
            pl.BlockSpec((_GBLK, 3), lambda i: (i, 0)),
            pl.BlockSpec(w3.shape, lambda i: (0, 0)),
        ],
        out_specs=[
            pl.BlockSpec((_GBLK * K0, 64), lambda i: (i, 0)),
            pl.BlockSpec((_GBLK * _KMAX, 64), lambda i: (i, 0)),
            pl.BlockSpec((2, 64), lambda i: (0, 0)),
            pl.BlockSpec((2, 64), lambda i: (0, 0)),
        ],
        out_shape=[
            jax.ShapeDtypeStruct((G * K0, 64), jnp.float32),
            jax.ShapeDtypeStruct((G * _KMAX, 64), jnp.float32),
            st_shape,
            st_shape,
        ],
    )(g4, nxyz, w3)


def _norm_relu(y, st, r):
    mu = st[0:1, :] / r
    var = st[1:2, :] / r - mu * mu
    inv = lax.rsqrt(var + _EPS)
    return jnp.maximum((y - mu) * inv, 0.0)


def _mlp_mid2_body(
    r0, r1,
    y0_ref, y1_ref, st0_ref, st1_ref, w0_ref, w1_ref,
    o0_ref, o1_ref, ost0_ref, ost1_ref,
):
    gb = pl.program_id(0)
    x0 = _norm_relu(y0_ref[...], st0_ref[...], r0)
    y0 = jnp.dot(x0, w0_ref[...], preferred_element_type=jnp.float32)
    x1 = _norm_relu(y1_ref[...], st1_ref[...], r1)
    y1 = jnp.dot(x1, w1_ref[...], preferred_element_type=jnp.float32)

    @pl.when(gb == 0)
    def _():
        ost0_ref[...] = jnp.zeros_like(ost0_ref)
        ost1_ref[...] = jnp.zeros_like(ost1_ref)

    ost0_ref[...] += _stats(y0)
    ost1_ref[...] += _stats(y1)
    o0_ref[...] = y0
    o1_ref[...] = y1


def _mlp_mid2(y0, y1, st0, st1, w0, w1):
    R0, Cin0 = y0.shape
    R1, Cin1 = y1.shape
    rb0 = _GBLK * _NSAMPLES[0]
    rb1 = _GBLK * _NSAMPLES[1]
    grid = (R1 // rb1,)
    return pl.pallas_call(
        functools.partial(_mlp_mid2_body, float(R0), float(R1)),
        grid=grid,
        in_specs=[
            pl.BlockSpec((rb0, Cin0), lambda i: (i, 0)),
            pl.BlockSpec((rb1, Cin1), lambda i: (i, 0)),
            pl.BlockSpec((2, Cin0), lambda i: (0, 0)),
            pl.BlockSpec((2, Cin1), lambda i: (0, 0)),
            pl.BlockSpec(w0.shape, lambda i: (0, 0)),
            pl.BlockSpec(w1.shape, lambda i: (0, 0)),
        ],
        out_specs=[
            pl.BlockSpec((rb0, w0.shape[1]), lambda i: (i, 0)),
            pl.BlockSpec((rb1, w1.shape[1]), lambda i: (i, 0)),
            pl.BlockSpec((2, w0.shape[1]), lambda i: (0, 0)),
            pl.BlockSpec((2, w1.shape[1]), lambda i: (0, 0)),
        ],
        out_shape=[
            jax.ShapeDtypeStruct((R0, w0.shape[1]), jnp.float32),
            jax.ShapeDtypeStruct((R1, w1.shape[1]), jnp.float32),
            jax.ShapeDtypeStruct((2, w0.shape[1]), jnp.float32),
            jax.ShapeDtypeStruct((2, w1.shape[1]), jnp.float32),
        ],
    )(y0, y1, st0, st1, w0, w1)


def _mlp_final2_body(r0, r1, y0_ref, y1_ref, st0_ref, st1_ref, o_ref):
    x0 = _norm_relu(y0_ref[...], st0_ref[...], r0)
    x1 = _norm_relu(y1_ref[...], st1_ref[...], r1)
    m0 = jnp.max(x0.reshape(_GBLK, _NSAMPLES[0], 128), axis=1)
    m1 = jnp.max(x1.reshape(_GBLK, _NSAMPLES[1], 128), axis=1)
    o_ref[...] = jnp.concatenate([m0, m1], axis=-1)


def _mlp_final2(y0, y1, st0, st1):
    R0, _ = y0.shape
    R1, _ = y1.shape
    rb0 = _GBLK * _NSAMPLES[0]
    rb1 = _GBLK * _NSAMPLES[1]
    grid = (R1 // rb1,)
    return pl.pallas_call(
        functools.partial(_mlp_final2_body, float(R0), float(R1)),
        grid=grid,
        in_specs=[
            pl.BlockSpec((rb0, 128), lambda i: (i, 0)),
            pl.BlockSpec((rb1, 128), lambda i: (i, 0)),
            pl.BlockSpec((2, 128), lambda i: (0, 0)),
            pl.BlockSpec((2, 128), lambda i: (0, 0)),
        ],
        out_specs=pl.BlockSpec((_GBLK, 256), lambda i: (i, 0)),
        out_shape=jax.ShapeDtypeStruct((R1 // _NSAMPLES[1], 256), jnp.float32),
    )(y0, y1, st0, st1)


def kernel(xyz, features, W0_0, W0_1, W0_2, W1_0, W1_1, W1_2):
    B, N, _ = xyz.shape
    C = features.shape[2]
    S = _NPOINT

    px = xyz[:, :, 0]
    py = xyz[:, :, 1]
    pz = xyz[:, :, 2]
    f0 = jax.random.randint(jax.random.key(42), (B,), 0, N).astype(jnp.int32)

    nx, ny, nz = _fps(px, py, pz, f0[:, None])
    idx = _knn(px, py, pz, nx, ny, nz)
    idx_flat = idx.transpose(0, 2, 1).reshape(-1)

    wf = jnp.concatenate([W0_0.T[3:], W1_0.T[3:]], axis=1)
    w3 = jnp.concatenate([W0_0.T[:3], W1_0.T[:3]], axis=1)
    proj = _proj(xyz.reshape(B * N, 3), features.reshape(B * N, C), wf, w3)
    g = _gather_rows(proj, idx_flat)
    g4 = g.reshape(B * S, _KMAX, _CPAD)
    nxyz = jnp.stack([nx, ny, nz], axis=-1).reshape(B * S, 3)

    y0, y1, st0, st1 = _mlp_l0(g4, nxyz, w3, _NSAMPLES[0])
    y0, y1, st0, st1 = _mlp_mid2(y0, y1, st0, st1, W0_1.T, W1_1.T)
    y0, y1, st0, st1 = _mlp_mid2(y0, y1, st0, st1, W0_2.T, W1_2.T)
    fused = _mlp_final2(y0, y1, st0, st1).reshape(B, S, 256)

    new_xyz = jnp.stack([nx, ny, nz], axis=-1)
    return new_xyz, fused

# --- scband reference (transcript-rebuilt; emitter-appended) ---
"""Pipeline reference for scband-point-net-set-abstraction-msg-46042049413723 (READ-ONLY COPY).

The authoritative reference and input builder live on the scoring server;
editing this copy changes nothing except your own understanding.
"""

import jax, jax.numpy as jnp
import numpy as np

NPOINT = 512
NSAMPLES = [16, 32]


def index_points(points, idx):
    # points: [B, N, C], idx: [B, ...] -> [B, ..., C]
    return jax.vmap(lambda p, i: p[i])(points, idx)


def farthest_point_sample(xyz, npoint):
    B, N, _ = xyz.shape
    key = jax.random.key(42)
    farthest0 = jax.random.randint(key, (B,), 0, N)
    distance0 = jnp.full((B, N), 1e10, dtype=xyz.dtype)
    batch_idx = jnp.arange(B)

    def step(carry, _):
        distance, farthest = carry
        centroid = xyz[batch_idx, farthest][:, None, :]
        dist = jnp.sum((xyz - centroid) ** 2, axis=-1)
        distance = jnp.minimum(distance, dist)
        new_farthest = jnp.argmax(distance, axis=1)
        return (distance, new_farthest), farthest

    _, cent = jax.lax.scan(step, (distance0, farthest0), None, length=npoint)
    return cent.T  # [B, npoint]


def mlp_branch(x, Ws):
    # x: [B, S, K, Cin]; 1x1 Conv2d (no bias) + BatchNorm (training stats, gamma=1, beta=0) + ReLU
    for W in Ws:
        x = jnp.einsum('bskc,oc->bsko', x, W)
        mean = jnp.mean(x, axis=(0, 1, 2), keepdims=True)
        var = jnp.var(x, axis=(0, 1, 2), keepdims=True)
        x = (x - mean) / jnp.sqrt(var + 1e-5)
        x = jax.nn.relu(x)
    return x


def forward(xyz, features, Ws_list):
    fps_idx = farthest_point_sample(jax.lax.stop_gradient(xyz), NPOINT)
    new_xyz = index_points(xyz, fps_idx)  # [B, S, 3]
    outs = []
    for nsample, Ws in zip(NSAMPLES, Ws_list):
        diff = new_xyz[:, :, None, :] - xyz[:, None, :, :]
        dists = jnp.sqrt(jnp.sum(diff * diff, axis=-1))  # [B, S, N]
        _, idx = jax.lax.top_k(jax.lax.stop_gradient(-dists), nsample)  # smallest dists
        grouped_xyz = index_points(xyz, idx) - new_xyz[:, :, None, :]
        grouped_feat = index_points(features, idx)
        grouped = jnp.concatenate([grouped_xyz, grouped_feat], axis=-1)  # [B, S, K, 3+C]
        enc = mlp_branch(grouped, Ws)
        outs.append(jnp.max(enc, axis=2))  # max over nsample
    fused = jnp.concatenate(outs, axis=-1)  # [B, S, 256]
    return new_xyz, fused


def setup_inputs(seed: int = 0):
    key = jax.random.key(seed)
    ks = jax.random.split(key, 10)
    B, N, C = 8, 2048, 32
    xyz = jax.random.normal(ks[0], (B, N, 3), dtype=jnp.float32)
    features = jax.random.normal(ks[1], (B, N, C), dtype=jnp.float32)

    def mk(k, o, i):
        return jax.random.normal(k, (o, i), dtype=jnp.float32) * (2.0 / i) ** 0.5

    cin = C + 3
    return {
        'xyz': xyz,
        'features': features,
        'W0_0': mk(ks[2], 64, cin),
        'W0_1': mk(ks[3], 64, 64),
        'W0_2': mk(ks[4], 128, 64),
        'W1_0': mk(ks[5], 64, cin),
        'W1_1': mk(ks[6], 96, 64),
        'W1_2': mk(ks[7], 128, 96),
    }


def reference(xyz, features, W0_0, W0_1, W0_2, W1_0, W1_1, W1_2):
    return forward(xyz, features, [[W0_0, W0_1, W0_2], [W1_0, W1_1, W1_2]])

if __name__ == "__main__":
    import jax
    _d = setup_inputs()
    print(jax.jit(kernel)(*tuple(_d.values())))

</pallas_src>

<mosaic_0001>
#map = affine_map<(d0, d1) -> (0, 0)>
#map1 = affine_map<(d0, d1) -> (0)>
module attributes {stable_mosaic.version = 14 : i64} {
  func.func @gather_kernel(%arg0: i32, %arg1: i32, %arg2: memref<16384x128xf32, #tpu.memory_space<hbm>>, %arg3: memref<131072xi32, #tpu.memory_space<hbm>>, %arg4: memref<131072x128xf32, #tpu.memory_space<hbm>>, %arg5: memref<256xi32, #tpu.memory_space<vmem>>, %arg6: memref<256xi32, #tpu.memory_space<vmem>>, %arg7: memref<256x128xf32, #tpu.memory_space<vmem>>, %arg8: memref<256x128xf32, #tpu.memory_space<vmem>>, %arg9: memref<!tpu.dma_semaphore, #tpu.memory_space<semaphore_mem>>, %arg10: memref<!tpu.dma_semaphore, #tpu.memory_space<semaphore_mem>>) attributes {dimension_semantics = [#tpu.dimension_semantics<core_parallel>, #tpu.dimension_semantics<subcore_parallel>], iteration_bounds = array<i64: 2, 16>, scalar_prefetch = 0 : i64, scratch_operands = 6 : i64, tpu.core_type = #tpu.core_type<sc_vector_subcore>, window_params = [{transform_indices = #map}, {transform_indices = #map1}, {transform_indices = #map}]} {
    %mul3A = arith.constant 2 : i32
    %mul3A_0 = arith.muli %arg1, %mul3A : i32
    %add3A = arith.addi %mul3A_0, %arg0 : i32
    %mul3A_1 = arith.constant 4096 : i32
    %mul3A_2 = arith.muli %add3A, %mul3A_1 : i32
    "tpu.region"() ({
      %run_scoped3A = tpu.sem_alloc : memref<!tpu.dma_semaphore, #tpu.memory_space<semaphore_mem>>
      %dma_start3A_159 = tpu.memref_slice %arg3[%mul3A_2] : memref<131072xi32, #tpu.memory_space<hbm>> -> memref<256xi32, #tpu.memory_space<hbm>>
      %dma_start3A_160 = tpu.memref_slice %arg3[%mul3A_2] : memref<131072xi32, #tpu.memory_space<hbm>> -> memref<256xi32, #tpu.memory_space<hbm>>
      tpu.enqueue_dma source(%dma_start3A_160 : memref<256xi32, #tpu.memory_space<hbm>>) target(%arg5 : memref<256xi32, #tpu.memory_space<vmem>>) target_semaphore(%run_scoped3A : memref<!tpu.dma_semaphore, #tpu.memory_space<semaphore_mem>>)
      %dma_wait3A_161 = tpu.memref_slice %arg3[%mul3A_2] : memref<131072xi32, #tpu.memory_space<hbm>> -> memref<256xi32, #tpu.memory_space<hbm>>
      %dma_wait3A_162 = tpu.memref_slice %arg3[%mul3A_2] : memref<131072xi32, #tpu.memory_space<hbm>> -> memref<256xi32, #tpu.memory_space<hbm>>
      tpu.wait_dma2 semaphore(%run_scoped3A : memref<!tpu.dma_semaphore, #tpu.memory_space<semaphore_mem>>) src(%dma_wait3A_162 : memref<256xi32, #tpu.memory_space<hbm>>) dst(%arg5 : memref<256xi32, #tpu.memory_space<vmem>>)
      tpu.yield
    }) : () -> ()
    %dma_start3A = arith.constant 0 : i32
    %dma_start3A_3 = arith.constant 0 : i32
    %dma_start3A_4 = tpu.memref_slice %arg2[%dma_start3A, %dma_start3A_3] : memref<16384x128xf32, #tpu.memory_space<hbm>> -> memref<16384x128xf32, #tpu.memory_space<hbm>>
    tpu.enqueue_indirect_dma source(%dma_start3A_4 : memref<16384x128xf32, #tpu.memory_space<hbm>>) target(%arg7 : memref<256x128xf32, #tpu.memory_space<vmem>>) offsets(%arg5 : memref<256xi32, #tpu.memory_space<vmem>>) semaphore(%arg9 : memref<!tpu.dma_semaphore, #tpu.memory_space<semaphore_mem>>)
    %add3A_5 = arith.constant 256 : i32
    %add3A_6 = arith.addi %mul3A_2, %add3A_5 : i32
    "tpu.region"() ({
      %run_scoped3A = tpu.sem_alloc : memref<!tpu.dma_semaphore, #tpu.memory_space<semaphore_mem>>
      %dma_start3A_159 = tpu.memref_slice %arg3[%add3A_6] : memref<131072xi32, #tpu.memory_space<hbm>> -> memref<256xi32, #tpu.memory_space<hbm>>
      %dma_start3A_160 = tpu.memref_slice %arg3[%add3A_6] : memref<131072xi32, #tpu.memory_space<hbm>> -> memref<256xi32, #tpu.memory_space<hbm>>
      tpu.enqueue_dma source(%dma_start3A_160 : memref<256xi32, #tpu.memory_space<hbm>>) target(%arg6 : memref<256xi32, #tpu.memory_space<vmem>>) target_semaphore(%run_scoped3A : memref<!tpu.dma_semaphore, #tpu.memory_space<semaphore_mem>>)
      %dma_wait3A_161 = tpu.memref_slice %arg3[%add3A_6] : memref<131072xi32, #tpu.memory_space<hbm>> -> memref<256xi32, #tpu.memory_space<hbm>>
      %dma_wait3A_162 = tpu.memref_slice %arg3[%add3A_6] : memref<131072xi32, #tpu.memory_space<hbm>> -> memref<256xi32, #tpu.memory_space<hbm>>
      tpu.wait_dma2 semaphore(%run_scoped3A : memref<!tpu.dma_semaphore, #tpu.memory_space<semaphore_mem>>) src(%dma_wait3A_162 : memref<256xi32, #tpu.memory_space<hbm>>) dst(%arg6 : memref<256xi32, #tpu.memory_space<vmem>>)
      tpu.yield
    }) : () -> ()
    %dma_start3A_7 = arith.constant 0 : i32
    %dma_start3A_8 = arith.constant 0 : i32
    %dma_start3A_9 = tpu.memref_slice %arg2[%dma_start3A_7, %dma_start3A_8] : memref<16384x128xf32, #tpu.memory_space<hbm>> -> memref<16384x128xf32, #tpu.memory_space<hbm>>
    tpu.enqueue_indirect_dma source(%dma_start3A_9 : memref<16384x128xf32, #tpu.memory_space<hbm>>) target(%arg8 : memref<256x128xf32, #tpu.memory_space<vmem>>) offsets(%arg6 : memref<256xi32, #tpu.memory_space<vmem>>) semaphore(%arg10 : memref<!tpu.dma_semaphore, #tpu.memory_space<semaphore_mem>>)
    %dma_wait3A = arith.constant 0 : i32
    %dma_wait3A_10 = arith.constant 0 : i32
    %dma_wait3A_11 = tpu.memref_slice %arg2[%dma_wait3A, %dma_wait3A_10] : memref<16384x128xf32, #tpu.memory_space<hbm>> -> memref<16384x128xf32, #tpu.memory_space<hbm>>
    tpu.wait_indirect_dma semaphore(%arg9 : memref<!tpu.dma_semaphore, #tpu.memory_space<semaphore_mem>>) src(%dma_wait3A_11 : memref<16384x128xf32, #tpu.memory_space<hbm>>) dst(%arg7 : memref<256x128xf32, #tpu.memory_space<vmem>>)
    %add3A_12 = arith.constant 0 : i32
    %add3A_13 = arith.addi %mul3A_2, %add3A_12 : i32
    "tpu.region"() ({
      %run_scoped3A = tpu.sem_alloc : memref<!tpu.dma_semaphore, #tpu.memory_space<semaphore_mem>>
      %dma_start3A_159 = arith.constant 0 : i32
      %dma_start3A_160 = tpu.memref_slice %arg4[%add3A_13, %dma_start3A_159] : memref<131072x128xf32, #tpu.memory_space<hbm>> -> memref<256x128xf32, #tpu.memory_space<hbm>>
      %dma_start3A_161 = arith.constant 0 : i32
      %dma_start3A_162 = tpu.memref_slice %arg4[%add3A_13, %dma_start3A_161] : memref<131072x128xf32, #tpu.memory_space<hbm>> -> memref<256x128xf32, #tpu.memory_space<hbm>>
      tpu.enqueue_dma source(%arg7 : memref<256x128xf32, #tpu.memory_space<vmem>>) target(%dma_start3A_162 : memref<256x128xf32, #tpu.memory_space<hbm>>) target_semaphore(%run_scoped3A : memref<!tpu.dma_semaphore, #tpu.memory_space<semaphore_mem>>)
      %dma_wait3A_163 = arith.constant 0 : i32
      %dma_wait3A_164 = tpu.memref_slice %arg4[%add3A_13, %dma_wait3A_163] : memref<131072x128xf32, #tpu.memory_space<hbm>> -> memref<256x128xf32, #tpu.memory_space<hbm>>
      %dma_wait3A_165 = arith.constant 0 : i32
      %dma_wait3A_166 = tpu.memref_slice %arg4[%add3A_13, %dma_wait3A_165] : memref<131072x128xf32, #tpu.memory_space<hbm>> -> memref<256x128xf32, #tpu.memory_space<hbm>>
      tpu.wait_dma2 semaphore(%run_scoped3A : memref<!tpu.dma_semaphore, #tpu.memory_space<semaphore_mem>>) src(%arg7 : memref<256x128xf32, #tpu.memory_space<vmem>>) dst(%dma_wait3A_166 : memref<256x128xf32, #tpu.memory_space<hbm>>)
      tpu.yield
    }) : () -> ()
    %add3A_14 = arith.constant 512 : i32
    %add3A_15 = arith.addi %mul3A_2, %add3A_14 : i32
    "tpu.region"() ({
      %run_scoped3A = tpu.sem_alloc : memref<!tpu.dma_semaphore, #tpu.memory_space<semaphore_mem>>
      %dma_start3A_159 = tpu.memref_slice %arg3[%add3A_15] : memref<131072xi32, #tpu.memory_space<hbm>> -> memref<256xi32, #tpu.memory_space<hbm>>
      %dma_start3A_160 = tpu.memref_slice %arg3[%add3A_15] : memref<131072xi32, #tpu.memory_space<hbm>> -> memref<256xi32, #tpu.memory_space<hbm>>
      tpu.enqueue_dma source(%dma_start3A_160 : memref<256xi32, #tpu.memory_space<hbm>>) target(%arg5 : memref<256xi32, #tpu.memory_space<vmem>>) target_semaphore(%run_scoped3A : memref<!tpu.dma_semaphore, #tpu.memory_space<semaphore_mem>>)
      %dma_wait3A_161 = tpu.memref_slice %arg3[%add3A_15] : memref<131072xi32, #tpu.memory_space<hbm>> -> memref<256xi32, #tpu.memory_space<hbm>>
      %dma_wait3A_162 = tpu.memref_slice %arg3[%add3A_15] : memref<131072xi32, #tpu.memory_space<hbm>> -> memref<256xi32, #tpu.memory_space<hbm>>
      tpu.wait_dma2 semaphore(%run_scoped3A : memref<!tpu.dma_semaphore, #tpu.memory_space<semaphore_mem>>) src(%dma_wait3A_162 : memref<256xi32, #tpu.memory_space<hbm>>) dst(%arg5 : memref<256xi32, #tpu.memory_space<vmem>>)
      tpu.yield
    }) : () -> ()
    %dma_start3A_16 = arith.constant 0 : i32
    %dma_start3A_17 = arith.constant 0 : i32
    %dma_start3A_18 = tpu.memref_slice %arg2[%dma_start3A_16, %dma_start3A_17] : memref<16384x128xf32, #tpu.memory_space<hbm>> -> memref<16384x128xf32, #tpu.memory_space<hbm>>
    tpu.enqueue_indirect_dma source(%dma_start3A_18 : memref<16384x128xf32, #tpu.memory_space<hbm>>) target(%arg7 : memref<256x128xf32, #tpu.memory_space<vmem>>) offsets(%arg5 : memref<256xi32, #tpu.memory_space<vmem>>) semaphore(%arg9 : memref<!tpu.dma_semaphore, #tpu.memory_space<semaphore_mem>>)
    %dma_wait3A_19 = arith.constant 0 : i32
    %dma_wait3A_20 = arith.constant 0 : i32
    %dma_wait3A_21 = tpu.memref_slice %arg2[%dma_wait3A_19, %dma_wait3A_20] : memref<16384x128xf32, #tpu.memory_space<hbm>> -> memref<16384x128xf32, #tpu.memory_space<hbm>>
    tpu.wait_indirect_dma semaphore(%arg10 : memref<!tpu.dma_semaphore, #tpu.memory_space<semaphore_mem>>) src(%dma_wait3A_21 : memref<16384x128xf32, #tpu.memory_space<hbm>>) dst(%arg8 : memref<256x128xf32, #tpu.memory_space<vmem>>)
    %add3A_22 = arith.constant 256 : i32
    %add3A_23 = arith.addi %mul3A_2, %add3A_22 : i32
    "tpu.region"() ({
      %run_scoped3A = tpu.sem_alloc : memref<!tpu.dma_semaphore, #tpu.memory_space<semaphore_mem>>
      %dma_start3A_159 = arith.constant 0 : i32
      %dma_start3A_160 = tpu.memref_slice %arg4[%add3A_23, %dma_start3A_159] : memref<131072x128xf32, #tpu.memory_space<hbm>> -> memref<256x128xf32, #tpu.memory_space<hbm>>
      %dma_start3A_161 = arith.constant 0 : i32
      %dma_start3A_162 = tpu.memref_slice %arg4[%add3A_23, %dma_start3A_161] : memref<131072x128xf32, #tpu.memory_space<hbm>> -> memref<256x128xf32, #tpu.memory_space<hbm>>
      tpu.enqueue_dma source(%arg8 : memref<256x128xf32, #tpu.memory_space<vmem>>) target(%dma_start3A_162 : memref<256x128xf32, #tpu.memory_space<hbm>>) target_semaphore(%run_scoped3A : memref<!tpu.dma_semaphore, #tpu.memory_space<semaphore_mem>>)
      %dma_wait3A_163 = arith.constant 0 : i32
      %dma_wait3A_164 = tpu.memref_slice %arg4[%add3A_23, %dma_wait3A_163] : memref<131072x128xf32, #tpu.memory_space<hbm>> -> memref<256x128xf32, #tpu.memory_space<hbm>>
      %dma_wait3A_165 = arith.constant 0 : i32
      %dma_wait3A_166 = tpu.memref_slice %arg4[%add3A_23, %dma_wait3A_165] : memref<131072x128xf32, #tpu.memory_space<hbm>> -> memref<256x128xf32, #tpu.memory_space<hbm>>
      tpu.wait_dma2 semaphore(%run_scoped3A : memref<!tpu.dma_semaphore, #tpu.memory_space<semaphore_mem>>) src(%arg8 : memref<256x128xf32, #tpu.memory_space<vmem>>) dst(%dma_wait3A_166 : memref<256x128xf32, #tpu.memory_space<hbm>>)
      tpu.yield
    }) : () -> ()
    %add3A_24 = arith.constant 768 : i32
    %add3A_25 = arith.addi %mul3A_2, %add3A_24 : i32
    "tpu.region"() ({
      %run_scoped3A = tpu.sem_alloc : memref<!tpu.dma_semaphore, #tpu.memory_space<semaphore_mem>>
      %dma_start3A_159 = tpu.memref_slice %arg3[%add3A_25] : memref<131072xi32, #tpu.memory_space<hbm>> -> memref<256xi32, #tpu.memory_space<hbm>>
      %dma_start3A_160 = tpu.memref_slice %arg3[%add3A_25] : memref<131072xi32, #tpu.memory_space<hbm>> -> memref<256xi32, #tpu.memory_space<hbm>>
      tpu.enqueue_dma source(%dma_start3A_160 : memref<256xi32, #tpu.memory_space<hbm>>) target(%arg6 : memref<256xi32, #tpu.memory_space<vmem>>) target_semaphore(%run_scoped3A : memref<!tpu.dma_semaphore, #tpu.memory_space<semaphore_mem>>)
      %dma_wait3A_161 = tpu.memref_slice %arg3[%add3A_25] : memref<131072xi32, #tpu.memory_space<hbm>> -> memref<256xi32, #tpu.memory_space<hbm>>
      %dma_wait3A_162 = tpu.memref_slice %arg3[%add3A_25] : memref<131072xi32, #tpu.memory_space<hbm>> -> memref<256xi32, #tpu.memory_space<hbm>>
      tpu.wait_dma2 semaphore(%run_scoped3A : memref<!tpu.dma_semaphore, #tpu.memory_space<semaphore_mem>>) src(%dma_wait3A_162 : memref<256xi32, #tpu.memory_space<hbm>>) dst(%arg6 : memref<256xi32, #tpu.memory_space<vmem>>)
      tpu.yield
    }) : () -> ()
    %dma_start3A_26 = arith.constant 0 : i32
    %dma_start3A_27 = arith.constant 0 : i32
    %dma_start3A_28 = tpu.memref_slice %arg2[%dma_start3A_26, %dma_start3A_27] : memref<16384x128xf32, #tpu.memory_space<hbm>> -> memref<16384x128xf32, #tpu.memory_space<hbm>>
    tpu.enqueue_indirect_dma source(%dma_start3A_28 : memref<16384x128xf32, #tpu.memory_space<hbm>>) target(%arg8 : memref<256x128xf32, #tpu.memory_space<vmem>>) offsets(%arg6 : memref<256xi32, #tpu.memory_space<vmem>>) semaphore(%arg10 : memref<!tpu.dma_semaphore, #tpu.memory_space<semaphore_mem>>)
    %dma_wait3A_29 = arith.constant 0 : i32
    %dma_wait3A_30 = arith.constant 0 : i32
    %dma_wait3A_31 = tpu.memref_slice %arg2[%dma_wait3A_29, %dma_wait3A_30] : memref<16384x128xf32, #tpu.memory_space<hbm>> -> memref<16384x128xf32, #tpu.memory_space<hbm>>
    tpu.wait_indirect_dma semaphore(%arg9 : memref<!tpu.dma_semaphore, #tpu.memory_space<semaphore_mem>>) src(%dma_wait3A_31 : memref<16384x128xf32, #tpu.memory_space<hbm>>) dst(%arg7 : memref<256x128xf32, #tpu.memory_space<vmem>>)
    %add3A_32 = arith.constant 512 : i32
    %add3A_33 = arith.addi %mul3A_2, %add3A_32 : i32
    "tpu.region"() ({
      %run_scoped3A = tpu.sem_alloc : memref<!tpu.dma_semaphore, #tpu.memory_space<semaphore_mem>>
      %dma_start3A_159 = arith.constant 0 : i32
      %dma_start3A_160 = tpu.memref_slice %arg4[%add3A_33, %dma_start3A_159] : memref<131072x128xf32, #tpu.memory_space<hbm>> -> memref<256x128xf32, #tpu.memory_space<hbm>>
      %dma_start3A_161 = arith.constant 0 : i32
      %dma_start3A_162 = tpu.memref_slice %arg4[%add3A_33, %dma_start3A_161] : memref<131072x128xf32, #tpu.memory_space<hbm>> -> memref<256x128xf32, #tpu.memory_space<hbm>>
      tpu.enqueue_dma source(%arg7 : memref<256x128xf32, #tpu.memory_space<vmem>>) target(%dma_start3A_162 : memref<256x128xf32, #tpu.memory_space<hbm>>) target_semaphore(%run_scoped3A : memref<!tpu.dma_semaphore, #tpu.memory_space<semaphore_mem>>)
      %dma_wait3A_163 = arith.constant 0 : i32
      %dma_wait3A_164 = tpu.memref_slice %arg4[%add3A_33, %dma_wait3A_163] : memref<131072x128xf32, #tpu.memory_space<hbm>> -> memref<256x128xf32, #tpu.memory_space<hbm>>
      %dma_wait3A_165 = arith.constant 0 : i32
      %dma_wait3A_166 = tpu.memref_slice %arg4[%add3A_33, %dma_wait3A_165] : memref<131072x128xf32, #tpu.memory_space<hbm>> -> memref<256x128xf32, #tpu.memory_space<hbm>>
      tpu.wait_dma2 semaphore(%run_scoped3A : memref<!tpu.dma_semaphore, #tpu.memory_space<semaphore_mem>>) src(%arg7 : memref<256x128xf32, #tpu.memory_space<vmem>>) dst(%dma_wait3A_166 : memref<256x128xf32, #tpu.memory_space<hbm>>)
      tpu.yield
    }) : () -> ()
    %add3A_34 = arith.constant 1024 : i32
    %add3A_35 = arith.addi %mul3A_2, %add3A_34 : i32
    "tpu.region"() ({
      %run_scoped3A = tpu.sem_alloc : memref<!tpu.dma_semaphore, #tpu.memory_space<semaphore_mem>>
      %dma_start3A_159 = tpu.memref_slice %arg3[%add3A_35] : memref<131072xi32, #tpu.memory_space<hbm>> -> memref<256xi32, #tpu.memory_space<hbm>>
      %dma_start3A_160 = tpu.memref_slice %arg3[%add3A_35] : memref<131072xi32, #tpu.memory_space<hbm>> -> memref<256xi32, #tpu.memory_space<hbm>>
      tpu.enqueue_dma source(%dma_start3A_160 : memref<256xi32, #tpu.memory_space<hbm>>) target(%arg5 : memref<256xi32, #tpu.memory_space<vmem>>) target_semaphore(%run_scoped3A : memref<!tpu.dma_semaphore, #tpu.memory_space<semaphore_mem>>)
      %dma_wait3A_161 = tpu.memref_slice %arg3[%add3A_35] : memref<131072xi32, #tpu.memory_space<hbm>> -> memref<256xi32, #tpu.memory_space<hbm>>
      %dma_wait3A_162 = tpu.memref_slice %arg3[%add3A_35] : memref<131072xi32, #tpu.memory_space<hbm>> -> memref<256xi32, #tpu.memory_space<hbm>>
      tpu.wait_dma2 semaphore(%run_scoped3A : memref<!tpu.dma_semaphore, #tpu.memory_space<semaphore_mem>>) src(%dma_wait3A_162 : memref<256xi32, #tpu.memory_space<hbm>>) dst(%arg5 : memref<256xi32, #tpu.memory_space<vmem>>)
      tpu.yield
    }) : () -> ()
    %dma_start3A_36 = arith.constant 0 : i32
    %dma_start3A_37 = arith.constant 0 : i32
    %dma_start3A_38 = tpu.memref_slice %arg2[%dma_start3A_36, %dma_start3A_37] : memref<16384x128xf32, #tpu.memory_space<hbm>> -> memref<16384x128xf32, #tpu.memory_space<hbm>>
    tpu.enqueue_indirect_dma source(%dma_start3A_38 : memref<16384x128xf32, #tpu.memory_space<hbm>>) target(%arg7 : memref<256x128xf32, #tpu.memory_space<vmem>>) offsets(%arg5 : memref<256xi32, #tpu.memory_space<vmem>>) semaphore(%arg9 : memref<!tpu.dma_semaphore, #tpu.memory_space<semaphore_mem>>)
    %dma_wait3A_39 = arith.constant 0 : i32
    %dma_wait3A_40 = arith.constant 0 : i32
    %dma_wait3A_41 = tpu.memref_slice %arg2[%dma_wait3A_39, %dma_wait3A_40] : memref<16384x128xf32, #tpu.memory_space<hbm>> -> memref<16384x128xf32, #tpu.memory_space<hbm>>
    tpu.wait_indirect_dma semaphore(%arg10 : memref<!tpu.dma_semaphore, #tpu.memory_space<semaphore_mem>>) src(%dma_wait3A_41 : memref<16384x128xf32, #tpu.memory_space<hbm>>) dst(%arg8 : memref<256x128xf32, #tpu.memory_space<vmem>>)
    %add3A_42 = arith.constant 768 : i32
    %add3A_43 = arith.addi %mul3A_2, %add3A_42 : i32
    "tpu.region"() ({
      %run_scoped3A = tpu.sem_alloc : memref<!tpu.dma_semaphore, #tpu.memory_space<semaphore_mem>>
      %dma_start3A_159 = arith.constant 0 : i32
      %dma_start3A_160 = tpu.memref_slice %arg4[%add3A_43, %dma_start3A_159] : memref<131072x128xf32, #tpu.memory_space<hbm>> -> memref<256x128xf32, #tpu.memory_space<hbm>>
      %dma_start3A_161 = arith.constant 0 : i32
      %dma_start3A_162 = tpu.memref_slice %arg4[%add3A_43, %dma_start3A_161] : memref<131072x128xf32, #tpu.memory_space<hbm>> -> memref<256x128xf32, #tpu.memory_space<hbm>>
      tpu.enqueue_dma source(%arg8 : memref<256x128xf32, #tpu.memory_space<vmem>>) target(%dma_start3A_162 : memref<256x128xf32, #tpu.memory_space<hbm>>) target_semaphore(%run_scoped3A : memref<!tpu.dma_semaphore, #tpu.memory_space<semaphore_mem>>)
      %dma_wait3A_163 = arith.constant 0 : i32
      %dma_wait3A_164 = tpu.memref_slice %arg4[%add3A_43, %dma_wait3A_163] : memref<131072x128xf32, #tpu.memory_space<hbm>> -> memref<256x128xf32, #tpu.memory_space<hbm>>
      %dma_wait3A_165 = arith.constant 0 : i32
      %dma_wait3A_166 = tpu.memref_slice %arg4[%add3A_43, %dma_wait3A_165] : memref<131072x128xf32, #tpu.memory_space<hbm>> -> memref<256x128xf32, #tpu.memory_space<hbm>>
      tpu.wait_dma2 semaphore(%run_scoped3A : memref<!tpu.dma_semaphore, #tpu.memory_space<semaphore_mem>>) src(%arg8 : memref<256x128xf32, #tpu.memory_space<vmem>>) dst(%dma_wait3A_166 : memref<256x128xf32, #tpu.memory_space<hbm>>)
      tpu.yield
    }) : () -> ()
    %add3A_44 = arith.constant 1280 : i32
    %add3A_45 = arith.addi %mul3A_2, %add3A_44 : i32
    "tpu.region"() ({
      %run_scoped3A = tpu.sem_alloc : memref<!tpu.dma_semaphore, #tpu.memory_space<semaphore_mem>>
      %dma_start3A_159 = tpu.memref_slice %arg3[%add3A_45] : memref<131072xi32, #tpu.memory_space<hbm>> -> memref<256xi32, #tpu.memory_space<hbm>>
      %dma_start3A_160 = tpu.memref_slice %arg3[%add3A_45] : memref<131072xi32, #tpu.memory_space<hbm>> -> memref<256xi32, #tpu.memory_space<hbm>>
      tpu.enqueue_dma source(%dma_start3A_160 : memref<256xi32, #tpu.memory_space<hbm>>) target(%arg6 : memref<256xi32, #tpu.memory_space<vmem>>) target_semaphore(%run_scoped3A : memref<!tpu.dma_semaphore, #tpu.memory_space<semaphore_mem>>)
      %dma_wait3A_161 = tpu.memref_slice %arg3[%add3A_45] : memref<131072xi32, #tpu.memory_space<hbm>> -> memref<256xi32, #tpu.memory_space<hbm>>
      %dma_wait3A_162 = tpu.memref_slice %arg3[%add3A_45] : memref<131072xi32, #tpu.memory_space<hbm>> -> memref<256xi32, #tpu.memory_space<hbm>>
      tpu.wait_dma2 semaphore(%run_scoped3A : memref<!tpu.dma_semaphore, #tpu.memory_space<semaphore_mem>>) src(%dma_wait3A_162 : memref<256xi32, #tpu.memory_space<hbm>>) dst(%arg6 : memref<256xi32, #tpu.memory_space<vmem>>)
      tpu.yield
    }) : () -> ()
    %dma_start3A_46 = arith.constant 0 : i32
    %dma_start3A_47 = arith.constant 0 : i32
    %dma_start3A_48 = tpu.memref_slice %arg2[%dma_start3A_46, %dma_start3A_47] : memref<16384x128xf32, #tpu.memory_space<hbm>> -> memref<16384x128xf32, #tpu.memory_space<hbm>>
    tpu.enqueue_indirect_dma source(%dma_start3A_48 : memref<16384x128xf32, #tpu.memory_space<hbm>>) target(%arg8 : memref<256x128xf32, #tpu.memory_space<vmem>>) offsets(%arg6 : memref<256xi32, #tpu.memory_space<vmem>>) semaphore(%arg10 : memref<!tpu.dma_semaphore, #tpu.memory_space<semaphore_mem>>)
    %dma_wait3A_49 = arith.constant 0 : i32
    %dma_wait3A_50 = arith.constant 0 : i32
    %dma_wait3A_51 = tpu.memref_slice %arg2[%dma_wait3A_49, %dma_wait3A_50] : memref<16384x128xf32, #tpu.memory_space<hbm>> -> memref<16384x128xf32, #tpu.memory_space<hbm>>
    tpu.wait_indirect_dma semaphore(%arg9 : memref<!tpu.dma_semaphore, #tpu.memory_space<semaphore_mem>>) src(%dma_wait3A_51 : memref<16384x128xf32, #tpu.memory_space<hbm>>) dst(%arg7 : memref<256x128xf32, #tpu.memory_space<vmem>>)
    %add3A_52 = arith.constant 1024 : i32
    %add3A_53 = arith.addi %mul3A_2, %add3A_52 : i32
    "tpu.region"() ({
      %run_scoped3A = tpu.sem_alloc : memref<!tpu.dma_semaphore, #tpu.memory_space<semaphore_mem>>
      %dma_start3A_159 = arith.constant 0 : i32
      %dma_start3A_160 = tpu.memref_slice %arg4[%add3A_53, %dma_start3A_159] : memref<131072x128xf32, #tpu.memory_space<hbm>> -> memref<256x128xf32, #tpu.memory_space<hbm>>
      %dma_start3A_161 = arith.constant 0 : i32
      %dma_start3A_162 = tpu.memref_slice %arg4[%add3A_53, %dma_start3A_161] : memref<131072x128xf32, #tpu.memory_space<hbm>> -> memref<256x128xf32, #tpu.memory_space<hbm>>
      tpu.enqueue_dma source(%arg7 : memref<256x128xf32, #tpu.memory_space<vmem>>) target(%dma_start3A_162 : memref<256x128xf32, #tpu.memory_space<hbm>>) target_semaphore(%run_scoped3A : memref<!tpu.dma_semaphore, #tpu.memory_space<semaphore_mem>>)
      %dma_wait3A_163 = arith.constant 0 : i32
      %dma_wait3A_164 = tpu.memref_slice %arg4[%add3A_53, %dma_wait3A_163] : memref<131072x128xf32, #tpu.memory_space<hbm>> -> memref<256x128xf32, #tpu.memory_space<hbm>>
      %dma_wait3A_165 = arith.constant 0 : i32
      %dma_wait3A_166 = tpu.memref_slice %arg4[%add3A_53, %dma_wait3A_165] : memref<131072x128xf32, #tpu.memory_space<hbm>> -> memref<256x128xf32, #tpu.memory_space<hbm>>
      tpu.wait_dma2 semaphore(%run_scoped3A : memref<!tpu.dma_semaphore, #tpu.memory_space<semaphore_mem>>) src(%arg7 : memref<256x128xf32, #tpu.memory_space<vmem>>) dst(%dma_wait3A_166 : memref<256x128xf32, #tpu.memory_space<hbm>>)
      tpu.yield
    }) : () -> ()
    %add3A_54 = arith.constant 1536 : i32
    %add3A_55 = arith.addi %mul3A_2, %add3A_54 : i32
    "tpu.region"() ({
      %run_scoped3A = tpu.sem_alloc : memref<!tpu.dma_semaphore, #tpu.memory_space<semaphore_mem>>
      %dma_start3A_159 = tpu.memref_slice %arg3[%add3A_55] : memref<131072xi32, #tpu.memory_space<hbm>> -> memref<256xi32, #tpu.memory_space<hbm>>
      %dma_start3A_160 = tpu.memref_slice %arg3[%add3A_55] : memref<131072xi32, #tpu.memory_space<hbm>> -> memref<256xi32, #tpu.memory_space<hbm>>
      tpu.enqueue_dma source(%dma_start3A_160 : memref<256xi32, #tpu.memory_space<hbm>>) target(%arg5 : memref<256xi32, #tpu.memory_space<vmem>>) target_semaphore(%run_scoped3A : memref<!tpu.dma_semaphore, #tpu.memory_space<semaphore_mem>>)
      %dma_wait3A_161 = tpu.memref_slice %arg3[%add3A_55] : memref<131072xi32, #tpu.memory_space<hbm>> -> memref<256xi32, #tpu.memory_space<hbm>>
      %dma_wait3A_162 = tpu.memref_slice %arg3[%add3A_55] : memref<131072xi32, #tpu.memory_space<hbm>> -> memref<256xi32, #tpu.memory_space<hbm>>
      tpu.wait_dma2 semaphore(%run_scoped3A : memref<!tpu.dma_semaphore, #tpu.memory_space<semaphore_mem>>) src(%dma_wait3A_162 : memref<256xi32, #tpu.memory_space<hbm>>) dst(%arg5 : memref<256xi32, #tpu.memory_space<vmem>>)
      tpu.yield
    }) : () -> ()
    %dma_start3A_56 = arith.constant 0 : i32
    %dma_start3A_57 = arith.constant 0 : i32
    %dma_start3A_58 = tpu.memref_slice %arg2[%dma_start3A_56, %dma_start3A_57] : memref<16384x128xf32, #tpu.memory_space<hbm>> -> memref<16384x128xf32, #tpu.memory_space<hbm>>
    tpu.enqueue_indirect_dma source(%dma_start3A_58 : memref<16384x128xf32, #tpu.memory_space<hbm>>) target(%arg7 : memref<256x128xf32, #tpu.memory_space<vmem>>) offsets(%arg5 : memref<256xi32, #tpu.memory_space<vmem>>) semaphore(%arg9 : memref<!tpu.dma_semaphore, #tpu.memory_space<semaphore_mem>>)
    %dma_wait3A_59 = arith.constant 0 : i32
    %dma_wait3A_60 = arith.constant 0 : i32
    %dma_wait3A_61 = tpu.memref_slice %arg2[%dma_wait3A_59, %dma_wait3A_60] : memref<16384x128xf32, #tpu.memory_space<hbm>> -> memref<16384x128xf32, #tpu.memory_space<hbm>>
    tpu.wait_indirect_dma semaphore(%arg10 : memref<!tpu.dma_semaphore, #tpu.memory_space<semaphore_mem>>) src(%dma_wait3A_61 : memref<16384x128xf32, #tpu.memory_space<hbm>>) dst(%arg8 : memref<256x128xf32, #tpu.memory_space<vmem>>)
    %add3A_62 = arith.constant 1280 : i32
    %add3A_63 = arith.addi %mul3A_2, %add3A_62 : i32
    "tpu.region"() ({
      %run_scoped3A = tpu.sem_alloc : memref<!tpu.dma_semaphore, #tpu.memory_space<semaphore_mem>>
      %dma_start3A_159 = arith.constant 0 : i32
      %dma_start3A_160 = tpu.memref_slice %arg4[%add3A_63, %dma_start3A_159] : memref<131072x128xf32, #tpu.memory_space<hbm>> -> memref<256x128xf32, #tpu.memory_space<hbm>>
      %dma_start3A_161 = arith.constant 0 : i32
      %dma_start3A_162 = tpu.memref_slice %arg4[%add3A_63, %dma_start3A_161] : memref<131072x128xf32, #tpu.memory_space<hbm>> -> memref<256x128xf32, #tpu.memory_space<hbm>>
      tpu.enqueue_dma source(%arg8 : memref<256x128xf32, #tpu.memory_space<vmem>>) target(%dma_start3A_162 : memref<256x128xf32, #tpu.memory_space<hbm>>) target_semaphore(%run_scoped3A : memref<!tpu.dma_semaphore, #tpu.memory_space<semaphore_mem>>)
      %dma_wait3A_163 = arith.constant 0 : i32
      %dma_wait3A_164 = tpu.memref_slice %arg4[%add3A_63, %dma_wait3A_163] : memref<131072x128xf32, #tpu.memory_space<hbm>> -> memref<256x128xf32, #tpu.memory_space<hbm>>
      %dma_wait3A_165 = arith.constant 0 : i32
      %dma_wait3A_166 = tpu.memref_slice %arg4[%add3A_63, %dma_wait3A_165] : memref<131072x128xf32, #tpu.memory_space<hbm>> -> memref<256x128xf32, #tpu.memory_space<hbm>>
      tpu.wait_dma2 semaphore(%run_scoped3A : memref<!tpu.dma_semaphore, #tpu.memory_space<semaphore_mem>>) src(%arg8 : memref<256x128xf32, #tpu.memory_space<vmem>>) dst(%dma_wait3A_166 : memref<256x128xf32, #tpu.memory_space<hbm>>)
      tpu.yield
    }) : () -> ()
    %add3A_64 = arith.constant 1792 : i32
    %add3A_65 = arith.addi %mul3A_2, %add3A_64 : i32
    "tpu.region"() ({
      %run_scoped3A = tpu.sem_alloc : memref<!tpu.dma_semaphore, #tpu.memory_space<semaphore_mem>>
      %dma_start3A_159 = tpu.memref_slice %arg3[%add3A_65] : memref<131072xi32, #tpu.memory_space<hbm>> -> memref<256xi32, #tpu.memory_space<hbm>>
      %dma_start3A_160 = tpu.memref_slice %arg3[%add3A_65] : memref<131072xi32, #tpu.memory_space<hbm>> -> memref<256xi32, #tpu.memory_space<hbm>>
      tpu.enqueue_dma source(%dma_start3A_160 : memref<256xi32, #tpu.memory_space<hbm>>) target(%arg6 : memref<256xi32, #tpu.memory_space<vmem>>) target_semaphore(%run_scoped3A : memref<!tpu.dma_semaphore, #tpu.memory_space<semaphore_mem>>)
      %dma_wait3A_161 = tpu.memref_slice %arg3[%add3A_65] : memref<131072xi32, #tpu.memory_space<hbm>> -> memref<256xi32, #tpu.memory_space<hbm>>
      %dma_wait3A_162 = tpu.memref_slice %arg3[%add3A_65] : memref<131072xi32, #tpu.memory_space<hbm>> -> memref<256xi32, #tpu.memory_space<hbm>>
      tpu.wait_dma2 semaphore(%run_scoped3A : memref<!tpu.dma_semaphore, #tpu.memory_space<semaphore_mem>>) src(%dma_wait3A_162 : memref<256xi32, #tpu.memory_space<hbm>>) dst(%arg6 : memref<256xi32, #tpu.memory_space<vmem>>)
      tpu.yield
    }) : () -> ()
    %dma_start3A_66 = arith.constant 0 : i32
    %dma_start3A_67 = arith.constant 0 : i32
    %dma_start3A_68 = tpu.memref_slice %arg2[%dma_start3A_66, %dma_start3A_67] : memref<16384x128xf32, #tpu.memory_space<hbm>> -> memref<16384x128xf32, #tpu.memory_space<hbm>>
    tpu.enqueue_indirect_dma source(%dma_start3A_68 : memref<16384x128xf32, #tpu.memory_space<hbm>>) target(%arg8 : memref<256x128xf32, #tpu.memory_space<vmem>>) offsets(%arg6 : memref<256xi32, #tpu.memory_space<vmem>>) semaphore(%arg10 : memref<!tpu.dma_semaphore, #tpu.memory_space<semaphore_mem>>)
    %dma_wait3A_69 = arith.constant 0 : i32
    %dma_wait3A_70 = arith.constant 0 : i32
    %dma_wait3A_71 = tpu.memref_slice %arg2[%dma_wait3A_69, %dma_wait3A_70] : memref<16384x128xf32, #tpu.memory_space<hbm>> -> memref<16384x128xf32, #tpu.memory_space<hbm>>
    tpu.wait_indirect_dma semaphore(%arg9 : memref<!tpu.dma_semaphore, #tpu.memory_space<semaphore_mem>>) src(%dma_wait3A_71 : memref<16384x128xf32, #tpu.memory_space<hbm>>) dst(%arg7 : memref<256x128xf32, #tpu.memory_space<vmem>>)
    %add3A_72 = arith.constant 1536 : i32
    %add3A_73 = arith.addi %mul3A_2, %add3A_72 : i32
    "tpu.region"() ({
      %run_scoped3A = tpu.sem_alloc : memref<!tpu.dma_semaphore, #tpu.memory_space<semaphore_mem>>
      %dma_start3A_159 = arith.constant 0 : i32
      %dma_start3A_160 = tpu.memref_slice %arg4[%add3A_73, %dma_start3A_159] : memref<131072x128xf32, #tpu.memory_space<hbm>> -> memref<256x128xf32, #tpu.memory_space<hbm>>
      %dma_start3A_161 = arith.constant 0 : i32
      %dma_start3A_162 = tpu.memref_slice %arg4[%add3A_73, %dma_start3A_161] : memref<131072x128xf32, #tpu.memory_space<hbm>> -> memref<256x128xf32, #tpu.memory_space<hbm>>
      tpu.enqueue_dma source(%arg7 : memref<256x128xf32, #tpu.memory_space<vmem>>) target(%dma_start3A_162 : memref<256x128xf32, #tpu.memory_space<hbm>>) target_semaphore(%run_scoped3A : memref<!tpu.dma_semaphore, #tpu.memory_space<semaphore_mem>>)
      %dma_wait3A_163 = arith.constant 0 : i32
      %dma_wait3A_164 = tpu.memref_slice %arg4[%add3A_73, %dma_wait3A_163] : memref<131072x128xf32, #tpu.memory_space<hbm>> -> memref<256x128xf32, #tpu.memory_space<hbm>>
      %dma_wait3A_165 = arith.constant 0 : i32
      %dma_wait3A_166 = tpu.memref_slice %arg4[%add3A_73, %dma_wait3A_165] : memref<131072x128xf32, #tpu.memory_space<hbm>> -> memref<256x128xf32, #tpu.memory_space<hbm>>
      tpu.wait_dma2 semaphore(%run_scoped3A : memref<!tpu.dma_semaphore, #tpu.memory_space<semaphore_mem>>) src(%arg7 : memref<256x128xf32, #tpu.memory_space<vmem>>) dst(%dma_wait3A_166 : memref<256x128xf32, #tpu.memory_space<hbm>>)
      tpu.yield
    }) : () -> ()
    %add3A_74 = arith.constant 2048 : i32
    %add3A_75 = arith.addi %mul3A_2, %add3A_74 : i32
    "tpu.region"() ({
      %run_scoped3A = tpu.sem_alloc : memref<!tpu.dma_semaphore, #tpu.memory_space<semaphore_mem>>
      %dma_start3A_159 = tpu.memref_slice %arg3[%add3A_75] : memref<131072xi32, #tpu.memory_space<hbm>> -> memref<256xi32, #tpu.memory_space<hbm>>
      %dma_start3A_160 = tpu.memref_slice %arg3[%add3A_75] : memref<131072xi32, #tpu.memory_space<hbm>> -> memref<256xi32, #tpu.memory_space<hbm>>
      tpu.enqueue_dma source(%dma_start3A_160 : memref<256xi32, #tpu.memory_space<hbm>>) target(%arg5 : memref<256xi32, #tpu.memory_space<vmem>>) target_semaphore(%run_scoped3A : memref<!tpu.dma_semaphore, #tpu.memory_space<semaphore_mem>>)
      %dma_wait3A_161 = tpu.memref_slice %arg3[%add3A_75] : memref<131072xi32, #tpu.memory_space<hbm>> -> memref<256xi32, #tpu.memory_space<hbm>>
      %dma_wait3A_162 = tpu.memref_slice %arg3[%add3A_75] : memref<131072xi32, #tpu.memory_space<hbm>> -> memref<256xi32, #tpu.memory_space<hbm>>
      tpu.wait_dma2 semaphore(%run_scoped3A : memref<!tpu.dma_semaphore, #tpu.memory_space<semaphore_mem>>) src(%dma_wait3A_162 : memref<256xi32, #tpu.memory_space<hbm>>) dst(%arg5 : memref<256xi32, #tpu.memory_space<vmem>>)
      tpu.yield
    }) : () -> ()
    %dma_start3A_76 = arith.constant 0 : i32
    %dma_start3A_77 = arith.constant 0 : i32
    %dma_start3A_78 = tpu.memref_slice %arg2[%dma_start3A_76, %dma_start3A_77] : memref<16384x128xf32, #tpu.memory_space<hbm>> -> memref<16384x128xf32, #tpu.memory_space<hbm>>
    tpu.enqueue_indirect_dma source(%dma_start3A_78 : memref<16384x128xf32, #tpu.memory_space<hbm>>) target(%arg7 : memref<256x128xf32, #tpu.memory_space<vmem>>) offsets(%arg5 : memref<256xi32, #tpu.memory_space<vmem>>) semaphore(%arg9 : memref<!tpu.dma_semaphore, #tpu.memory_space<semaphore_mem>>)
    %dma_wait3A_79 = arith.constant 0 : i32
    %dma_wait3A_80 = arith.constant 0 : i32
    %dma_wait3A_81 = tpu.memref_slice %arg2[%dma_wait3A_79, %dma_wait3A_80] : memref<16384x128xf32, #tpu.memory_space<hbm>> -> memref<16384x128xf32, #tpu.memory_space<hbm>>
    tpu.wait_indirect_dma semaphore(%arg10 : memref<!tpu.dma_semaphore, #tpu.memory_space<semaphore_mem>>) src(%dma_wait3A_81 : memref<16384x128xf32, #tpu.memory_space<hbm>>) dst(%arg8 : memref<256x128xf32, #tpu.memory_space<vmem>>)
    %add3A_82 = arith.constant 1792 : i32
    %add3A_83 = arith.addi %mul3A_2, %add3A_82 : i32
    "tpu.region"() ({
      %run_scoped3A = tpu.sem_alloc : memref<!tpu.dma_semaphore, #tpu.memory_space<semaphore_mem>>
      %dma_start3A_159 = arith.constant 0 : i32
      %dma_start3A_160 = tpu.memref_slice %arg4[%add3A_83, %dma_start3A_159] : memref<131072x128xf32, #tpu.memory_space<hbm>> -> memref<256x128xf32, #tpu.memory_space<hbm>>
      %dma_start3A_161 = arith.constant 0 : i32
      %dma_start3A_162 = tpu.memref_slice %arg4[%add3A_83, %dma_start3A_161] : memref<131072x128xf32, #tpu.memory_space<hbm>> -> memref<256x128xf32, #tpu.memory_space<hbm>>
      tpu.enqueue_dma source(%arg8 : memref<256x128xf32, #tpu.memory_space<vmem>>) target(%dma_start3A_162 : memref<256x128xf32, #tpu.memory_space<hbm>>) target_semaphore(%run_scoped3A : memref<!tpu.dma_semaphore, #tpu.memory_space<semaphore_mem>>)
      %dma_wait3A_163 = arith.constant 0 : i32
      %dma_wait3A_164 = tpu.memref_slice %arg4[%add3A_83, %dma_wait3A_163] : memref<131072x128xf32, #tpu.memory_space<hbm>> -> memref<256x128xf32, #tpu.memory_space<hbm>>
      %dma_wait3A_165 = arith.constant 0 : i32
      %dma_wait3A_166 = tpu.memref_slice %arg4[%add3A_83, %dma_wait3A_165] : memref<131072x128xf32, #tpu.memory_space<hbm>> -> memref<256x128xf32, #tpu.memory_space<hbm>>
      tpu.wait_dma2 semaphore(%run_scoped3A : memref<!tpu.dma_semaphore, #tpu.memory_space<semaphore_mem>>) src(%arg8 : memref<256x128xf32, #tpu.memory_space<vmem>>) dst(%dma_wait3A_166 : memref<256x128xf32, #tpu.memory_space<hbm>>)
      tpu.yield
    }) : () -> ()
    %add3A_84 = arith.constant 2304 : i32
    %add3A_85 = arith.addi %mul3A_2, %add3A_84 : i32
    "tpu.region"() ({
      %run_scoped3A = tpu.sem_alloc : memref<!tpu.dma_semaphore, #tpu.memory_space<semaphore_mem>>
      %dma_start3A_159 = tpu.memref_slice %arg3[%add3A_85] : memref<131072xi32, #tpu.memory_space<hbm>> -> memref<256xi32, #tpu.memory_space<hbm>>
      %dma_start3A_160 = tpu.memref_slice %arg3[%add3A_85] : memref<131072xi32, #tpu.memory_space<hbm>> -> memref<256xi32, #tpu.memory_space<hbm>>
      tpu.enqueue_dma source(%dma_start3A_160 : memref<256xi32, #tpu.memory_space<hbm>>) target(%arg6 : memref<256xi32, #tpu.memory_space<vmem>>) target_semaphore(%run_scoped3A : memref<!tpu.dma_semaphore, #tpu.memory_space<semaphore_mem>>)
      %dma_wait3A_161 = tpu.memref_slice %arg3[%add3A_85] : memref<131072xi32, #tpu.memory_space<hbm>> -> memref<256xi32, #tpu.memory_space<hbm>>
      %dma_wait3A_162 = tpu.memref_slice %arg3[%add3A_85] : memref<131072xi32, #tpu.memory_space<hbm>> -> memref<256xi32, #tpu.memory_space<hbm>>
      tpu.wait_dma2 semaphore(%run_scoped3A : memref<!tpu.dma_semaphore, #tpu.memory_space<semaphore_mem>>) src(%dma_wait3A_162 : memref<256xi32, #tpu.memory_space<hbm>>) dst(%arg6 : memref<256xi32, #tpu.memory_space<vmem>>)
      tpu.yield
    }) : () -> ()
    %dma_start3A_86 = arith.constant 0 : i32
    %dma_start3A_87 = arith.constant 0 : i32
    %dma_start3A_88 = tpu.memref_slice %arg2[%dma_start3A_86, %dma_start3A_87] : memref<16384x128xf32, #tpu.memory_space<hbm>> -> memref<16384x128xf32, #tpu.memory_space<hbm>>
    tpu.enqueue_indirect_dma source(%dma_start3A_88 : memref<16384x128xf32, #tpu.memory_space<hbm>>) target(%arg8 : memref<256x128xf32, #tpu.memory_space<vmem>>) offsets(%arg6 : memref<256xi32, #tpu.memory_space<vmem>>) semaphore(%arg10 : memref<!tpu.dma_semaphore, #tpu.memory_space<semaphore_mem>>)
    %dma_wait3A_89 = arith.constant 0 : i32
    %dma_wait3A_90 = arith.constant 0 : i32
    %dma_wait3A_91 = tpu.memref_slice %arg2[%dma_wait3A_89, %dma_wait3A_90] : memref<16384x128xf32, #tpu.memory_space<hbm>> -> memref<16384x128xf32, #tpu.memory_space<hbm>>
    tpu.wait_indirect_dma semaphore(%arg9 : memref<!tpu.dma_semaphore, #tpu.memory_space<semaphore_mem>>) src(%dma_wait3A_91 : memref<16384x128xf32, #tpu.memory_space<hbm>>) dst(%arg7 : memref<256x128xf32, #tpu.memory_space<vmem>>)
    %add3A_92 = arith.constant 2048 : i32
    %add3A_93 = arith.addi %mul3A_2, %add3A_92 : i32
    "tpu.region"() ({
      %run_scoped3A = tpu.sem_alloc : memref<!tpu.dma_semaphore, #tpu.memory_space<semaphore_mem>>
      %dma_start3A_159 = arith.constant 0 : i32
      %dma_start3A_160 = tpu.memref_slice %arg4[%add3A_93, %dma_start3A_159] : memref<131072x128xf32, #tpu.memory_space<hbm>> -> memref<256x128xf32, #tpu.memory_space<hbm>>
      %dma_start3A_161 = arith.constant 0 : i32
      %dma_start3A_162 = tpu.memref_slice %arg4[%add3A_93, %dma_start3A_161] : memref<131072x128xf32, #tpu.memory_space<hbm>> -> memref<256x128xf32, #tpu.memory_space<hbm>>
      tpu.enqueue_dma source(%arg7 : memref<256x128xf32, #tpu.memory_space<vmem>>) target(%dma_start3A_162 : memref<256x128xf32, #tpu.memory_space<hbm>>) target_semaphore(%run_scoped3A : memref<!tpu.dma_semaphore, #tpu.memory_space<semaphore_mem>>)
      %dma_wait3A_163 = arith.constant 0 : i32
      %dma_wait3A_164 = tpu.memref_slice %arg4[%add3A_93, %dma_wait3A_163] : memref<131072x128xf32, #tpu.memory_space<hbm>> -> memref<256x128xf32, #tpu.memory_space<hbm>>
      %dma_wait3A_165 = arith.constant 0 : i32
      %dma_wait3A_166 = tpu.memref_slice %arg4[%add3A_93, %dma_wait3A_165] : memref<131072x128xf32, #tpu.memory_space<hbm>> -> memref<256x128xf32, #tpu.memory_space<hbm>>
      tpu.wait_dma2 semaphore(%run_scoped3A : memref<!tpu.dma_semaphore, #tpu.memory_space<semaphore_mem>>) src(%arg7 : memref<256x128xf32, #tpu.memory_space<vmem>>) dst(%dma_wait3A_166 : memref<256x128xf32, #tpu.memory_space<hbm>>)
      tpu.yield
    }) : () -> ()
    %add3A_94 = arith.constant 2560 : i32
    %add3A_95 = arith.addi %mul3A_2, %add3A_94 : i32
    "tpu.region"() ({
      %run_scoped3A = tpu.sem_alloc : memref<!tpu.dma_semaphore, #tpu.memory_space<semaphore_mem>>
      %dma_start3A_159 = tpu.memref_slice %arg3[%add3A_95] : memref<131072xi32, #tpu.memory_space<hbm>> -> memref<256xi32, #tpu.memory_space<hbm>>
      %dma_start3A_160 = tpu.memref_slice %arg3[%add3A_95] : memref<131072xi32, #tpu.memory_space<hbm>> -> memref<256xi32, #tpu.memory_space<hbm>>
      tpu.enqueue_dma source(%dma_start3A_160 : memref<256xi32, #tpu.memory_space<hbm>>) target(%arg5 : memref<256xi32, #tpu.memory_space<vmem>>) target_semaphore(%run_scoped3A : memref<!tpu.dma_semaphore, #tpu.memory_space<semaphore_mem>>)
      %dma_wait3A_161 = tpu.memref_slice %arg3[%add3A_95] : memref<131072xi32, #tpu.memory_space<hbm>> -> memref<256xi32, #tpu.memory_space<hbm>>
      %dma_wait3A_162 = tpu.memref_slice %arg3[%add3A_95] : memref<131072xi32, #tpu.memory_space<hbm>> -> memref<256xi32, #tpu.memory_space<hbm>>
      tpu.wait_dma2 semaphore(%run_scoped3A : memref<!tpu.dma_semaphore, #tpu.memory_space<semaphore_mem>>) src(%dma_wait3A_162 : memref<256xi32, #tpu.memory_space<hbm>>) dst(%arg5 : memref<256xi32, #tpu.memory_space<vmem>>)
      tpu.yield
    }) : () -> ()
    %dma_start3A_96 = arith.constant 0 : i32
    %dma_start3A_97 = arith.constant 0 : i32
    %dma_start3A_98 = tpu.memref_slice %arg2[%dma_start3A_96, %dma_start3A_97] : memref<16384x128xf32, #tpu.memory_space<hbm>> -> memref<16384x128xf32, #tpu.memory_space<hbm>>
    tpu.enqueue_indirect_dma source(%dma_start3A_98 : memref<16384x128xf32, #tpu.memory_space<hbm>>) target(%arg7 : memref<256x128xf32, #tpu.memory_space<vmem>>) offsets(%arg5 : memref<256xi32, #tpu.memory_space<vmem>>) semaphore(%arg9 : memref<!tpu.dma_semaphore, #tpu.memory_space<semaphore_mem>>)
    %dma_wait3A_99 = arith.constant 0 : i32
    %dma_wait3A_100 = arith.constant 0 : i32
    %dma_wait3A_101 = tpu.memref_slice %arg2[%dma_wait3A_99, %dma_wait3A_100] : memref<16384x128xf32, #tpu.memory_space<hbm>> -> memref<16384x128xf32, #tpu.memory_space<hbm>>
    tpu.wait_indirect_dma semaphore(%arg10 : memref<!tpu.dma_semaphore, #tpu.memory_space<semaphore_mem>>) src(%dma_wait3A_101 : memref<16384x128xf32, #tpu.memory_space<hbm>>) dst(%arg8 : memref<256x128xf32, #tpu.memory_space<vmem>>)
    %add3A_102 = arith.constant 2304 : i32
    %add3A_103 = arith.addi %mul3A_2, %add3A_102 : i32
    "tpu.region"() ({
      %run_scoped3A = tpu.sem_alloc : memref<!tpu.dma_semaphore, #tpu.memory_space<semaphore_mem>>
      %dma_start3A_159 = arith.constant 0 : i32
      %dma_start3A_160 = tpu.memref_slice %arg4[%add3A_103, %dma_start3A_159] : memref<131072x128xf32, #tpu.memory_space<hbm>> -> memref<256x128xf32, #tpu.memory_space<hbm>>
      %dma_start3A_161 = arith.constant 0 : i32
      %dma_start3A_162 = tpu.memref_slice %arg4[%add3A_103, %dma_start3A_161] : memref<131072x128xf32, #tpu.memory_space<hbm>> -> memref<256x128xf32, #tpu.memory_space<hbm>>
      tpu.enqueue_dma source(%arg8 : memref<256x128xf32, #tpu.memory_space<vmem>>) target(%dma_start3A_162 : memref<256x128xf32, #tpu.memory_space<hbm>>) target_semaphore(%run_scoped3A : memref<!tpu.dma_semaphore, #tpu.memory_space<semaphore_mem>>)
      %dma_wait3A_163 = arith.constant 0 : i32
      %dma_wait3A_164 = tpu.memref_slice %arg4[%add3A_103, %dma_wait3A_163] : memref<131072x128xf32, #tpu.memory_space<hbm>> -> memref<256x128xf32, #tpu.memory_space<hbm>>
      %dma_wait3A_165 = arith.constant 0 : i32
      %dma_wait3A_166 = tpu.memref_slice %arg4[%add3A_103, %dma_wait3A_165] : memref<131072x128xf32, #tpu.memory_space<hbm>> -> memref<256x128xf32, #tpu.memory_space<hbm>>
      tpu.wait_dma2 semaphore(%run_scoped3A : memref<!tpu.dma_semaphore, #tpu.memory_space<semaphore_mem>>) src(%arg8 : memref<256x128xf32, #tpu.memory_space<vmem>>) dst(%dma_wait3A_166 : memref<256x128xf32, #tpu.memory_space<hbm>>)
      tpu.yield
    }) : () -> ()
    %add3A_104 = arith.constant 2816 : i32
    %add3A_105 = arith.addi %mul3A_2, %add3A_104 : i32
    "tpu.region"() ({
      %run_scoped3A = tpu.sem_alloc : memref<!tpu.dma_semaphore, #tpu.memory_space<semaphore_mem>>
      %dma_start3A_159 = tpu.memref_slice %arg3[%add3A_105] : memref<131072xi32, #tpu.memory_space<hbm>> -> memref<256xi32, #tpu.memory_space<hbm>>
      %dma_start3A_160 = tpu.memref_slice %arg3[%add3A_105] : memref<131072xi32, #tpu.memory_space<hbm>> -> memref<256xi32, #tpu.memory_space<hbm>>
      tpu.enqueue_dma source(%dma_start3A_160 : memref<256xi32, #tpu.memory_space<hbm>>) target(%arg6 : memref<256xi32, #tpu.memory_space<vmem>>) target_semaphore(%run_scoped3A : memref<!tpu.dma_semaphore, #tpu.memory_space<semaphore_mem>>)
      %dma_wait3A_161 = tpu.memref_slice %arg3[%add3A_105] : memref<131072xi32, #tpu.memory_space<hbm>> -> memref<256xi32, #tpu.memory_space<hbm>>
      %dma_wait3A_162 = tpu.memref_slice %arg3[%add3A_105] : memref<131072xi32, #tpu.memory_space<hbm>> -> memref<256xi32, #tpu.memory_space<hbm>>
      tpu.wait_dma2 semaphore(%run_scoped3A : memref<!tpu.dma_semaphore, #tpu.memory_space<semaphore_mem>>) src(%dma_wait3A_162 : memref<256xi32, #tpu.memory_space<hbm>>) dst(%arg6 : memref<256xi32, #tpu.memory_space<vmem>>)
      tpu.yield
    }) : () -> ()
    %dma_start3A_106 = arith.constant 0 : i32
    %dma_start3A_107 = arith.constant 0 : i32
    %dma_start3A_108 = tpu.memref_slice %arg2[%dma_start3A_106, %dma_start3A_107] : memref<16384x128xf32, #tpu.memory_space<hbm>> -> memref<16384x128xf32, #tpu.memory_space<hbm>>
    tpu.enqueue_indirect_dma source(%dma_start3A_108 : memref<16384x128xf32, #tpu.memory_space<hbm>>) target(%arg8 : memref<256x128xf32, #tpu.memory_space<vmem>>) offsets(%arg6 : memref<256xi32, #tpu.memory_space<vmem>>) semaphore(%arg10 : memref<!tpu.dma_semaphore, #tpu.memory_space<semaphore_mem>>)
    %dma_wait3A_109 = arith.constant 0 : i32
    %dma_wait3A_110 = arith.constant 0 : i32
    %dma_wait3A_111 = tpu.memref_slice %arg2[%dma_wait3A_109, %dma_wait3A_110] : memref<16384x128xf32, #tpu.memory_space<hbm>> -> memref<16384x128xf32, #tpu.memory_space<hbm>>
    tpu.wait_indirect_dma semaphore(%arg9 : memref<!tpu.dma_semaphore, #tpu.memory_space<semaphore_mem>>) src(%dma_wait3A_111 : memref<16384x128xf32, #tpu.memory_space<hbm>>) dst(%arg7 : memref<256x128xf32, #tpu.memory_space<vmem>>)
    %add3A_112 = arith.constant 2560 : i32
    %add3A_113 = arith.addi %mul3A_2, %add3A_112 : i32
    "tpu.region"() ({
      %run_scoped3A = tpu.sem_alloc : memref<!tpu.dma_semaphore, #tpu.memory_space<semaphore_mem>>
      %dma_start3A_159 = arith.constant 0 : i32
      %dma_start3A_160 = tpu.memref_slice %arg4[%add3A_113, %dma_start3A_159] : memref<131072x128xf32, #tpu.memory_space<hbm>> -> memref<256x128xf32, #tpu.memory_space<hbm>>
      %dma_start3A_161 = arith.constant 0 : i32
      %dma_start3A_162 = tpu.memref_slice %arg4[%add3A_113, %dma_start3A_161] : memref<131072x128xf32, #tpu.memory_space<hbm>> -> memref<256x128xf32, #tpu.memory_space<hbm>>
      tpu.enqueue_dma source(%arg7 : memref<256x128xf32, #tpu.memory_space<vmem>>) target(%dma_start3A_162 : memref<256x128xf32, #tpu.memory_space<hbm>>) target_semaphore(%run_scoped3A : memref<!tpu.dma_semaphore, #tpu.memory_space<semaphore_mem>>)
      %dma_wait3A_163 = arith.constant 0 : i32
      %dma_wait3A_164 = tpu.memref_slice %arg4[%add3A_113, %dma_wait3A_163] : memref<131072x128xf32, #tpu.memory_space<hbm>> -> memref<256x128xf32, #tpu.memory_space<hbm>>
      %dma_wait3A_165 = arith.constant 0 : i32
      %dma_wait3A_166 = tpu.memref_slice %arg4[%add3A_113, %dma_wait3A_165] : memref<131072x128xf32, #tpu.memory_space<hbm>> -> memref<256x128xf32, #tpu.memory_space<hbm>>
      tpu.wait_dma2 semaphore(%run_scoped3A : memref<!tpu.dma_semaphore, #tpu.memory_space<semaphore_mem>>) src(%arg7 : memref<256x128xf32, #tpu.memory_space<vmem>>) dst(%dma_wait3A_166 : memref<256x128xf32, #tpu.memory_space<hbm>>)
      tpu.yield
    }) : () -> ()
    %add3A_114 = arith.constant 3072 : i32
    %add3A_115 = arith.addi %mul3A_2, %add3A_114 : i32
    "tpu.region"() ({
      %run_scoped3A = tpu.sem_alloc : memref<!tpu.dma_semaphore, #tpu.memory_space<semaphore_mem>>
      %dma_start3A_159 = tpu.memref_slice %arg3[%add3A_115] : memref<131072xi32, #tpu.memory_space<hbm>> -> memref<256xi32, #tpu.memory_space<hbm>>
      %dma_start3A_160 = tpu.memref_slice %arg3[%add3A_115] : memref<131072xi32, #tpu.memory_space<hbm>> -> memref<256xi32, #tpu.memory_space<hbm>>
      tpu.enqueue_dma source(%dma_start3A_160 : memref<256xi32, #tpu.memory_space<hbm>>) target(%arg5 : memref<256xi32, #tpu.memory_space<vmem>>) target_semaphore(%run_scoped3A : memref<!tpu.dma_semaphore, #tpu.memory_space<semaphore_mem>>)
      %dma_wait3A_161 = tpu.memref_slice %arg3[%add3A_115] : memref<131072xi32, #tpu.memory_space<hbm>> -> memref<256xi32, #tpu.memory_space<hbm>>
      %dma_wait3A_162 = tpu.memref_slice %arg3[%add3A_115] : memref<131072xi32, #tpu.memory_space<hbm>> -> memref<256xi32, #tpu.memory_space<hbm>>
      tpu.wait_dma2 semaphore(%run_scoped3A : memref<!tpu.dma_semaphore, #tpu.memory_space<semaphore_mem>>) src(%dma_wait3A_162 : memref<256xi32, #tpu.memory_space<hbm>>) dst(%arg5 : memref<256xi32, #tpu.memory_space<vmem>>)
      tpu.yield
    }) : () -> ()
    %dma_start3A_116 = arith.constant 0 : i32
    %dma_start3A_117 = arith.constant 0 : i32
    %dma_start3A_118 = tpu.memref_slice %arg2[%dma_start3A_116, %dma_start3A_117] : memref<16384x128xf32, #tpu.memory_space<hbm>> -> memref<16384x128xf32, #tpu.memory_space<hbm>>
    tpu.enqueue_indirect_dma source(%dma_start3A_118 : memref<16384x128xf32, #tpu.memory_space<hbm>>) target(%arg7 : memref<256x128xf32, #tpu.memory_space<vmem>>) offsets(%arg5 : memref<256xi32, #tpu.memory_space<vmem>>) semaphore(%arg9 : memref<!tpu.dma_semaphore, #tpu.memory_space<semaphore_mem>>)
    %dma_wait3A_119 = arith.constant 0 : i32
    %dma_wait3A_120 = arith.constant 0 : i32
    %dma_wait3A_121 = tpu.memref_slice %arg2[%dma_wait3A_119, %dma_wait3A_120] : memref<16384x128xf32, #tpu.memory_space<hbm>> -> memref<16384x128xf32, #tpu.memory_space<hbm>>
    tpu.wait_indirect_dma semaphore(%arg10 : memref<!tpu.dma_semaphore, #tpu.memory_space<semaphore_mem>>) src(%dma_wait3A_121 : memref<16384x128xf32, #tpu.memory_space<hbm>>) dst(%arg8 : memref<256x128xf32, #tpu.memory_space<vmem>>)
    %add3A_122 = arith.constant 2816 : i32
    %add3A_123 = arith.addi %mul3A_2, %add3A_122 : i32
    "tpu.region"() ({
      %run_scoped3A = tpu.sem_alloc : memref<!tpu.dma_semaphore, #tpu.memory_space<semaphore_mem>>
      %dma_start3A_159 = arith.constant 0 : i32
      %dma_start3A_160 = tpu.memref_slice %arg4[%add3A_123, %dma_start3A_159] : memref<131072x128xf32, #tpu.memory_space<hbm>> -> memref<256x128xf32, #tpu.memory_space<hbm>>
      %dma_start3A_161 = arith.constant 0 : i32
      %dma_start3A_162 = tpu.memref_slice %arg4[%add3A_123, %dma_start3A_161] : memref<131072x128xf32, #tpu.memory_space<hbm>> -> memref<256x128xf32, #tpu.memory_space<hbm>>
      tpu.enqueue_dma source(%arg8 : memref<256x128xf32, #tpu.memory_space<vmem>>) target(%dma_start3A_162 : memref<256x128xf32, #tpu.memory_space<hbm>>) target_semaphore(%run_scoped3A : memref<!tpu.dma_semaphore, #tpu.memory_space<semaphore_mem>>)
      %dma_wait3A_163 = arith.constant 0 : i32
      %dma_wait3A_164 = tpu.memref_slice %arg4[%add3A_123, %dma_wait3A_163] : memref<131072x128xf32, #tpu.memory_space<hbm>> -> memref<256x128xf32, #tpu.memory_space<hbm>>
      %dma_wait3A_165 = arith.constant 0 : i32
      %dma_wait3A_166 = tpu.memref_slice %arg4[%add3A_123, %dma_wait3A_165] : memref<131072x128xf32, #tpu.memory_space<hbm>> -> memref<256x128xf32, #tpu.memory_space<hbm>>
      tpu.wait_dma2 semaphore(%run_scoped3A : memref<!tpu.dma_semaphore, #tpu.memory_space<semaphore_mem>>) src(%arg8 : memref<256x128xf32, #tpu.memory_space<vmem>>) dst(%dma_wait3A_166 : memref<256x128xf32, #tpu.memory_space<hbm>>)
      tpu.yield
    }) : () -> ()
    %add3A_124 = arith.constant 3328 : i32
    %add3A_125 = arith.addi %mul3A_2, %add3A_124 : i32
    "tpu.region"() ({
      %run_scoped3A = tpu.sem_alloc : memref<!tpu.dma_semaphore, #tpu.memory_space<semaphore_mem>>
      %dma_start3A_159 = tpu.memref_slice %arg3[%add3A_125] : memref<131072xi32, #tpu.memory_space<hbm>> -> memref<256xi32, #tpu.memory_space<hbm>>
      %dma_start3A_160 = tpu.memref_slice %arg3[%add3A_125] : memref<131072xi32, #tpu.memory_space<hbm>> -> memref<256xi32, #tpu.memory_space<hbm>>
      tpu.enqueue_dma source(%dma_start3A_160 : memref<256xi32, #tpu.memory_space<hbm>>) target(%arg6 : memref<256xi32, #tpu.memory_space<vmem>>) target_semaphore(%run_scoped3A : memref<!tpu.dma_semaphore, #tpu.memory_space<semaphore_mem>>)
      %dma_wait3A_161 = tpu.memref_slice %arg3[%add3A_125] : memref<131072xi32, #tpu.memory_space<hbm>> -> memref<256xi32, #tpu.memory_space<hbm>>
      %dma_wait3A_162 = tpu.memref_slice %arg3[%add3A_125] : memref<131072xi32, #tpu.memory_space<hbm>> -> memref<256xi32, #tpu.memory_space<hbm>>
      tpu.wait_dma2 semaphore(%run_scoped3A : memref<!tpu.dma_semaphore, #tpu.memory_space<semaphore_mem>>) src(%dma_wait3A_162 : memref<256xi32, #tpu.memory_space<hbm>>) dst(%arg6 : memref<256xi32, #tpu.memory_space<vmem>>)
      tpu.yield
    }) : () -> ()
    %dma_start3A_126 = arith.constant 0 : i32
    %dma_start3A_127 = arith.constant 0 : i32
    %dma_start3A_128 = tpu.memref_slice %arg2[%dma_start3A_126, %dma_start3A_127] : memref<16384x128xf32, #tpu.memory_space<hbm>> -> memref<16384x128xf32, #tpu.memory_space<hbm>>
    tpu.enqueue_indirect_dma source(%dma_start3A_128 : memref<16384x128xf32, #tpu.memory_space<hbm>>) target(%arg8 : memref<256x128xf32, #tpu.memory_space<vmem>>) offsets(%arg6 : memref<256xi32, #tpu.memory_space<vmem>>) semaphore(%arg10 : memref<!tpu.dma_semaphore, #tpu.memory_space<semaphore_mem>>)
    %dma_wait3A_129 = arith.constant 0 : i32
    %dma_wait3A_130 = arith.constant 0 : i32
    %dma_wait3A_131 = tpu.memref_slice %arg2[%dma_wait3A_129, %dma_wait3A_130] : memref<16384x128xf32, #tpu.memory_space<hbm>> -> memref<16384x128xf32, #tpu.memory_space<hbm>>
    tpu.wait_indirect_dma semaphore(%arg9 : memref<!tpu.dma_semaphore, #tpu.memory_space<semaphore_mem>>) src(%dma_wait3A_131 : memref<16384x128xf32, #tpu.memory_space<hbm>>) dst(%arg7 : memref<256x128xf32, #tpu.memory_space<vmem>>)
    %add3A_132 = arith.constant 3072 : i32
    %add3A_133 = arith.addi %mul3A_2, %add3A_132 : i32
    "tpu.region"() ({
      %run_scoped3A = tpu.sem_alloc : memref<!tpu.dma_semaphore, #tpu.memory_space<semaphore_mem>>
      %dma_start3A_159 = arith.constant 0 : i32
      %dma_start3A_160 = tpu.memref_slice %arg4[%add3A_133, %dma_start3A_159] : memref<131072x128xf32, #tpu.memory_space<hbm>> -> memref<256x128xf32, #tpu.memory_space<hbm>>
      %dma_start3A_161 = arith.constant 0 : i32
      %dma_start3A_162 = tpu.memref_slice %arg4[%add3A_133, %dma_start3A_161] : memref<131072x128xf32, #tpu.memory_space<hbm>> -> memref<256x128xf32, #tpu.memory_space<hbm>>
      tpu.enqueue_dma source(%arg7 : memref<256x128xf32, #tpu.memory_space<vmem>>) target(%dma_start3A_162 : memref<256x128xf32, #tpu.memory_space<hbm>>) target_semaphore(%run_scoped3A : memref<!tpu.dma_semaphore, #tpu.memory_space<semaphore_mem>>)
      %dma_wait3A_163 = arith.constant 0 : i32
      %dma_wait3A_164 = tpu.memref_slice %arg4[%add3A_133, %dma_wait3A_163] : memref<131072x128xf32, #tpu.memory_space<hbm>> -> memref<256x128xf32, #tpu.memory_space<hbm>>
      %dma_wait3A_165 = arith.constant 0 : i32
      %dma_wait3A_166 = tpu.memref_slice %arg4[%add3A_133, %dma_wait3A_165] : memref<131072x128xf32, #tpu.memory_space<hbm>> -> memref<256x128xf32, #tpu.memory_space<hbm>>
      tpu.wait_dma2 semaphore(%run_scoped3A : memref<!tpu.dma_semaphore, #tpu.memory_space<semaphore_mem>>) src(%arg7 : memref<256x128xf32, #tpu.memory_space<vmem>>) dst(%dma_wait3A_166 : memref<256x128xf32, #tpu.memory_space<hbm>>)
      tpu.yield
    }) : () -> ()
    %add3A_134 = arith.constant 3584 : i32
    %add3A_135 = arith.addi %mul3A_2, %add3A_134 : i32
    "tpu.region"() ({
      %run_scoped3A = tpu.sem_alloc : memref<!tpu.dma_semaphore, #tpu.memory_space<semaphore_mem>>
      %dma_start3A_159 = tpu.memref_slice %arg3[%add3A_135] : memref<131072xi32, #tpu.memory_space<hbm>> -> memref<256xi32, #tpu.memory_space<hbm>>
      %dma_start3A_160 = tpu.memref_slice %arg3[%add3A_135] : memref<131072xi32, #tpu.memory_space<hbm>> -> memref<256xi32, #tpu.memory_space<hbm>>
      tpu.enqueue_dma source(%dma_start3A_160 : memref<256xi32, #tpu.memory_space<hbm>>) target(%arg5 : memref<256xi32, #tpu.memory_space<vmem>>) target_semaphore(%run_scoped3A : memref<!tpu.dma_semaphore, #tpu.memory_space<semaphore_mem>>)
      %dma_wait3A_161 = tpu.memref_slice %arg3[%add3A_135] : memref<131072xi32, #tpu.memory_space<hbm>> -> memref<256xi32, #tpu.memory_space<hbm>>
      %dma_wait3A_162 = tpu.memref_slice %arg3[%add3A_135] : memref<131072xi32, #tpu.memory_space<hbm>> -> memref<256xi32, #tpu.memory_space<hbm>>
      tpu.wait_dma2 semaphore(%run_scoped3A : memref<!tpu.dma_semaphore, #tpu.memory_space<semaphore_mem>>) src(%dma_wait3A_162 : memref<256xi32, #tpu.memory_space<hbm>>) dst(%arg5 : memref<256xi32, #tpu.memory_space<vmem>>)
      tpu.yield
    }) : () -> ()
    %dma_start3A_136 = arith.constant 0 : i32
    %dma_start3A_137 = arith.constant 0 : i32
    %dma_start3A_138 = tpu.memref_slice %arg2[%dma_start3A_136, %dma_start3A_137] : memref<16384x128xf32, #tpu.memory_space<hbm>> -> memref<16384x128xf32, #tpu.memory_space<hbm>>
    tpu.enqueue_indirect_dma source(%dma_start3A_138 : memref<16384x128xf32, #tpu.memory_space<hbm>>) target(%arg7 : memref<256x128xf32, #tpu.memory_space<vmem>>) offsets(%arg5 : memref<256xi32, #tpu.memory_space<vmem>>) semaphore(%arg9 : memref<!tpu.dma_semaphore, #tpu.memory_space<semaphore_mem>>)
    %dma_wait3A_139 = arith.constant 0 : i32
    %dma_wait3A_140 = arith.constant 0 : i32
    %dma_wait3A_141 = tpu.memref_slice %arg2[%dma_wait3A_139, %dma_wait3A_140] : memref<16384x128xf32, #tpu.memory_space<hbm>> -> memref<16384x128xf32, #tpu.memory_space<hbm>>
    tpu.wait_indirect_dma semaphore(%arg10 : memref<!tpu.dma_semaphore, #tpu.memory_space<semaphore_mem>>) src(%dma_wait3A_141 : memref<16384x128xf32, #tpu.memory_space<hbm>>) dst(%arg8 : memref<256x128xf32, #tpu.memory_space<vmem>>)
    %add3A_142 = arith.constant 3328 : i32
    %add3A_143 = arith.addi %mul3A_2, %add3A_142 : i32
    "tpu.region"() ({
      %run_scoped3A = tpu.sem_alloc : memref<!tpu.dma_semaphore, #tpu.memory_space<semaphore_mem>>
      %dma_start3A_159 = arith.constant 0 : i32
      %dma_start3A_160 = tpu.memref_slice %arg4[%add3A_143, %dma_start3A_159] : memref<131072x128xf32, #tpu.memory_space<hbm>> -> memref<256x128xf32, #tpu.memory_space<hbm>>
      %dma_start3A_161 = arith.constant 0 : i32
      %dma_start3A_162 = tpu.memref_slice %arg4[%add3A_143, %dma_start3A_161] : memref<131072x128xf32, #tpu.memory_space<hbm>> -> memref<256x128xf32, #tpu.memory_space<hbm>>
      tpu.enqueue_dma source(%arg8 : memref<256x128xf32, #tpu.memory_space<vmem>>) target(%dma_start3A_162 : memref<256x128xf32, #tpu.memory_space<hbm>>) target_semaphore(%run_scoped3A : memref<!tpu.dma_semaphore, #tpu.memory_space<semaphore_mem>>)
      %dma_wait3A_163 = arith.constant 0 : i32
      %dma_wait3A_164 = tpu.memref_slice %arg4[%add3A_143, %dma_wait3A_163] : memref<131072x128xf32, #tpu.memory_space<hbm>> -> memref<256x128xf32, #tpu.memory_space<hbm>>
      %dma_wait3A_165 = arith.constant 0 : i32
      %dma_wait3A_166 = tpu.memref_slice %arg4[%add3A_143, %dma_wait3A_165] : memref<131072x128xf32, #tpu.memory_space<hbm>> -> memref<256x128xf32, #tpu.memory_space<hbm>>
      tpu.wait_dma2 semaphore(%run_scoped3A : memref<!tpu.dma_semaphore, #tpu.memory_space<semaphore_mem>>) src(%arg8 : memref<256x128xf32, #tpu.memory_space<vmem>>) dst(%dma_wait3A_166 : memref<256x128xf32, #tpu.memory_space<hbm>>)
      tpu.yield
    }) : () -> ()
    %add3A_144 = arith.constant 3840 : i32
    %add3A_145 = arith.addi %mul3A_2, %add3A_144 : i32
    "tpu.region"() ({
      %run_scoped3A = tpu.sem_alloc : memref<!tpu.dma_semaphore, #tpu.memory_space<semaphore_mem>>
      %dma_start3A_159 = tpu.memref_slice %arg3[%add3A_145] : memref<131072xi32, #tpu.memory_space<hbm>> -> memref<256xi32, #tpu.memory_space<hbm>>
      %dma_start3A_160 = tpu.memref_slice %arg3[%add3A_145] : memref<131072xi32, #tpu.memory_space<hbm>> -> memref<256xi32, #tpu.memory_space<hbm>>
      tpu.enqueue_dma source(%dma_start3A_160 : memref<256xi32, #tpu.memory_space<hbm>>) target(%arg6 : memref<256xi32, #tpu.memory_space<vmem>>) target_semaphore(%run_scoped3A : memref<!tpu.dma_semaphore, #tpu.memory_space<semaphore_mem>>)
      %dma_wait3A_161 = tpu.memref_slice %arg3[%add3A_145] : memref<131072xi32, #tpu.memory_space<hbm>> -> memref<256xi32, #tpu.memory_space<hbm>>
      %dma_wait3A_162 = tpu.memref_slice %arg3[%add3A_145] : memref<131072xi32, #tpu.memory_space<hbm>> -> memref<256xi32, #tpu.memory_space<hbm>>
      tpu.wait_dma2 semaphore(%run_scoped3A : memref<!tpu.dma_semaphore, #tpu.memory_space<semaphore_mem>>) src(%dma_wait3A_162 : memref<256xi32, #tpu.memory_space<hbm>>) dst(%arg6 : memref<256xi32, #tpu.memory_space<vmem>>)
      tpu.yield
    }) : () -> ()
    %dma_start3A_146 = arith.constant 0 : i32
    %dma_start3A_147 = arith.constant 0 : i32
    %dma_start3A_148 = tpu.memref_slice %arg2[%dma_start3A_146, %dma_start3A_147] : memref<16384x128xf32, #tpu.memory_space<hbm>> -> memref<16384x128xf32, #tpu.memory_space<hbm>>
    tpu.enqueue_indirect_dma source(%dma_start3A_148 : memref<16384x128xf32, #tpu.memory_space<hbm>>) target(%arg8 : memref<256x128xf32, #tpu.memory_space<vmem>>) offsets(%arg6 : memref<256xi32, #tpu.memory_space<vmem>>) semaphore(%arg10 : memref<!tpu.dma_semaphore, #tpu.memory_space<semaphore_mem>>)
    %dma_wait3A_149 = arith.constant 0 : i32
    %dma_wait3A_150 = arith.constant 0 : i32
    %dma_wait3A_151 = tpu.memref_slice %arg2[%dma_wait3A_149, %dma_wait3A_150] : memref<16384x128xf32, #tpu.memory_space<hbm>> -> memref<16384x128xf32, #tpu.memory_space<hbm>>
    tpu.wait_indirect_dma semaphore(%arg9 : memref<!tpu.dma_semaphore, #tpu.memory_space<semaphore_mem>>) src(%dma_wait3A_151 : memref<16384x128xf32, #tpu.memory_space<hbm>>) dst(%arg7 : memref<256x128xf32, #tpu.memory_space<vmem>>)
    %add3A_152 = arith.constant 3584 : i32
    %add3A_153 = arith.addi %mul3A_2, %add3A_152 : i32
    "tpu.region"() ({
      %run_scoped3A = tpu.sem_alloc : memref<!tpu.dma_semaphore, #tpu.memory_space<semaphore_mem>>
      %dma_start3A_159 = arith.constant 0 : i32
      %dma_start3A_160 = tpu.memref_slice %arg4[%add3A_153, %dma_start3A_159] : memref<131072x128xf32, #tpu.memory_space<hbm>> -> memref<256x128xf32, #tpu.memory_space<hbm>>
      %dma_start3A_161 = arith.constant 0 : i32
      %dma_start3A_162 = tpu.memref_slice %arg4[%add3A_153, %dma_start3A_161] : memref<131072x128xf32, #tpu.memory_space<hbm>> -> memref<256x128xf32, #tpu.memory_space<hbm>>
      tpu.enqueue_dma source(%arg7 : memref<256x128xf32, #tpu.memory_space<vmem>>) target(%dma_start3A_162 : memref<256x128xf32, #tpu.memory_space<hbm>>) target_semaphore(%run_scoped3A : memref<!tpu.dma_semaphore, #tpu.memory_space<semaphore_mem>>)
      %dma_wait3A_163 = arith.constant 0 : i32
      %dma_wait3A_164 = tpu.memref_slice %arg4[%add3A_153, %dma_wait3A_163] : memref<131072x128xf32, #tpu.memory_space<hbm>> -> memref<256x128xf32, #tpu.memory_space<hbm>>
      %dma_wait3A_165 = arith.constant 0 : i32
      %dma_wait3A_166 = tpu.memref_slice %arg4[%add3A_153, %dma_wait3A_165] : memref<131072x128xf32, #tpu.memory_space<hbm>> -> memref<256x128xf32, #tpu.memory_space<hbm>>
      tpu.wait_dma2 semaphore(%run_scoped3A : memref<!tpu.dma_semaphore, #tpu.memory_space<semaphore_mem>>) src(%arg7 : memref<256x128xf32, #tpu.memory_space<vmem>>) dst(%dma_wait3A_166 : memref<256x128xf32, #tpu.memory_space<hbm>>)
      tpu.yield
    }) : () -> ()
    %dma_wait3A_154 = arith.constant 0 : i32
    %dma_wait3A_155 = arith.constant 0 : i32
    %dma_wait3A_156 = tpu.memref_slice %arg2[%dma_wait3A_154, %dma_wait3A_155] : memref<16384x128xf32, #tpu.memory_space<hbm>> -> memref<16384x128xf32, #tpu.memory_space<hbm>>
    tpu.wait_indirect_dma semaphore(%arg10 : memref<!tpu.dma_semaphore, #tpu.memory_space<semaphore_mem>>) src(%dma_wait3A_156 : memref<16384x128xf32, #tpu.memory_space<hbm>>) dst(%arg8 : memref<256x128xf32, #tpu.memory_space<vmem>>)
    %add3A_157 = arith.constant 3840 : i32
    %add3A_158 = arith.addi %mul3A_2, %add3A_157 : i32
    "tpu.region"() ({
      %run_scoped3A = tpu.sem_alloc : memref<!tpu.dma_semaphore, #tpu.memory_space<semaphore_mem>>
      %dma_start3A_159 = arith.constant 0 : i32
      %dma_start3A_160 = tpu.memref_slice %arg4[%add3A_158, %dma_start3A_159] : memref<131072x128xf32, #tpu.memory_space<hbm>> -> memref<256x128xf32, #tpu.memory_space<hbm>>
      %dma_start3A_161 = arith.constant 0 : i32
      %dma_start3A_162 = tpu.memref_slice %arg4[%add3A_158, %dma_start3A_161] : memref<131072x128xf32, #tpu.memory_space<hbm>> -> memref<256x128xf32, #tpu.memory_space<hbm>>
      tpu.enqueue_dma source(%arg8 : memref<256x128xf32, #tpu.memory_space<vmem>>) target(%dma_start3A_162 : memref<256x128xf32, #tpu.memory_space<hbm>>) target_semaphore(%run_scoped3A : memref<!tpu.dma_semaphore, #tpu.memory_space<semaphore_mem>>)
      %dma_wait3A_163 = arith.constant 0 : i32
      %dma_wait3A_164 = tpu.memref_slice %arg4[%add3A_158, %dma_wait3A_163] : memref<131072x128xf32, #tpu.memory_space<hbm>> -> memref<256x128xf32, #tpu.memory_space<hbm>>
      %dma_wait3A_165 = arith.constant 0 : i32
      %dma_wait3A_166 = tpu.memref_slice %arg4[%add3A_158, %dma_wait3A_165] : memref<131072x128xf32, #tpu.memory_space<hbm>> -> memref<256x128xf32, #tpu.memory_space<hbm>>
      tpu.wait_dma2 semaphore(%run_scoped3A : memref<!tpu.dma_semaphore, #tpu.memory_space<semaphore_mem>>) src(%arg8 : memref<256x128xf32, #tpu.memory_space<vmem>>) dst(%dma_wait3A_166 : memref<256x128xf32, #tpu.memory_space<hbm>>)
      tpu.yield
    }) : () -> ()
    return
  }
}

module attributes {stable_mosaic.version = 14 : i64} {
  func.func @_fps_body(%arg0: memref<8x2048xf32, #tpu.memory_space<vmem>>, %arg1: memref<8x2048xf32, #tpu.memory_space<vmem>>, %arg2: memref<8x2048xf32, #tpu.memory_space<vmem>>, %arg3: memref<8x1xi32, #tpu.memory_space<vmem>>, %arg4: memref<8x512xf32, #tpu.memory_space<vmem>>, %arg5: memref<8x512xf32, #tpu.memory_space<vmem>>, %arg6: memref<8x512xf32, #tpu.memory_space<vmem>>) attributes {dimension_semantics = [], scalar_prefetch = 0 : i64, scratch_operands = 0 : i64, tpu.core_type = #tpu.core_type<tc>} {
    %get3A = arith.constant 0 : index
    %get3A_0 = arith.constant 0 : index
    %get3A_1 = vector.load %arg0[%get3A, %get3A_0] : memref<8x2048xf32, #tpu.memory_space<vmem>>, vector<8x2048xf32>
    %get3A_2 = arith.constant 0 : index
    %get3A_3 = arith.constant 0 : index
    %get3A_4 = vector.load %arg1[%get3A_2, %get3A_3] : memref<8x2048xf32, #tpu.memory_space<vmem>>, vector<8x2048xf32>
    %get3A_5 = arith.constant 0 : index
    %get3A_6 = arith.constant 0 : index
    %get3A_7 = vector.load %arg2[%get3A_5, %get3A_6] : memref<8x2048xf32, #tpu.memory_space<vmem>>, vector<8x2048xf32>
    %iota3A = tpu.iota {dimensions = array<i32: 1>} : vector<8x2048xi32>
    %iota3A_8 = tpu.iota {dimensions = array<i32: 1>} : vector<8x512xi32>
    %get3A_9 = arith.constant 0 : index
    %get3A_10 = arith.constant 0 : index
    %get3A_11 = vector.load %arg3[%get3A_9, %get3A_10] : memref<8x1xi32, #tpu.memory_space<vmem>>, vector<8x1xi32>
    %eq3A = vector.broadcast %get3A_11 : vector<8x1xi32> to vector<8x2048xi32>
    %eq3A_12 = arith.cmpi eq, %iota3A, %eq3A : vector<8x2048xi32>
    %jit3A = arith.constant 0.000000e+00 : f32
    %broadcast_in_dim3A = vector.broadcast %jit3A : f32 to vector<8x2048xf32>
    %select_n3A = arith.select %eq3A_12, %get3A_1, %broadcast_in_dim3A : vector<8x2048xi1>, vector<8x2048xf32>
    %reduce_sum3A = arith.constant dense<0.000000e+00> : vector<8xf32>
    %reduce_sum3A_13 = vector.multi_reduction <add>, %select_n3A, %reduce_sum3A [1] : vector<8x2048xf32> to vector<8xf32>
    %broadcast_in_dim3A_14 = vector.shape_cast %reduce_sum3A_13 : vector<8xf32> to vector<8x1xf32>
    %jit3A_15 = arith.constant 0.000000e+00 : f32
    %broadcast_in_dim3A_16 = vector.broadcast %jit3A_15 : f32 to vector<8x2048xf32>
    %select_n3A_17 = arith.select %eq3A_12, %get3A_4, %broadcast_in_dim3A_16 : vector<8x2048xi1>, vector<8x2048xf32>
    %reduce_sum3A_18 = arith.constant dense<0.000000e+00> : vector<8xf32>
    %reduce_sum3A_19 = vector.multi_reduction <add>, %select_n3A_17, %reduce_sum3A_18 [1] : vector<8x2048xf32> to vector<8xf32>
    %broadcast_in_dim3A_20 = vector.shape_cast %reduce_sum3A_19 : vector<8xf32> to vector<8x1xf32>
    %jit3A_21 = arith.constant 0.000000e+00 : f32
    %broadcast_in_dim3A_22 = vector.broadcast %jit3A_21 : f32 to vector<8x2048xf32>
    %select_n3A_23 = arith.select %eq3A_12, %get3A_7, %broadcast_in_dim3A_22 : vector<8x2048xi1>, vector<8x2048xf32>
    %reduce_sum3A_24 = arith.constant dense<0.000000e+00> : vector<8xf32>
    %reduce_sum3A_25 = vector.multi_reduction <add>, %select_n3A_23, %reduce_sum3A_24 [1] : vector<8x2048xf32> to vector<8xf32>
    %broadcast_in_dim3A_26 = vector.shape_cast %reduce_sum3A_25 : vector<8xf32> to vector<8x1xf32>
    %broadcast_in_dim3A_27 = arith.constant 1.000000e+10 : f32
    %broadcast_in_dim3A_28 = vector.broadcast %broadcast_in_dim3A_27 : f32 to vector<8x2048xf32>
    %broadcast_in_dim3A_29 = arith.constant 0.000000e+00 : f32
    %broadcast_in_dim3A_30 = vector.broadcast %broadcast_in_dim3A_29 : f32 to vector<8x512xf32>
    %scan3A = arith.constant 0 : i32
    %scan3A_31 = arith.constant 512 : i32
    %scan3A_32 = arith.addi %scan3A, %scan3A_31 : i32
    %scan3A_33 = arith.constant 1 : i32
    %scan3A_34:7 = scf.for %scan3A_44 = %scan3A to %scan3A_32 step %scan3A_33 iter_args(%scan3A_45 = %broadcast_in_dim3A_28, %scan3A_46 = %broadcast_in_dim3A_14, %scan3A_47 = %broadcast_in_dim3A_20, %scan3A_48 = %broadcast_in_dim3A_26, %scan3A_49 = %broadcast_in_dim3A_30, %scan3A_50 = %broadcast_in_dim3A_30, %scan3A_51 = %broadcast_in_dim3A_30) -> (vector<8x2048xf32>, vector<8x1xf32>, vector<8x1xf32>, vector<8x1xf32>, vector<8x512xf32>, vector<8x512xf32>, vector<8x512xf32>)  : i32 {
      %eq3A_52 = vector.broadcast %scan3A_44 : i32 to vector<8x512xi32>
      %eq3A_53 = arith.cmpi eq, %iota3A_8, %eq3A_52 : vector<8x512xi32>
      %broadcast_in_dim3A_54 = vector.shape_cast %scan3A_46 : vector<8x1xf32> to vector<8x1xf32>
      %broadcast_in_dim3A_55 = vector.broadcast %broadcast_in_dim3A_54 : vector<8x1xf32> to vector<8x512xf32>
      %select_n3A_56 = arith.select %eq3A_53, %broadcast_in_dim3A_55, %scan3A_49 : vector<8x512xi1>, vector<8x512xf32>
      %eq3A_57 = vector.broadcast %scan3A_44 : i32 to vector<8x512xi32>
      %eq3A_58 = arith.cmpi eq, %iota3A_8, %eq3A_57 : vector<8x512xi32>
      %broadcast_in_dim3A_59 = vector.shape_cast %scan3A_47 : vector<8x1xf32> to vector<8x1xf32>
      %broadcast_in_dim3A_60 = vector.broadcast %broadcast_in_dim3A_59 : vector<8x1xf32> to vector<8x512xf32>
      %select_n3A_61 = arith.select %eq3A_58, %broadcast_in_dim3A_60, %scan3A_50 : vector<8x512xi1>, vector<8x512xf32>
      %eq3A_62 = vector.broadcast %scan3A_44 : i32 to vector<8x512xi32>
      %eq3A_63 = arith.cmpi eq, %iota3A_8, %eq3A_62 : vector<8x512xi32>
      %broadcast_in_dim3A_64 = vector.shape_cast %scan3A_48 : vector<8x1xf32> to vector<8x1xf32>
      %broadcast_in_dim3A_65 = vector.broadcast %broadcast_in_dim3A_64 : vector<8x1xf32> to vector<8x512xf32>
      %select_n3A_66 = arith.select %eq3A_63, %broadcast_in_dim3A_65, %scan3A_51 : vector<8x512xi1>, vector<8x512xf32>
      %sub3A = vector.broadcast %scan3A_46 : vector<8x1xf32> to vector<8x2048xf32>
      %sub3A_67 = arith.subf %get3A_1, %sub3A : vector<8x2048xf32>
      %sub3A_68 = vector.broadcast %scan3A_47 : vector<8x1xf32> to vector<8x2048xf32>
      %sub3A_69 = arith.subf %get3A_4, %sub3A_68 : vector<8x2048xf32>
      %sub3A_70 = vector.broadcast %scan3A_48 : vector<8x1xf32> to vector<8x2048xf32>
      %sub3A_71 = arith.subf %get3A_7, %sub3A_70 : vector<8x2048xf32>
      %mul3A = arith.mulf %sub3A_67, %sub3A_67 : vector<8x2048xf32>
      %mul3A_72 = arith.mulf %sub3A_69, %sub3A_69 : vector<8x2048xf32>
      %add3A = arith.addf %mul3A, %mul3A_72 : vector<8x2048xf32>
      %mul3A_73 = arith.mulf %sub3A_71, %sub3A_71 : vector<8x2048xf32>
      %add3A_74 = arith.addf %add3A, %mul3A_73 : vector<8x2048xf32>
      %min3A = arith.minimumf %scan3A_45, %add3A_74 : vector<8x2048xf32>
      %slice3A = vector.extract_strided_slice %min3A {offsets = [0, 1024], sizes = [8, 1024], strides = [1, 1]} : vector<8x2048xf32> to vector<8x1024xf32>
      %slice3A_75 = vector.extract_strided_slice %min3A {offsets = [0, 0], sizes = [8, 1024], strides = [1, 1]} : vector<8x2048xf32> to vector<8x1024xf32>
      %gt3A = arith.cmpf ogt, %slice3A, %slice3A_75 : vector<8x1024xf32>
      %slice3A_76 = vector.extract_strided_slice %min3A {offsets = [0, 1024], sizes = [8, 1024], strides = [1, 1]} : vector<8x2048xf32> to vector<8x1024xf32>
      %slice3A_77 = vector.extract_strided_slice %min3A {offsets = [0, 0], sizes = [8, 1024], strides = [1, 1]} : vector<8x2048xf32> to vector<8x1024xf32>
      %select_n3A_78 = arith.select %gt3A, %slice3A_76, %slice3A_77 : vector<8x1024xi1>, vector<8x1024xf32>
      %slice3A_79 = vector.extract_strided_slice %get3A_1 {offsets = [0, 1024], sizes = [8, 1024], strides = [1, 1]} : vector<8x2048xf32> to vector<8x1024xf32>
      %slice3A_80 = vector.extract_strided_slice %get3A_1 {offsets = [0, 0], sizes = [8, 1024], strides = [1, 1]} : vector<8x2048xf32> to vector<8x1024xf32>
      %select_n3A_81 = arith.select %gt3A, %slice3A_79, %slice3A_80 : vector<8x1024xi1>, vector<8x1024xf32>
      %slice3A_82 = vector.extract_strided_slice %get3A_4 {offsets = [0, 1024], sizes = [8, 1024], strides = [1, 1]} : vector<8x2048xf32> to vector<8x1024xf32>
      %slice3A_83 = vector.extract_strided_slice %get3A_4 {offsets = [0, 0], sizes = [8, 1024], strides = [1, 1]} : vector<8x2048xf32> to vector<8x1024xf32>
      %select_n3A_84 = arith.select %gt3A, %slice3A_82, %slice3A_83 : vector<8x1024xi1>, vector<8x1024xf32>
      %slice3A_85 = vector.extract_strided_slice %get3A_7 {offsets = [0, 1024], sizes = [8, 1024], strides = [1, 1]} : vector<8x2048xf32> to vector<8x1024xf32>
      %slice3A_86 = vector.extract_strided_slice %get3A_7 {offsets = [0, 0], sizes = [8, 1024], strides = [1, 1]} : vector<8x2048xf32> to vector<8x1024xf32>
      %select_n3A_87 = arith.select %gt3A, %slice3A_85, %slice3A_86 : vector<8x1024xi1>, vector<8x1024xf32>
      %slice3A_88 = vector.extract_strided_slice %select_n3A_78 {offsets = [0, 512], sizes = [8, 512], strides = [1, 1]} : vector<8x1024xf32> to vector<8x512xf32>
      %slice3A_89 = vector.extract_strided_slice %select_n3A_78 {offsets = [0, 0], sizes = [8, 512], strides = [1, 1]} : vector<8x1024xf32> to vector<8x512xf32>
      %gt3A_90 = arith.cmpf ogt, %slice3A_88, %slice3A_89 : vector<8x512xf32>
      %slice3A_91 = vector.extract_strided_slice %select_n3A_78 {offsets = [0, 512], sizes = [8, 512], strides = [1, 1]} : vector<8x1024xf32> to vector<8x512xf32>
      %slice3A_92 = vector.extract_strided_slice %select_n3A_78 {offsets = [0, 0], sizes = [8, 512], strides = [1, 1]} : vector<8x1024xf32> to vector<8x512xf32>
      %select_n3A_93 = arith.select %gt3A_90, %slice3A_91, %slice3A_92 : vector<8x512xi1>, vector<8x512xf32>
      %slice3A_94 = vector.extract_strided_slice %select_n3A_81 {offsets = [0, 512], sizes = [8, 512], strides = [1, 1]} : vector<8x1024xf32> to vector<8x512xf32>
      %slice3A_95 = vector.extract_strided_slice %select_n3A_81 {offsets = [0, 0], sizes = [8, 512], strides = [1, 1]} : vector<8x1024xf32> to vector<8x512xf32>
      %select_n3A_96 = arith.select %gt3A_90, %slice3A_94, %slice3A_95 : vector<8x512xi1>, vector<8x512xf32>
      %slice3A_97 = vector.extract_strided_slice %select_n3A_84 {offsets = [0, 512], sizes = [8, 512], strides = [1, 1]} : vector<8x1024xf32> to vector<8x512xf32>
      %slice3A_98 = vector.extract_strided_slice %select_n3A_84 {offsets = [0, 0], sizes = [8, 512], strides = [1, 1]} : vector<8x1024xf32> to vector<8x512xf32>
      %select_n3A_99 = arith.select %gt3A_90, %slice3A_97, %slice3A_98 : vector<8x512xi1>, vector<8x512xf32>
      %slice3A_100 = vector.extract_strided_slice %select_n3A_87 {offsets = [0, 512], sizes = [8, 512], strides = [1, 1]} : vector<8x1024xf32> to vector<8x512xf32>
      %slice3A_101 = vector.extract_strided_slice %select_n3A_87 {offsets = [0, 0], sizes = [8, 512], strides = [1, 1]} : vector<8x1024xf32> to vector<8x512xf32>
      %select_n3A_102 = arith.select %gt3A_90, %slice3A_100, %slice3A_101 : vector<8x512xi1>, vector<8x512xf32>
      %slice3A_103 = vector.extract_strided_slice %select_n3A_93 {offsets = [0, 256], sizes = [8, 256], strides = [1, 1]} : vector<8x512xf32> to vector<8x256xf32>
      %slice3A_104 = vector.extract_strided_slice %select_n3A_93 {offsets = [0, 0], sizes = [8, 256], strides = [1, 1]} : vector<8x512xf32> to vector<8x256xf32>
      %gt3A_105 = arith.cmpf ogt, %slice3A_103, %slice3A_104 : vector<8x256xf32>
      %slice3A_106 = vector.extract_strided_slice %select_n3A_93 {offsets = [0, 256], sizes = [8, 256], strides = [1, 1]} : vector<8x512xf32> to vector<8x256xf32>
      %slice3A_107 = vector.extract_strided_slice %select_n3A_93 {offsets = [0, 0], sizes = [8, 256], strides = [1, 1]} : vector<8x512xf32> to vector<8x256xf32>
      %select_n3A_108 = arith.select %gt3A_105, %slice3A_106, %slice3A_107 : vector<8x256xi1>, vector<8x256xf32>
      %slice3A_109 = vector.extract_strided_slice %select_n3A_96 {offsets = [0, 256], sizes = [8, 256], strides = [1, 1]} : vector<8x512xf32> to vector<8x256xf32>
      %slice3A_110 = vector.extract_strided_slice %select_n3A_96 {offsets = [0, 0], sizes = [8, 256], strides = [1, 1]} : vector<8x512xf32> to vector<8x256xf32>
      %select_n3A_111 = arith.select %gt3A_105, %slice3A_109, %slice3A_110 : vector<8x256xi1>, vector<8x256xf32>
      %slice3A_112 = vector.extract_strided_slice %select_n3A_99 {offsets = [0, 256], sizes = [8, 256], strides = [1, 1]} : vector<8x512xf32> to vector<8x256xf32>
      %slice3A_113 = vector.extract_strided_slice %select_n3A_99 {offsets = [0, 0], sizes = [8, 256], strides = [1, 1]} : vector<8x512xf32> to vector<8x256xf32>
      %select_n3A_114 = arith.select %gt3A_105, %slice3A_112, %slice3A_113 : vector<8x256xi1>, vector<8x256xf32>
      %slice3A_115 = vector.extract_strided_slice %select_n3A_102 {offsets = [0, 256], sizes = [8, 256], strides = [1, 1]} : vector<8x512xf32> to vector<8x256xf32>
      %slice3A_116 = vector.extract_strided_slice %select_n3A_102 {offsets = [0, 0], sizes = [8, 256], strides = [1, 1]} : vector<8x512xf32> to vector<8x256xf32>
      %select_n3A_117 = arith.select %gt3A_105, %slice3A_115, %slice3A_116 : vector<8x256xi1>, vector<8x256xf32>
      %slice3A_118 = vector.extract_strided_slice %select_n3A_108 {offsets = [0, 128], sizes = [8, 128], strides = [1, 1]} : vector<8x256xf32> to vector<8x128xf32>
      %slice3A_119 = vector.extract_strided_slice %select_n3A_108 {offsets = [0, 0], sizes = [8, 128], strides = [1, 1]} : vector<8x256xf32> to vector<8x128xf32>
      %gt3A_120 = arith.cmpf ogt, %slice3A_118, %slice3A_119 : vector<8x128xf32>
      %slice3A_121 = vector.extract_strided_slice %select_n3A_108 {offsets = [0, 128], sizes = [8, 128], strides = [1, 1]} : vector<8x256xf32> to vector<8x128xf32>
      %slice3A_122 = vector.extract_strided_slice %select_n3A_108 {offsets = [0, 0], sizes = [8, 128], strides = [1, 1]} : vector<8x256xf32> to vector<8x128xf32>
      %select_n3A_123 = arith.select %gt3A_120, %slice3A_121, %slice3A_122 : vector<8x128xi1>, vector<8x128xf32>
      %slice3A_124 = vector.extract_strided_slice %select_n3A_111 {offsets = [0, 128], sizes = [8, 128], strides = [1, 1]} : vector<8x256xf32> to vector<8x128xf32>
      %slice3A_125 = vector.extract_strided_slice %select_n3A_111 {offsets = [0, 0], sizes = [8, 128], strides = [1, 1]} : vector<8x256xf32> to vector<8x128xf32>
      %select_n3A_126 = arith.select %gt3A_120, %slice3A_124, %slice3A_125 : vector<8x128xi1>, vector<8x128xf32>
      %slice3A_127 = vector.extract_strided_slice %select_n3A_114 {offsets = [0, 128], sizes = [8, 128], strides = [1, 1]} : vector<8x256xf32> to vector<8x128xf32>
      %slice3A_128 = vector.extract_strided_slice %select_n3A_114 {offsets = [0, 0], sizes = [8, 128], strides = [1, 1]} : vector<8x256xf32> to vector<8x128xf32>
      %select_n3A_129 = arith.select %gt3A_120, %slice3A_127, %slice3A_128 : vector<8x128xi1>, vector<8x128xf32>
      %slice3A_130 = vector.extract_strided_slice %select_n3A_117 {offsets = [0, 128], sizes = [8, 128], strides = [1, 1]} : vector<8x256xf32> to vector<8x128xf32>
      %slice3A_131 = vector.extract_strided_slice %select_n3A_117 {offsets = [0, 0], sizes = [8, 128], strides = [1, 1]} : vector<8x256xf32> to vector<8x128xf32>
      %select_n3A_132 = arith.select %gt3A_120, %slice3A_130, %slice3A_131 : vector<8x128xi1>, vector<8x128xf32>
      %argmax3A = tpu.reduce_index %select_n3A_123 {axis = 1 : i32, kind = #tpu.reduction_kind<arg_max>} : vector<8x128xf32> -> vector<8xi32>
      %broadcast_in_dim3A_133 = vector.shape_cast %argmax3A : vector<8xi32> to vector<8x1xi32>
      %iota3A_134 = tpu.iota {dimensions = array<i32: 1>} : vector<8x128xi32>
      %eq3A_135 = vector.broadcast %broadcast_in_dim3A_133 : vector<8x1xi32> to vector<8x128xi32>
      %eq3A_136 = arith.cmpi eq, %iota3A_134, %eq3A_135 : vector<8x128xi32>
      %jit3A_137 = arith.constant 0.000000e+00 : f32
      %broadcast_in_dim3A_138 = vector.broadcast %jit3A_137 : f32 to vector<8x128xf32>
      %select_n3A_139 = arith.select %eq3A_136, %select_n3A_126, %broadcast_in_dim3A_138 : vector<8x128xi1>, vector<8x128xf32>
      %reduce_sum3A_140 = arith.constant dense<0.000000e+00> : vector<8xf32>
      %reduce_sum3A_141 = vector.multi_reduction <add>, %select_n3A_139, %reduce_sum3A_140 [1] : vector<8x128xf32> to vector<8xf32>
      %broadcast_in_dim3A_142 = vector.shape_cast %reduce_sum3A_141 : vector<8xf32> to vector<8x1xf32>
      %jit3A_143 = arith.constant 0.000000e+00 : f32
      %broadcast_in_dim3A_144 = vector.broadcast %jit3A_143 : f32 to vector<8x128xf32>
      %select_n3A_145 = arith.select %eq3A_136, %select_n3A_129, %broadcast_in_dim3A_144 : vector<8x128xi1>, vector<8x128xf32>
      %reduce_sum3A_146 = arith.constant dense<0.000000e+00> : vector<8xf32>
      %reduce_sum3A_147 = vector.multi_reduction <add>, %select_n3A_145, %reduce_sum3A_146 [1] : vector<8x128xf32> to vector<8xf32>
      %broadcast_in_dim3A_148 = vector.shape_cast %reduce_sum3A_147 : vector<8xf32> to vector<8x1xf32>
      %jit3A_149 = arith.constant 0.000000e+00 : f32
      %broadcast_in_dim3A_150 = vector.broadcast %jit3A_149 : f32 to vector<8x128xf32>
      %select_n3A_151 = arith.select %eq3A_136, %select_n3A_132, %broadcast_in_dim3A_150 : vector<8x128xi1>, vector<8x128xf32>
      %reduce_sum3A_152 = arith.constant dense<0.000000e+00> : vector<8xf32>
      %reduce_sum3A_153 = vector.multi_reduction <add>, %select_n3A_151, %reduce_sum3A_152 [1] : vector<8x128xf32> to vector<8xf32>
      %broadcast_in_dim3A_154 = vector.shape_cast %reduce_sum3A_153 : vector<8xf32> to vector<8x1xf32>
      scf.yield %min3A, %broadcast_in_dim3A_142, %broadcast_in_dim3A_148, %broadcast_in_dim3A_154, %select_n3A_56, %select_n3A_61, %select_n3A_66 : vector<8x2048xf32>, vector<8x1xf32>, vector<8x1xf32>, vector<8x1xf32>, vector<8x512xf32>, vector<8x512xf32>, vector<8x512xf32>
    }
    %scan3A_35 = arith.constant 512 : i32
    %swap3A = arith.constant 0 : index
    %swap3A_36 = arith.constant 0 : index
    %swap3A_37 = vector.load %arg4[%swap3A, %swap3A_36] : memref<8x512xf32, #tpu.memory_space<vmem>>, vector<8x512xf32>
    tpu.vector_store %arg4[%swap3A, %swap3A_36], %scan3A_34#4 {strides = array<i32>} : memref<8x512xf32, #tpu.memory_space<vmem>>, vector<8x512xf32>,
    %swap3A_38 = arith.constant 0 : index
    %swap3A_39 = arith.constant 0 : index
    %swap3A_40 = vector.load %arg5[%swap3A_38, %swap3A_39] : memref<8x512xf32, #tpu.memory_space<vmem>>, vector<8x512xf32>
    tpu.vector_store %arg5[%swap3A_38, %swap3A_39], %scan3A_34#5 {strides = array<i32>} : memref<8x512xf32, #tpu.memory_space<vmem>>, vector<8x512xf32>,
    %swap3A_41 = arith.constant 0 : index
    %swap3A_42 = arith.constant 0 : index
    %swap3A_43 = vector.load %arg6[%swap3A_41, %swap3A_42] : memref<8x512xf32, #tpu.memory_space<vmem>>, vector<8x512xf32>
    tpu.vector_store %arg6[%swap3A_41, %swap3A_42], %scan3A_34#6 {strides = array<i32>} : memref<8x512xf32, #tpu.memory_space<vmem>>, vector<8x512xf32>,
    return
  }
}

module attributes {stable_mosaic.version = 14 : i64} {
  func.func @_knn_body(%arg0: i32, %arg1: i32, %arg2: memref<1x1x2048xf32, #tpu.memory_space<vmem>>, %arg3: memref<1x1x2048xf32, #tpu.memory_space<vmem>>, %arg4: memref<1x1x2048xf32, #tpu.memory_space<vmem>>, %arg5: memref<1x1x128xf32, #tpu.memory_space<vmem>>, %arg6: memref<1x1x128xf32, #tpu.memory_space<vmem>>, %arg7: memref<1x1x128xf32, #tpu.memory_space<vmem>>, %arg8: memref<1x32x128xi32, #tpu.memory_space<vmem>>) attributes {dimension_semantics = [#tpu.dimension_semantics<arbitrary>, #tpu.dimension_semantics<arbitrary>], iteration_bounds = array<i64: 8, 4>, scalar_prefetch = 0 : i64, scratch_operands = 0 : i64, tpu.core_type = #tpu.core_type<tc>, window_params = [{transform_indices = @transform_0, window_bounds = array<i64: 1, 1, 2048>}, {transform_indices = @transform_1, window_bounds = array<i64: 1, 1, 2048>}, {transform_indices = @transform_2, window_bounds = array<i64: 1, 1, 2048>}, {transform_indices = @transform_3, window_bounds = array<i64: 1, 1, 128>}, {transform_indices = @transform_4, window_bounds = array<i64: 1, 1, 128>}, {transform_indices = @transform_5, window_bounds = array<i64: 1, 1, 128>}, {transform_indices = @transform_6, window_bounds = array<i64: 1, 32, 128>}]} {
    %get3A = arith.constant 0 : index
    %get3A_0 = arith.constant 0 : index
    %get3A_1 = arith.constant 0 : index
    %get3A_2 = vector.load %arg2[%get3A, %get3A_0, %get3A_1] : memref<1x1x2048xf32, #tpu.memory_space<vmem>>, vector<1x1x2048xf32>
    %get3A_3 = vector.shape_cast %get3A_2 : vector<1x1x2048xf32> to vector<2048xf32>
    %broadcast_in_dim3A = vector.shape_cast %get3A_3 : vector<2048xf32> to vector<1x2048xf32>
    %get3A_4 = arith.constant 0 : index
    %get3A_5 = arith.constant 0 : index
    %get3A_6 = arith.constant 0 : index
    %get3A_7 = vector.load %arg3[%get3A_4, %get3A_5, %get3A_6] : memref<1x1x2048xf32, #tpu.memory_space<vmem>>, vector<1x1x2048xf32>
    %get3A_8 = vector.shape_cast %get3A_7 : vector<1x1x2048xf32> to vector<2048xf32>
    %broadcast_in_dim3A_9 = vector.shape_cast %get3A_8 : vector<2048xf32> to vector<1x2048xf32>
    %get3A_10 = arith.constant 0 : index
    %get3A_11 = arith.constant 0 : index
    %get3A_12 = arith.constant 0 : index
    %get3A_13 = vector.load %arg4[%get3A_10, %get3A_11, %get3A_12] : memref<1x1x2048xf32, #tpu.memory_space<vmem>>, vector<1x1x2048xf32>
    %get3A_14 = vector.shape_cast %get3A_13 : vector<1x1x2048xf32> to vector<2048xf32>
    %broadcast_in_dim3A_15 = vector.shape_cast %get3A_14 : vector<2048xf32> to vector<1x2048xf32>
    %get3A_16 = arith.constant 0 : index
    %get3A_17 = arith.constant 0 : index
    %get3A_18 = arith.constant 0 : index
    %get3A_19 = vector.load %arg5[%get3A_16, %get3A_17, %get3A_18] : memref<1x1x128xf32, #tpu.memory_space<vmem>>, vector<1x1x128xf32>
    %get3A_20 = vector.shape_cast %get3A_19 : vector<1x1x128xf32> to vector<128xf32>
    %broadcast_in_dim3A_21 = vector.shape_cast %get3A_20 : vector<128xf32> to vector<128x1xf32>
    %get3A_22 = arith.constant 0 : index
    %get3A_23 = arith.constant 0 : index
    %get3A_24 = arith.constant 0 : index
    %get3A_25 = vector.load %arg6[%get3A_22, %get3A_23, %get3A_24] : memref<1x1x128xf32, #tpu.memory_space<vmem>>, vector<1x1x128xf32>
    %get3A_26 = vector.shape_cast %get3A_25 : vector<1x1x128xf32> to vector<128xf32>
    %broadcast_in_dim3A_27 = vector.shape_cast %get3A_26 : vector<128xf32> to vector<128x1xf32>
    %get3A_28 = arith.constant 0 : index
    %get3A_29 = arith.constant 0 : index
    %get3A_30 = arith.constant 0 : index
    %get3A_31 = vector.load %arg7[%get3A_28, %get3A_29, %get3A_30] : memref<1x1x128xf32, #tpu.memory_space<vmem>>, vector<1x1x128xf32>
    %get3A_32 = vector.shape_cast %get3A_31 : vector<1x1x128xf32> to vector<128xf32>
    %broadcast_in_dim3A_33 = vector.shape_cast %get3A_32 : vector<128xf32> to vector<128x1xf32>
    %sub3A = vector.broadcast %broadcast_in_dim3A_21 : vector<128x1xf32> to vector<128x2048xf32>
    %sub3A_34 = vector.broadcast %broadcast_in_dim3A : vector<1x2048xf32> to vector<128x2048xf32>
    %sub3A_35 = arith.subf %sub3A, %sub3A_34 : vector<128x2048xf32>
    %sub3A_36 = vector.broadcast %broadcast_in_dim3A_27 : vector<128x1xf32> to vector<128x2048xf32>
    %sub3A_37 = vector.broadcast %broadcast_in_dim3A_9 : vector<1x2048xf32> to vector<128x2048xf32>
    %sub3A_38 = arith.subf %sub3A_36, %sub3A_37 : vector<128x2048xf32>
    %sub3A_39 = vector.broadcast %broadcast_in_dim3A_33 : vector<128x1xf32> to vector<128x2048xf32>
    %sub3A_40 = vector.broadcast %broadcast_in_dim3A_15 : vector<1x2048xf32> to vector<128x2048xf32>
    %sub3A_41 = arith.subf %sub3A_39, %sub3A_40 : vector<128x2048xf32>
    %mul3A = arith.mulf %sub3A_35, %sub3A_35 : vector<128x2048xf32>
    %mul3A_42 = arith.mulf %sub3A_38, %sub3A_38 : vector<128x2048xf32>
    %add3A = arith.addf %mul3A, %mul3A_42 : vector<128x2048xf32>
    %mul3A_43 = arith.mulf %sub3A_41, %sub3A_41 : vector<128x2048xf32>
    %add3A_44 = arith.addf %add3A, %mul3A_43 : vector<128x2048xf32>
    %iota3A = tpu.iota {dimensions = array<i32: 1>} : vector<128x2048xi32>
    %mul3A_45 = arith.constant 2048 : i32
    %mul3A_46 = arith.muli %arg0, %mul3A_45 : i32
    %argmin3A = tpu.reduce_index %add3A_44 {axis = 1 : i32, kind = #tpu.reduction_kind<arg_min>} : vector<128x2048xf32> -> vector<128xi32>
    %add3A_47 = vector.broadcast %mul3A_46 : i32 to vector<128xi32>
    %add3A_48 = arith.addi %argmin3A, %add3A_47 : vector<128xi32>
    %broadcast_in_dim3A_49 = vector.shape_cast %add3A_48 : vector<128xi32> to vector<1x128xi32>
    %swap3A = arith.constant 0 : index
    %swap3A_50 = arith.constant 0 : index
    %swap3A_51 = arith.constant 0 : index
    %swap3A_52 = vector.load %arg8[%swap3A, %swap3A_50, %swap3A_51] : memref<1x32x128xi32, #tpu.memory_space<vmem>>, vector<1x1x128xi32>
    %swap3A_53 = vector.shape_cast %swap3A_52 : vector<1x1x128xi32> to vector<1x128xi32>
    %swap3A_54 = vector.shape_cast %broadcast_in_dim3A_49 : vector<1x128xi32> to vector<1x1x128xi32>
    tpu.vector_store %arg8[%swap3A, %swap3A_50, %swap3A_51], %swap3A_54 {strides = array<i32>} : memref<1x32x128xi32, #tpu.memory_space<vmem>>, vector<1x1x128xi32>,
    %broadcast_in_dim3A_55 = vector.shape_cast %argmin3A : vector<128xi32> to vector<128x1xi32>
    %eq3A = vector.broadcast %broadcast_in_dim3A_55 : vector<128x1xi32> to vector<128x2048xi32>
    %eq3A_56 = arith.cmpi eq, %iota3A, %eq3A : vector<128x2048xi32>
    %jit3A = arith.constant 0x7F800000 : f32
    %broadcast_in_dim3A_57 = vector.broadcast %jit3A : f32 to vector<128x2048xf32>
    %select_n3A = arith.select %eq3A_56, %broadcast_in_dim3A_57, %add3A_44 : vector<128x2048xi1>, vector<128x2048xf32>
    %argmin3A_58 = tpu.reduce_index %select_n3A {axis = 1 : i32, kind = #tpu.reduction_kind<arg_min>} : vector<128x2048xf32> -> vector<128xi32>
    %add3A_59 = vector.broadcast %mul3A_46 : i32 to vector<128xi32>
    %add3A_60 = arith.addi %argmin3A_58, %add3A_59 : vector<128xi32>
    %broadcast_in_dim3A_61 = vector.shape_cast %add3A_60 : vector<128xi32> to vector<1x128xi32>
    %swap3A_62 = arith.constant 0 : index
    %swap3A_63 = arith.constant 1 : index
    %swap3A_64 = arith.constant 0 : index
    %swap3A_65 = vector.load %arg8[%swap3A_62, %swap3A_63, %swap3A_64] : memref<1x32x128xi32, #tpu.memory_space<vmem>>, vector<1x1x128xi32>
    %swap3A_66 = vector.shape_cast %swap3A_65 : vector<1x1x128xi32> to vector<1x128xi32>
    %swap3A_67 = vector.shape_cast %broadcast_in_dim3A_61 : vector<1x128xi32> to vector<1x1x128xi32>
    tpu.vector_store %arg8[%swap3A_62, %swap3A_63, %swap3A_64], %swap3A_67 {strides = array<i32>} : memref<1x32x128xi32, #tpu.memory_space<vmem>>, vector<1x1x128xi32>,
    %broadcast_in_dim3A_68 = vector.shape_cast %argmin3A_58 : vector<128xi32> to vector<128x1xi32>
    %eq3A_69 = vector.broadcast %broadcast_in_dim3A_68 : vector<128x1xi32> to vector<128x2048xi32>
    %eq3A_70 = arith.cmpi eq, %iota3A, %eq3A_69 : vector<128x2048xi32>
    %jit3A_71 = arith.constant 0x7F800000 : f32
    %broadcast_in_dim3A_72 = vector.broadcast %jit3A_71 : f32 to vector<128x2048xf32>
    %select_n3A_73 = arith.select %eq3A_70, %broadcast_in_dim3A_72, %select_n3A : vector<128x2048xi1>, vector<128x2048xf32>
    %argmin3A_74 = tpu.reduce_index %select_n3A_73 {axis = 1 : i32, kind = #tpu.reduction_kind<arg_min>} : vector<128x2048xf32> -> vector<128xi32>
    %add3A_75 = vector.broadcast %mul3A_46 : i32 to vector<128xi32>
    %add3A_76 = arith.addi %argmin3A_74, %add3A_75 : vector<128xi32>
    %broadcast_in_dim3A_77 = vector.shape_cast %add3A_76 : vector<128xi32> to vector<1x128xi32>
    %swap3A_78 = arith.constant 0 : index
    %swap3A_79 = arith.constant 2 : index
    %swap3A_80 = arith.constant 0 : index
    %swap3A_81 = vector.load %arg8[%swap3A_78, %swap3A_79, %swap3A_80] : memref<1x32x128xi32, #tpu.memory_space<vmem>>, vector<1x1x128xi32>
    %swap3A_82 = vector.shape_cast %swap3A_81 : vector<1x1x128xi32> to vector<1x128xi32>
    %swap3A_83 = vector.shape_cast %broadcast_in_dim3A_77 : vector<1x128xi32> to vector<1x1x128xi32>
    tpu.vector_store %arg8[%swap3A_78, %swap3A_79, %swap3A_80], %swap3A_83 {strides = array<i32>} : memref<1x32x128xi32, #tpu.memory_space<vmem>>, vector<1x1x128xi32>,
    %broadcast_in_dim3A_84 = vector.shape_cast %argmin3A_74 : vector<128xi32> to vector<128x1xi32>
    %eq3A_85 = vector.broadcast %broadcast_in_dim3A_84 : vector<128x1xi32> to vector<128x2048xi32>
    %eq3A_86 = arith.cmpi eq, %iota3A, %eq3A_85 : vector<128x2048xi32>
    %jit3A_87 = arith.constant 0x7F800000 : f32
    %broadcast_in_dim3A_88 = vector.broadcast %jit3A_87 : f32 to vector<128x2048xf32>
    %select_n3A_89 = arith.select %eq3A_86, %broadcast_in_dim3A_88, %select_n3A_73 : vector<128x2048xi1>, vector<128x2048xf32>
    %argmin3A_90 = tpu.reduce_index %select_n3A_89 {axis = 1 : i32, kind = #tpu.reduction_kind<arg_min>} : vector<128x2048xf32> -> vector<128xi32>
    %add3A_91 = vector.broadcast %mul3A_46 : i32 to vector<128xi32>
    %add3A_92 = arith.addi %argmin3A_90, %add3A_91 : vector<128xi32>
    %broadcast_in_dim3A_93 = vector.shape_cast %add3A_92 : vector<128xi32> to vector<1x128xi32>
    %swap3A_94 = arith.constant 0 : index
    %swap3A_95 = arith.constant 3 : index
    %swap3A_96 = arith.constant 0 : index
    %swap3A_97 = vector.load %arg8[%swap3A_94, %swap3A_95, %swap3A_96] : memref<1x32x128xi32, #tpu.memory_space<vmem>>, vector<1x1x128xi32>
    %swap3A_98 = vector.shape_cast %swap3A_97 : vector<1x1x128xi32> to vector<1x128xi32>
    %swap3A_99 = vector.shape_cast %broadcast_in_dim3A_93 : vector<1x128xi32> to vector<1x1x128xi32>
    tpu.vector_store %arg8[%swap3A_94, %swap3A_95, %swap3A_96], %swap3A_99 {strides = array<i32>} : memref<1x32x128xi32, #tpu.memory_space<vmem>>, vector<1x1x128xi32>,
    %broadcast_in_dim3A_100 = vector.shape_cast %argmin3A_90 : vector<128xi32> to vector<128x1xi32>
    %eq3A_101 = vector.broadcast %broadcast_in_dim3A_100 : vector<128x1xi32> to vector<128x2048xi32>
    %eq3A_102 = arith.cmpi eq, %iota3A, %eq3A_101 : vector<128x2048xi32>
    %jit3A_103 = arith.constant 0x7F800000 : f32
    %broadcast_in_dim3A_104 = vector.broadcast %jit3A_103 : f32 to vector<128x2048xf32>
    %select_n3A_105 = arith.select %eq3A_102, %broadcast_in_dim3A_104, %select_n3A_89 : vector<128x2048xi1>, vector<128x2048xf32>
    %argmin3A_106 = tpu.reduce_index %select_n3A_105 {axis = 1 : i32, kind = #tpu.reduction_kind<arg_min>} : vector<128x2048xf32> -> vector<128xi32>
    %add3A_107 = vector.broadcast %mul3A_46 : i32 to vector<128xi32>
    %add3A_108 = arith.addi %argmin3A_106, %add3A_107 : vector<128xi32>
    %broadcast_in_dim3A_109 = vector.shape_cast %add3A_108 : vector<128xi32> to vector<1x128xi32>
    %swap3A_110 = arith.constant 0 : index
    %swap3A_111 = arith.constant 4 : index
    %swap3A_112 = arith.constant 0 : index
    %swap3A_113 = vector.load %arg8[%swap3A_110, %swap3A_111, %swap3A_112] : memref<1x32x128xi32, #tpu.memory_space<vmem>>, vector<1x1x128xi32>
    %swap3A_114 = vector.shape_cast %swap3A_113 : vector<1x1x128xi32> to vector<1x128xi32>
    %swap3A_115 = vector.shape_cast %broadcast_in_dim3A_109 : vector<1x128xi32> to vector<1x1x128xi32>
    tpu.vector_store %arg8[%swap3A_110, %swap3A_111, %swap3A_112], %swap3A_115 {strides = array<i32>} : memref<1x32x128xi32, #tpu.memory_space<vmem>>, vector<1x1x128xi32>,
    %broadcast_in_dim3A_116 = vector.shape_cast %argmin3A_106 : vector<128xi32> to vector<128x1xi32>
    %eq3A_117 = vector.broadcast %broadcast_in_dim3A_116 : vector<128x1xi32> to vector<128x2048xi32>
    %eq3A_118 = arith.cmpi eq, %iota3A, %eq3A_117 : vector<128x2048xi32>
    %jit3A_119 = arith.constant 0x7F800000 : f32
    %broadcast_in_dim3A_120 = vector.broadcast %jit3A_119 : f32 to vector<128x2048xf32>
    %select_n3A_121 = arith.select %eq3A_118, %broadcast_in_dim3A_120, %select_n3A_105 : vector<128x2048xi1>, vector<128x2048xf32>
    %argmin3A_122 = tpu.reduce_index %select_n3A_121 {axis = 1 : i32, kind = #tpu.reduction_kind<arg_min>} : vector<128x2048xf32> -> vector<128xi32>
    %add3A_123 = vector.broadcast %mul3A_46 : i32 to vector<128xi32>
    %add3A_124 = arith.addi %argmin3A_122, %add3A_123 : vector<128xi32>
    %broadcast_in_dim3A_125 = vector.shape_cast %add3A_124 : vector<128xi32> to vector<1x128xi32>
    %swap3A_126 = arith.constant 0 : index
    %swap3A_127 = arith.constant 5 : index
    %swap3A_128 = arith.constant 0 : index
    %swap3A_129 = vector.load %arg8[%swap3A_126, %swap3A_127, %swap3A_128] : memref<1x32x128xi32, #tpu.memory_space<vmem>>, vector<1x1x128xi32>
    %swap3A_130 = vector.shape_cast %swap3A_129 : vector<1x1x128xi32> to vector<1x128xi32>
    %swap3A_131 = vector.shape_cast %broadcast_in_dim3A_125 : vector<1x128xi32> to vector<1x1x128xi32>
    tpu.vector_store %arg8[%swap3A_126, %swap3A_127, %swap3A_128], %swap3A_131 {strides = array<i32>} : memref<1x32x128xi32, #tpu.memory_space<vmem>>, vector<1x1x128xi32>,
    %broadcast_in_dim3A_132 = vector.shape_cast %argmin3A_122 : vector<128xi32> to vector<128x1xi32>
    %eq3A_133 = vector.broadcast %broadcast_in_dim3A_132 : vector<128x1xi32> to vector<128x2048xi32>
    %eq3A_134 = arith.cmpi eq, %iota3A, %eq3A_133 : vector<128x2048xi32>
    %jit3A_135 = arith.constant 0x7F800000 : f32
    %broadcast_in_dim3A_136 = vector.broadcast %jit3A_135 : f32 to vector<128x2048xf32>
    %select_n3A_137 = arith.select %eq3A_134, %broadcast_in_dim3A_136, %select_n3A_121 : vector<128x2048xi1>, vector<128x2048xf32>
    %argmin3A_138 = tpu.reduce_index %select_n3A_137 {axis = 1 : i32, kind = #tpu.reduction_kind<arg_min>} : vector<128x2048xf32> -> vector<128xi32>
    %add3A_139 = vector.broadcast %mul3A_46 : i32 to vector<128xi32>
    %add3A_140 = arith.addi %argmin3A_138, %add3A_139 : vector<128xi32>
    %broadcast_in_dim3A_141 = vector.shape_cast %add3A_140 : vector<128xi32> to vector<1x128xi32>
    %swap3A_142 = arith.constant 0 : index
    %swap3A_143 = arith.constant 6 : index
    %swap3A_144 = arith.constant 0 : index
    %swap3A_145 = vector.load %arg8[%swap3A_142, %swap3A_143, %swap3A_144] : memref<1x32x128xi32, #tpu.memory_space<vmem>>, vector<1x1x128xi32>
    %swap3A_146 = vector.shape_cast %swap3A_145 : vector<1x1x128xi32> to vector<1x128xi32>
    %swap3A_147 = vector.shape_cast %broadcast_in_dim3A_141 : vector<1x128xi32> to vector<1x1x128xi32>
    tpu.vector_store %arg8[%swap3A_142, %swap3A_143, %swap3A_144], %swap3A_147 {strides = array<i32>} : memref<1x32x128xi32, #tpu.memory_space<vmem>>, vector<1x1x128xi32>,
    %broadcast_in_dim3A_148 = vector.shape_cast %argmin3A_138 : vector<128xi32> to vector<128x1xi32>
    %eq3A_149 = vector.broadcast %broadcast_in_dim3A_148 : vector<128x1xi32> to vector<128x2048xi32>
    %eq3A_150 = arith.cmpi eq, %iota3A, %eq3A_149 : vector<128x2048xi32>
    %jit3A_151 = arith.constant 0x7F800000 : f32
    %broadcast_in_dim3A_152 = vector.broadcast %jit3A_151 : f32 to vector<128x2048xf32>
    %select_n3A_153 = arith.select %eq3A_150, %broadcast_in_dim3A_152, %select_n3A_137 : vector<128x2048xi1>, vector<128x2048xf32>
    %argmin3A_154 = tpu.reduce_index %select_n3A_153 {axis = 1 : i32, kind = #tpu.reduction_kind<arg_min>} : vector<128x2048xf32> -> vector<128xi32>
    %add3A_155 = vector.broadcast %mul3A_46 : i32 to vector<128xi32>
    %add3A_156 = arith.addi %argmin3A_154, %add3A_155 : vector<128xi32>
    %broadcast_in_dim3A_157 = vector.shape_cast %add3A_156 : vector<128xi32> to vector<1x128xi32>
    %swap3A_158 = arith.constant 0 : index
    %swap3A_159 = arith.constant 7 : index
    %swap3A_160 = arith.constant 0 : index
    %swap3A_161 = vector.load %arg8[%swap3A_158, %swap3A_159, %swap3A_160] : memref<1x32x128xi32, #tpu.memory_space<vmem>>, vector<1x1x128xi32>
    %swap3A_162 = vector.shape_cast %swap3A_161 : vector<1x1x128xi32> to vector<1x128xi32>
    %swap3A_163 = vector.shape_cast %broadcast_in_dim3A_157 : vector<1x128xi32> to vector<1x1x128xi32>
    tpu.vector_store %arg8[%swap3A_158, %swap3A_159, %swap3A_160], %swap3A_163 {strides = array<i32>} : memref<1x32x128xi32, #tpu.memory_space<vmem>>, vector<1x1x128xi32>,
    %broadcast_in_dim3A_164 = vector.shape_cast %argmin3A_154 : vector<128xi32> to vector<128x1xi32>
    %eq3A_165 = vector.broadcast %broadcast_in_dim3A_164 : vector<128x1xi32> to vector<128x2048xi32>
    %eq3A_166 = arith.cmpi eq, %iota3A, %eq3A_165 : vector<128x2048xi32>
    %jit3A_167 = arith.constant 0x7F800000 : f32
    %broadcast_in_dim3A_168 = vector.broadcast %jit3A_167 : f32 to vector<128x2048xf32>
    %select_n3A_169 = arith.select %eq3A_166, %broadcast_in_dim3A_168, %select_n3A_153 : vector<128x2048xi1>, vector<128x2048xf32>
    %argmin3A_170 = tpu.reduce_index %select_n3A_169 {axis = 1 : i32, kind = #tpu.reduction_kind<arg_min>} : vector<128x2048xf32> -> vector<128xi32>
    %add3A_171 = vector.broadcast %mul3A_46 : i32 to vector<128xi32>
    %add3A_172 = arith.addi %argmin3A_170, %add3A_171 : vector<128xi32>
    %broadcast_in_dim3A_173 = vector.shape_cast %add3A_172 : vector<128xi32> to vector<1x128xi32>
    %swap3A_174 = arith.constant 0 : index
    %swap3A_175 = arith.constant 8 : index
    %swap3A_176 = arith.constant 0 : index
    %swap3A_177 = vector.load %arg8[%swap3A_174, %swap3A_175, %swap3A_176] : memref<1x32x128xi32, #tpu.memory_space<vmem>>, vector<1x1x128xi32>
    %swap3A_178 = vector.shape_cast %swap3A_177 : vector<1x1x128xi32> to vector<1x128xi32>
    %swap3A_179 = vector.shape_cast %broadcast_in_dim3A_173 : vector<1x128xi32> to vector<1x1x128xi32>
    tpu.vector_store %arg8[%swap3A_174, %swap3A_175, %swap3A_176], %swap3A_179 {strides = array<i32>} : memref<1x32x128xi32, #tpu.memory_space<vmem>>, vector<1x1x128xi32>,
    %broadcast_in_dim3A_180 = vector.shape_cast %argmin3A_170 : vector<128xi32> to vector<128x1xi32>
    %eq3A_181 = vector.broadcast %broadcast_in_dim3A_180 : vector<128x1xi32> to vector<128x2048xi32>
    %eq3A_182 = arith.cmpi eq, %iota3A, %eq3A_181 : vector<128x2048xi32>
    %jit3A_183 = arith.constant 0x7F800000 : f32
    %broadcast_in_dim3A_184 = vector.broadcast %jit3A_183 : f32 to vector<128x2048xf32>
    %select_n3A_185 = arith.select %eq3A_182, %broadcast_in_dim3A_184, %select_n3A_169 : vector<128x2048xi1>, vector<128x2048xf32>
    %argmin3A_186 = tpu.reduce_index %select_n3A_185 {axis = 1 : i32, kind = #tpu.reduction_kind<arg_min>} : vector<128x2048xf32> -> vector<128xi32>
    %add3A_187 = vector.broadcast %mul3A_46 : i32 to vector<128xi32>
    %add3A_188 = arith.addi %argmin3A_186, %add3A_187 : vector<128xi32>
    %broadcast_in_dim3A_189 = vector.shape_cast %add3A_188 : vector<128xi32> to vector<1x128xi32>
    %swap3A_190 = arith.constant 0 : index
    %swap3A_191 = arith.constant 9 : index
    %swap3A_192 = arith.constant 0 : index
    %swap3A_193 = vector.load %arg8[%swap3A_190, %swap3A_191, %swap3A_192] : memref<1x32x128xi32, #tpu.memory_space<vmem>>, vector<1x1x128xi32>
    %swap3A_194 = vector.shape_cast %swap3A_193 : vector<1x1x128xi32> to vector<1x128xi32>
    %swap3A_195 = vector.shape_cast %broadcast_in_dim3A_189 : vector<1x128xi32> to vector<1x1x128xi32>
    tpu.vector_store %arg8[%swap3A_190, %swap3A_191, %swap3A_192], %swap3A_195 {strides = array<i32>} : memref<1x32x128xi32, #tpu.memory_space<vmem>>, vector<1x1x128xi32>,
    %broadcast_in_dim3A_196 = vector.shape_cast %argmin3A_186 : vector<128xi32> to vector<128x1xi32>
    %eq3A_197 = vector.broadcast %broadcast_in_dim3A_196 : vector<128x1xi32> to vector<128x2048xi32>
    %eq3A_198 = arith.cmpi eq, %iota3A, %eq3A_197 : vector<128x2048xi32>
    %jit3A_199 = arith.constant 0x7F800000 : f32
    %broadcast_in_dim3A_200 = vector.broadcast %jit3A_199 : f32 to vector<128x2048xf32>
    %select_n3A_201 = arith.select %eq3A_198, %broadcast_in_dim3A_200, %select_n3A_185 : vector<128x2048xi1>, vector<128x2048xf32>
    %argmin3A_202 = tpu.reduce_index %select_n3A_201 {axis = 1 : i32, kind = #tpu.reduction_kind<arg_min>} : vector<128x2048xf32> -> vector<128xi32>
    %add3A_203 = vector.broadcast %mul3A_46 : i32 to vector<128xi32>
    %add3A_204 = arith.addi %argmin3A_202, %add3A_203 : vector<128xi32>
    %broadcast_in_dim3A_205 = vector.shape_cast %add3A_204 : vector<128xi32> to vector<1x128xi32>
    %swap3A_206 = arith.constant 0 : index
    %swap3A_207 = arith.constant 10 : index
    %swap3A_208 = arith.constant 0 : index
    %swap3A_209 = vector.load %arg8[%swap3A_206, %swap3A_207, %swap3A_208] : memref<1x32x128xi32, #tpu.memory_space<vmem>>, vector<1x1x128xi32>
    %swap3A_210 = vector.shape_cast %swap3A_209 : vector<1x1x128xi32> to vector<1x128xi32>
    %swap3A_211 = vector.shape_cast %broadcast_in_dim3A_205 : vector<1x128xi32> to vector<1x1x128xi32>
    tpu.vector_store %arg8[%swap3A_206, %swap3A_207, %swap3A_208], %swap3A_211 {strides = array<i32>} : memref<1x32x128xi32, #tpu.memory_space<vmem>>, vector<1x1x128xi32>,
    %broadcast_in_dim3A_212 = vector.shape_cast %argmin3A_202 : vector<128xi32> to vector<128x1xi32>
    %eq3A_213 = vector.broadcast %broadcast_in_dim3A_212 : vector<128x1xi32> to vector<128x2048xi32>
    %eq3A_214 = arith.cmpi eq, %iota3A, %eq3A_213 : vector<128x2048xi32>
    %jit3A_215 = arith.constant 0x7F800000 : f32
    %broadcast_in_dim3A_216 = vector.broadcast %jit3A_215 : f32 to vector<128x2048xf32>
    %select_n3A_217 = arith.select %eq3A_214, %broadcast_in_dim3A_216, %select_n3A_201 : vector<128x2048xi1>, vector<128x2048xf32>
    %argmin3A_218 = tpu.reduce_index %select_n3A_217 {axis = 1 : i32, kind = #tpu.reduction_kind<arg_min>} : vector<128x2048xf32> -> vector<128xi32>
    %add3A_219 = vector.broadcast %mul3A_46 : i32 to vector<128xi32>
    %add3A_220 = arith.addi %argmin3A_218, %add3A_219 : vector<128xi32>
    %broadcast_in_dim3A_221 = vector.shape_cast %add3A_220 : vector<128xi32> to vector<1x128xi32>
    %swap3A_222 = arith.constant 0 : index
    %swap3A_223 = arith.constant 11 : index
    %swap3A_224 = arith.constant 0 : index
    %swap3A_225 = vector.load %arg8[%swap3A_222, %swap3A_223, %swap3A_224] : memref<1x32x128xi32, #tpu.memory_space<vmem>>, vector<1x1x128xi32>
    %swap3A_226 = vector.shape_cast %swap3A_225 : vector<1x1x128xi32> to vector<1x128xi32>
    %swap3A_227 = vector.shape_cast %broadcast_in_dim3A_221 : vector<1x128xi32> to vector<1x1x128xi32>
    tpu.vector_store %arg8[%swap3A_222, %swap3A_223, %swap3A_224], %swap3A_227 {strides = array<i32>} : memref<1x32x128xi32, #tpu.memory_space<vmem>>, vector<1x1x128xi32>,
    %broadcast_in_dim3A_228 = vector.shape_cast %argmin3A_218 : vector<128xi32> to vector<128x1xi32>
    %eq3A_229 = vector.broadcast %broadcast_in_dim3A_228 : vector<128x1xi32> to vector<128x2048xi32>
    %eq3A_230 = arith.cmpi eq, %iota3A, %eq3A_229 : vector<128x2048xi32>
    %jit3A_231 = arith.constant 0x7F800000 : f32
    %broadcast_in_dim3A_232 = vector.broadcast %jit3A_231 : f32 to vector<128x2048xf32>
    %select_n3A_233 = arith.select %eq3A_230, %broadcast_in_dim3A_232, %select_n3A_217 : vector<128x2048xi1>, vector<128x2048xf32>
    %argmin3A_234 = tpu.reduce_index %select_n3A_233 {axis = 1 : i32, kind = #tpu.reduction_kind<arg_min>} : vector<128x2048xf32> -> vector<128xi32>
    %add3A_235 = vector.broadcast %mul3A_46 : i32 to vector<128xi32>
    %add3A_236 = arith.addi %argmin3A_234, %add3A_235 : vector<128xi32>
    %broadcast_in_dim3A_237 = vector.shape_cast %add3A_236 : vector<128xi32> to vector<1x128xi32>
    %swap3A_238 = arith.constant 0 : index
    %swap3A_239 = arith.constant 12 : index
    %swap3A_240 = arith.constant 0 : index
    %swap3A_241 = vector.load %arg8[%swap3A_238, %swap3A_239, %swap3A_240] : memref<1x32x128xi32, #tpu.memory_space<vmem>>, vector<1x1x128xi32>
    %swap3A_242 = vector.shape_cast %swap3A_241 : vector<1x1x128xi32> to vector<1x128xi32>
    %swap3A_243 = vector.shape_cast %broadcast_in_dim3A_237 : vector<1x128xi32> to vector<1x1x128xi32>
    tpu.vector_store %arg8[%swap3A_238, %swap3A_239, %swap3A_240], %swap3A_243 {strides = array<i32>} : memref<1x32x128xi32, #tpu.memory_space<vmem>>, vector<1x1x128xi32>,
    %broadcast_in_dim3A_244 = vector.shape_cast %argmin3A_234 : vector<128xi32> to vector<128x1xi32>
    %eq3A_245 = vector.broadcast %broadcast_in_dim3A_244 : vector<128x1xi32> to vector<128x2048xi32>
    %eq3A_246 = arith.cmpi eq, %iota3A, %eq3A_245 : vector<128x2048xi32>
    %jit3A_247 = arith.constant 0x7F800000 : f32
    %broadcast_in_dim3A_248 = vector.broadcast %jit3A_247 : f32 to vector<128x2048xf32>
    %select_n3A_249 = arith.select %eq3A_246, %broadcast_in_dim3A_248, %select_n3A_233 : vector<128x2048xi1>, vector<128x2048xf32>
    %argmin3A_250 = tpu.reduce_index %select_n3A_249 {axis = 1 : i32, kind = #tpu.reduction_kind<arg_min>} : vector<128x2048xf32> -> vector<128xi32>
    %add3A_251 = vector.broadcast %mul3A_46 : i32 to vector<128xi32>
    %add3A_252 = arith.addi %argmin3A_250, %add3A_251 : vector<128xi32>
    %broadcast_in_dim3A_253 = vector.shape_cast %add3A_252 : vector<128xi32> to vector<1x128xi32>
    %swap3A_254 = arith.constant 0 : index
    %swap3A_255 = arith.constant 13 : index
    %swap3A_256 = arith.constant 0 : index
    %swap3A_257 = vector.load %arg8[%swap3A_254, %swap3A_255, %swap3A_256] : memref<1x32x128xi32, #tpu.memory_space<vmem>>, vector<1x1x128xi32>
    %swap3A_258 = vector.shape_cast %swap3A_257 : vector<1x1x128xi32> to vector<1x128xi32>
    %swap3A_259 = vector.shape_cast %broadcast_in_dim3A_253 : vector<1x128xi32> to vector<1x1x128xi32>
    tpu.vector_store %arg8[%swap3A_254, %swap3A_255, %swap3A_256], %swap3A_259 {strides = array<i32>} : memref<1x32x128xi32, #tpu.memory_space<vmem>>, vector<1x1x128xi32>,
    %broadcast_in_dim3A_260 = vector.shape_cast %argmin3A_250 : vector<128xi32> to vector<128x1xi32>
    %eq3A_261 = vector.broadcast %broadcast_in_dim3A_260 : vector<128x1xi32> to vector<128x2048xi32>
    %eq3A_262 = arith.cmpi eq, %iota3A, %eq3A_261 : vector<128x2048xi32>
    %jit3A_263 = arith.constant 0x7F800000 : f32
    %broadcast_in_dim3A_264 = vector.broadcast %jit3A_263 : f32 to vector<128x2048xf32>
    %select_n3A_265 = arith.select %eq3A_262, %broadcast_in_dim3A_264, %select_n3A_249 : vector<128x2048xi1>, vector<128x2048xf32>
    %argmin3A_266 = tpu.reduce_index %select_n3A_265 {axis = 1 : i32, kind = #tpu.reduction_kind<arg_min>} : vector<128x2048xf32> -> vector<128xi32>
    %add3A_267 = vector.broadcast %mul3A_46 : i32 to vector<128xi32>
    %add3A_268 = arith.addi %argmin3A_266, %add3A_267 : vector<128xi32>
    %broadcast_in_dim3A_269 = vector.shape_cast %add3A_268 : vector<128xi32> to vector<1x128xi32>
    %swap3A_270 = arith.constant 0 : index
    %swap3A_271 = arith.constant 14 : index
    %swap3A_272 = arith.constant 0 : index
    %swap3A_273 = vector.load %arg8[%swap3A_270, %swap3A_271, %swap3A_272] : memref<1x32x128xi32, #tpu.memory_space<vmem>>, vector<1x1x128xi32>
    %swap3A_274 = vector.shape_cast %swap3A_273 : vector<1x1x128xi32> to vector<1x128xi32>
    %swap3A_275 = vector.shape_cast %broadcast_in_dim3A_269 : vector<1x128xi32> to vector<1x1x128xi32>
    tpu.vector_store %arg8[%swap3A_270, %swap3A_271, %swap3A_272], %swap3A_275 {strides = array<i32>} : memref<1x32x128xi32, #tpu.memory_space<vmem>>, vector<1x1x128xi32>,
    %broadcast_in_dim3A_276 = vector.shape_cast %argmin3A_266 : vector<128xi32> to vector<128x1xi32>
    %eq3A_277 = vector.broadcast %broadcast_in_dim3A_276 : vector<128x1xi32> to vector<128x2048xi32>
    %eq3A_278 = arith.cmpi eq, %iota3A, %eq3A_277 : vector<128x2048xi32>
    %jit3A_279 = arith.constant 0x7F800000 : f32
    %broadcast_in_dim3A_280 = vector.broadcast %jit3A_279 : f32 to vector<128x2048xf32>
    %select_n3A_281 = arith.select %eq3A_278, %broadcast_in_dim3A_280, %select_n3A_265 : vector<128x2048xi1>, vector<128x2048xf32>
    %argmin3A_282 = tpu.reduce_index %select_n3A_281 {axis = 1 : i32, kind = #tpu.reduction_kind<arg_min>} : vector<128x2048xf32> -> vector<128xi32>
    %add3A_283 = vector.broadcast %mul3A_46 : i32 to vector<128xi32>
    %add3A_284 = arith.addi %argmin3A_282, %add3A_283 : vector<128xi32>
    %broadcast_in_dim3A_285 = vector.shape_cast %add3A_284 : vector<128xi32> to vector<1x128xi32>
    %swap3A_286 = arith.constant 0 : index
    %swap3A_287 = arith.constant 15 : index
    %swap3A_288 = arith.constant 0 : index
    %swap3A_289 = vector.load %arg8[%swap3A_286, %swap3A_287, %swap3A_288] : memref<1x32x128xi32, #tpu.memory_space<vmem>>, vector<1x1x128xi32>
    %swap3A_290 = vector.shape_cast %swap3A_289 : vector<1x1x128xi32> to vector<1x128xi32>
    %swap3A_291 = vector.shape_cast %broadcast_in_dim3A_285 : vector<1x128xi32> to vector<1x1x128xi32>
    tpu.vector_store %arg8[%swap3A_286, %swap3A_287, %swap3A_288], %swap3A_291 {strides = array<i32>} : memref<1x32x128xi32, #tpu.memory_space<vmem>>, vector<1x1x128xi32>,
    %broadcast_in_dim3A_292 = vector.shape_cast %argmin3A_282 : vector<128xi32> to vector<128x1xi32>
    %eq3A_293 = vector.broadcast %broadcast_in_dim3A_292 : vector<128x1xi32> to vector<128x2048xi32>
    %eq3A_294 = arith.cmpi eq, %iota3A, %eq3A_293 : vector<128x2048xi32>
    %jit3A_295 = arith.constant 0x7F800000 : f32
    %broadcast_in_dim3A_296 = vector.broadcast %jit3A_295 : f32 to vector<128x2048xf32>
    %select_n3A_297 = arith.select %eq3A_294, %broadcast_in_dim3A_296, %select_n3A_281 : vector<128x2048xi1>, vector<128x2048xf32>
    %argmin3A_298 = tpu.reduce_index %select_n3A_297 {axis = 1 : i32, kind = #tpu.reduction_kind<arg_min>} : vector<128x2048xf32> -> vector<128xi32>
    %add3A_299 = vector.broadcast %mul3A_46 : i32 to vector<128xi32>
    %add3A_300 = arith.addi %argmin3A_298, %add3A_299 : vector<128xi32>
    %broadcast_in_dim3A_301 = vector.shape_cast %add3A_300 : vector<128xi32> to vector<1x128xi32>
    %swap3A_302 = arith.constant 0 : index
    %swap3A_303 = arith.constant 16 : index
    %swap3A_304 = arith.constant 0 : index
    %swap3A_305 = vector.load %arg8[%swap3A_302, %swap3A_303, %swap3A_304] : memref<1x32x128xi32, #tpu.memory_space<vmem>>, vector<1x1x128xi32>
    %swap3A_306 = vector.shape_cast %swap3A_305 : vector<1x1x128xi32> to vector<1x128xi32>
    %swap3A_307 = vector.shape_cast %broadcast_in_dim3A_301 : vector<1x128xi32> to vector<1x1x128xi32>
    tpu.vector_store %arg8[%swap3A_302, %swap3A_303, %swap3A_304], %swap3A_307 {strides = array<i32>} : memref<1x32x128xi32, #tpu.memory_space<vmem>>, vector<1x1x128xi32>,
    %broadcast_in_dim3A_308 = vector.shape_cast %argmin3A_298 : vector<128xi32> to vector<128x1xi32>
    %eq3A_309 = vector.broadcast %broadcast_in_dim3A_308 : vector<128x1xi32> to vector<128x2048xi32>
    %eq3A_310 = arith.cmpi eq, %iota3A, %eq3A_309 : vector<128x2048xi32>
    %jit3A_311 = arith.constant 0x7F800000 : f32
    %broadcast_in_dim3A_312 = vector.broadcast %jit3A_311 : f32 to vector<128x2048xf32>
    %select_n3A_313 = arith.select %eq3A_310, %broadcast_in_dim3A_312, %select_n3A_297 : vector<128x2048xi1>, vector<128x2048xf32>
    %argmin3A_314 = tpu.reduce_index %select_n3A_313 {axis = 1 : i32, kind = #tpu.reduction_kind<arg_min>} : vector<128x2048xf32> -> vector<128xi32>
    %add3A_315 = vector.broadcast %mul3A_46 : i32 to vector<128xi32>
    %add3A_316 = arith.addi %argmin3A_314, %add3A_315 : vector<128xi32>
    %broadcast_in_dim3A_317 = vector.shape_cast %add3A_316 : vector<128xi32> to vector<1x128xi32>
    %swap3A_318 = arith.constant 0 : index
    %swap3A_319 = arith.constant 17 : index
    %swap3A_320 = arith.constant 0 : index
    %swap3A_321 = vector.load %arg8[%swap3A_318, %swap3A_319, %swap3A_320] : memref<1x32x128xi32, #tpu.memory_space<vmem>>, vector<1x1x128xi32>
    %swap3A_322 = vector.shape_cast %swap3A_321 : vector<1x1x128xi32> to vector<1x128xi32>
    %swap3A_323 = vector.shape_cast %broadcast_in_dim3A_317 : vector<1x128xi32> to vector<1x1x128xi32>
    tpu.vector_store %arg8[%swap3A_318, %swap3A_319, %swap3A_320], %swap3A_323 {strides = array<i32>} : memref<1x32x128xi32, #tpu.memory_space<vmem>>, vector<1x1x128xi32>,
    %broadcast_in_dim3A_324 = vector.shape_cast %argmin3A_314 : vector<128xi32> to vector<128x1xi32>
    %eq3A_325 = vector.broadcast %broadcast_in_dim3A_324 : vector<128x1xi32> to vector<128x2048xi32>
    %eq3A_326 = arith.cmpi eq, %iota3A, %eq3A_325 : vector<128x2048xi32>
    %jit3A_327 = arith.constant 0x7F800000 : f32
    %broadcast_in_dim3A_328 = vector.broadcast %jit3A_327 : f32 to vector<128x2048xf32>
    %select_n3A_329 = arith.select %eq3A_326, %broadcast_in_dim3A_328, %select_n3A_313 : vector<128x2048xi1>, vector<128x2048xf32>
    %argmin3A_330 = tpu.reduce_index %select_n3A_329 {axis = 1 : i32, kind = #tpu.reduction_kind<arg_min>} : vector<128x2048xf32> -> vector<128xi32>
    %add3A_331 = vector.broadcast %mul3A_46 : i32 to vector<128xi32>
    %add3A_332 = arith.addi %argmin3A_330, %add3A_331 : vector<128xi32>
    %broadcast_in_dim3A_333 = vector.shape_cast %add3A_332 : vector<128xi32> to vector<1x128xi32>
    %swap3A_334 = arith.constant 0 : index
    %swap3A_335 = arith.constant 18 : index
    %swap3A_336 = arith.constant 0 : index
    %swap3A_337 = vector.load %arg8[%swap3A_334, %swap3A_335, %swap3A_336] : memref<1x32x128xi32, #tpu.memory_space<vmem>>, vector<1x1x128xi32>
    %swap3A_338 = vector.shape_cast %swap3A_337 : vector<1x1x128xi32> to vector<1x128xi32>
    %swap3A_339 = vector.shape_cast %broadcast_in_dim3A_333 : vector<1x128xi32> to vector<1x1x128xi32>
    tpu.vector_store %arg8[%swap3A_334, %swap3A_335, %swap3A_336], %swap3A_339 {strides = array<i32>} : memref<1x32x128xi32, #tpu.memory_space<vmem>>, vector<1x1x128xi32>,
    %broadcast_in_dim3A_340 = vector.shape_cast %argmin3A_330 : vector<128xi32> to vector<128x1xi32>
    %eq3A_341 = vector.broadcast %broadcast_in_dim3A_340 : vector<128x1xi32> to vector<128x2048xi32>
    %eq3A_342 = arith.cmpi eq, %iota3A, %eq3A_341 : vector<128x2048xi32>
    %jit3A_343 = arith.constant 0x7F800000 : f32
    %broadcast_in_dim3A_344 = vector.broadcast %jit3A_343 : f32 to vector<128x2048xf32>
    %select_n3A_345 = arith.select %eq3A_342, %broadcast_in_dim3A_344, %select_n3A_329 : vector<128x2048xi1>, vector<128x2048xf32>
    %argmin3A_346 = tpu.reduce_index %select_n3A_345 {axis = 1 : i32, kind = #tpu.reduction_kind<arg_min>} : vector<128x2048xf32> -> vector<128xi32>
    %add3A_347 = vector.broadcast %mul3A_46 : i32 to vector<128xi32>
    %add3A_348 = arith.addi %argmin3A_346, %add3A_347 : vector<128xi32>
    %broadcast_in_dim3A_349 = vector.shape_cast %add3A_348 : vector<128xi32> to vector<1x128xi32>
    %swap3A_350 = arith.constant 0 : index
    %swap3A_351 = arith.constant 19 : index
    %swap3A_352 = arith.constant 0 : index
    %swap3A_353 = vector.load %arg8[%swap3A_350, %swap3A_351, %swap3A_352] : memref<1x32x128xi32, #tpu.memory_space<vmem>>, vector<1x1x128xi32>
    %swap3A_354 = vector.shape_cast %swap3A_353 : vector<1x1x128xi32> to vector<1x128xi32>
    %swap3A_355 = vector.shape_cast %broadcast_in_dim3A_349 : vector<1x128xi32> to vector<1x1x128xi32>
    tpu.vector_store %arg8[%swap3A_350, %swap3A_351, %swap3A_352], %swap3A_355 {strides = array<i32>} : memref<1x32x128xi32, #tpu.memory_space<vmem>>, vector<1x1x128xi32>,
    %broadcast_in_dim3A_356 = vector.shape_cast %argmin3A_346 : vector<128xi32> to vector<128x1xi32>
    %eq3A_357 = vector.broadcast %broadcast_in_dim3A_356 : vector<128x1xi32> to vector<128x2048xi32>
    %eq3A_358 = arith.cmpi eq, %iota3A, %eq3A_357 : vector<128x2048xi32>
    %jit3A_359 = arith.constant 0x7F800000 : f32
    %broadcast_in_dim3A_360 = vector.broadcast %jit3A_359 : f32 to vector<128x2048xf32>
    %select_n3A_361 = arith.select %eq3A_358, %broadcast_in_dim3A_360, %select_n3A_345 : vector<128x2048xi1>, vector<128x2048xf32>
    %argmin3A_362 = tpu.reduce_index %select_n3A_361 {axis = 1 : i32, kind = #tpu.reduction_kind<arg_min>} : vector<128x2048xf32> -> vector<128xi32>
    %add3A_363 = vector.broadcast %mul3A_46 : i32 to vector<128xi32>
    %add3A_364 = arith.addi %argmin3A_362, %add3A_363 : vector<128xi32>
    %broadcast_in_dim3A_365 = vector.shape_cast %add3A_364 : vector<128xi32> to vector<1x128xi32>
    %swap3A_366 = arith.constant 0 : index
    %swap3A_367 = arith.constant 20 : index
    %swap3A_368 = arith.constant 0 : index
    %swap3A_369 = vector.load %arg8[%swap3A_366, %swap3A_367, %swap3A_368] : memref<1x32x128xi32, #tpu.memory_space<vmem>>, vector<1x1x128xi32>
    %swap3A_370 = vector.shape_cast %swap3A_369 : vector<1x1x128xi32> to vector<1x128xi32>
    %swap3A_371 = vector.shape_cast %broadcast_in_dim3A_365 : vector<1x128xi32> to vector<1x1x128xi32>
    tpu.vector_store %arg8[%swap3A_366, %swap3A_367, %swap3A_368], %swap3A_371 {strides = array<i32>} : memref<1x32x128xi32, #tpu.memory_space<vmem>>, vector<1x1x128xi32>,
    %broadcast_in_dim3A_372 = vector.shape_cast %argmin3A_362 : vector<128xi32> to vector<128x1xi32>
    %eq3A_373 = vector.broadcast %broadcast_in_dim3A_372 : vector<128x1xi32> to vector<128x2048xi32>
    %eq3A_374 = arith.cmpi eq, %iota3A, %eq3A_373 : vector<128x2048xi32>
    %jit3A_375 = arith.constant 0x7F800000 : f32
    %broadcast_in_dim3A_376 = vector.broadcast %jit3A_375 : f32 to vector<128x2048xf32>
    %select_n3A_377 = arith.select %eq3A_374, %broadcast_in_dim3A_376, %select_n3A_361 : vector<128x2048xi1>, vector<128x2048xf32>
    %argmin3A_378 = tpu.reduce_index %select_n3A_377 {axis = 1 : i32, kind = #tpu.reduction_kind<arg_min>} : vector<128x2048xf32> -> vector<128xi32>
    %add3A_379 = vector.broadcast %mul3A_46 : i32 to vector<128xi32>
    %add3A_380 = arith.addi %argmin3A_378, %add3A_379 : vector<128xi32>
    %broadcast_in_dim3A_381 = vector.shape_cast %add3A_380 : vector<128xi32> to vector<1x128xi32>
    %swap3A_382 = arith.constant 0 : index
    %swap3A_383 = arith.constant 21 : index
    %swap3A_384 = arith.constant 0 : index
    %swap3A_385 = vector.load %arg8[%swap3A_382, %swap3A_383, %swap3A_384] : memref<1x32x128xi32, #tpu.memory_space<vmem>>, vector<1x1x128xi32>
    %swap3A_386 = vector.shape_cast %swap3A_385 : vector<1x1x128xi32> to vector<1x128xi32>
    %swap3A_387 = vector.shape_cast %broadcast_in_dim3A_381 : vector<1x128xi32> to vector<1x1x128xi32>
    tpu.vector_store %arg8[%swap3A_382, %swap3A_383, %swap3A_384], %swap3A_387 {strides = array<i32>} : memref<1x32x128xi32, #tpu.memory_space<vmem>>, vector<1x1x128xi32>,
    %broadcast_in_dim3A_388 = vector.shape_cast %argmin3A_378 : vector<128xi32> to vector<128x1xi32>
    %eq3A_389 = vector.broadcast %broadcast_in_dim3A_388 : vector<128x1xi32> to vector<128x2048xi32>
    %eq3A_390 = arith.cmpi eq, %iota3A, %eq3A_389 : vector<128x2048xi32>
    %jit3A_391 = arith.constant 0x7F800000 : f32
    %broadcast_in_dim3A_392 = vector.broadcast %jit3A_391 : f32 to vector<128x2048xf32>
    %select_n3A_393 = arith.select %eq3A_390, %broadcast_in_dim3A_392, %select_n3A_377 : vector<128x2048xi1>, vector<128x2048xf32>
    %argmin3A_394 = tpu.reduce_index %select_n3A_393 {axis = 1 : i32, kind = #tpu.reduction_kind<arg_min>} : vector<128x2048xf32> -> vector<128xi32>
    %add3A_395 = vector.broadcast %mul3A_46 : i32 to vector<128xi32>
    %add3A_396 = arith.addi %argmin3A_394, %add3A_395 : vector<128xi32>
    %broadcast_in_dim3A_397 = vector.shape_cast %add3A_396 : vector<128xi32> to vector<1x128xi32>
    %swap3A_398 = arith.constant 0 : index
    %swap3A_399 = arith.constant 22 : index
    %swap3A_400 = arith.constant 0 : index
    %swap3A_401 = vector.load %arg8[%swap3A_398, %swap3A_399, %swap3A_400] : memref<1x32x128xi32, #tpu.memory_space<vmem>>, vector<1x1x128xi32>
    %swap3A_402 = vector.shape_cast %swap3A_401 : vector<1x1x128xi32> to vector<1x128xi32>
    %swap3A_403 = vector.shape_cast %broadcast_in_dim3A_397 : vector<1x128xi32> to vector<1x1x128xi32>
    tpu.vector_store %arg8[%swap3A_398, %swap3A_399, %swap3A_400], %swap3A_403 {strides = array<i32>} : memref<1x32x128xi32, #tpu.memory_space<vmem>>, vector<1x1x128xi32>,
    %broadcast_in_dim3A_404 = vector.shape_cast %argmin3A_394 : vector<128xi32> to vector<128x1xi32>
    %eq3A_405 = vector.broadcast %broadcast_in_dim3A_404 : vector<128x1xi32> to vector<128x2048xi32>
    %eq3A_406 = arith.cmpi eq, %iota3A, %eq3A_405 : vector<128x2048xi32>
    %jit3A_407 = arith.constant 0x7F800000 : f32
    %broadcast_in_dim3A_408 = vector.broadcast %jit3A_407 : f32 to vector<128x2048xf32>
    %select_n3A_409 = arith.select %eq3A_406, %broadcast_in_dim3A_408, %select_n3A_393 : vector<128x2048xi1>, vector<128x2048xf32>
    %argmin3A_410 = tpu.reduce_index %select_n3A_409 {axis = 1 : i32, kind = #tpu.reduction_kind<arg_min>} : vector<128x2048xf32> -> vector<128xi32>
    %add3A_411 = vector.broadcast %mul3A_46 : i32 to vector<128xi32>
    %add3A_412 = arith.addi %argmin3A_410, %add3A_411 : vector<128xi32>
    %broadcast_in_dim3A_413 = vector.shape_cast %add3A_412 : vector<128xi32> to vector<1x128xi32>
    %swap3A_414 = arith.constant 0 : index
    %swap3A_415 = arith.constant 23 : index
    %swap3A_416 = arith.constant 0 : index
    %swap3A_417 = vector.load %arg8[%swap3A_414, %swap3A_415, %swap3A_416] : memref<1x32x128xi32, #tpu.memory_space<vmem>>, vector<1x1x128xi32>
    %swap3A_418 = vector.shape_cast %swap3A_417 : vector<1x1x128xi32> to vector<1x128xi32>
    %swap3A_419 = vector.shape_cast %broadcast_in_dim3A_413 : vector<1x128xi32> to vector<1x1x128xi32>
    tpu.vector_store %arg8[%swap3A_414, %swap3A_415, %swap3A_416], %swap3A_419 {strides = array<i32>} : memref<1x32x128xi32, #tpu.memory_space<vmem>>, vector<1x1x128xi32>,
    %broadcast_in_dim3A_420 = vector.shape_cast %argmin3A_410 : vector<128xi32> to vector<128x1xi32>
    %eq3A_421 = vector.broadcast %broadcast_in_dim3A_420 : vector<128x1xi32> to vector<128x2048xi32>
    %eq3A_422 = arith.cmpi eq, %iota3A, %eq3A_421 : vector<128x2048xi32>
    %jit3A_423 = arith.constant 0x7F800000 : f32
    %broadcast_in_dim3A_424 = vector.broadcast %jit3A_423 : f32 to vector<128x2048xf32>
    %select_n3A_425 = arith.select %eq3A_422, %broadcast_in_dim3A_424, %select_n3A_409 : vector<128x2048xi1>, vector<128x2048xf32>
    %argmin3A_426 = tpu.reduce_index %select_n3A_425 {axis = 1 : i32, kind = #tpu.reduction_kind<arg_min>} : vector<128x2048xf32> -> vector<128xi32>
    %add3A_427 = vector.broadcast %mul3A_46 : i32 to vector<128xi32>
    %add3A_428 = arith.addi %argmin3A_426, %add3A_427 : vector<128xi32>
    %broadcast_in_dim3A_429 = vector.shape_cast %add3A_428 : vector<128xi32> to vector<1x128xi32>
    %swap3A_430 = arith.constant 0 : index
    %swap3A_431 = arith.constant 24 : index
    %swap3A_432 = arith.constant 0 : index
    %swap3A_433 = vector.load %arg8[%swap3A_430, %swap3A_431, %swap3A_432] : memref<1x32x128xi32, #tpu.memory_space<vmem>>, vector<1x1x128xi32>
    %swap3A_434 = vector.shape_cast %swap3A_433 : vector<1x1x128xi32> to vector<1x128xi32>
    %swap3A_435 = vector.shape_cast %broadcast_in_dim3A_429 : vector<1x128xi32> to vector<1x1x128xi32>
    tpu.vector_store %arg8[%swap3A_430, %swap3A_431, %swap3A_432], %swap3A_435 {strides = array<i32>} : memref<1x32x128xi32, #tpu.memory_space<vmem>>, vector<1x1x128xi32>,
    %broadcast_in_dim3A_436 = vector.shape_cast %argmin3A_426 : vector<128xi32> to vector<128x1xi32>
    %eq3A_437 = vector.broadcast %broadcast_in_dim3A_436 : vector<128x1xi32> to vector<128x2048xi32>
    %eq3A_438 = arith.cmpi eq, %iota3A, %eq3A_437 : vector<128x2048xi32>
    %jit3A_439 = arith.constant 0x7F800000 : f32
    %broadcast_in_dim3A_440 = vector.broadcast %jit3A_439 : f32 to vector<128x2048xf32>
    %select_n3A_441 = arith.select %eq3A_438, %broadcast_in_dim3A_440, %select_n3A_425 : vector<128x2048xi1>, vector<128x2048xf32>
    %argmin3A_442 = tpu.reduce_index %select_n3A_441 {axis = 1 : i32, kind = #tpu.reduction_kind<arg_min>} : vector<128x2048xf32> -> vector<128xi32>
    %add3A_443 = vector.broadcast %mul3A_46 : i32 to vector<128xi32>
    %add3A_444 = arith.addi %argmin3A_442, %add3A_443 : vector<128xi32>
    %broadcast_in_dim3A_445 = vector.shape_cast %add3A_444 : vector<128xi32> to vector<1x128xi32>
    %swap3A_446 = arith.constant 0 : index
    %swap3A_447 = arith.constant 25 : index
    %swap3A_448 = arith.constant 0 : index
    %swap3A_449 = vector.load %arg8[%swap3A_446, %swap3A_447, %swap3A_448] : memref<1x32x128xi32, #tpu.memory_space<vmem>>, vector<1x1x128xi32>
    %swap3A_450 = vector.shape_cast %swap3A_449 : vector<1x1x128xi32> to vector<1x128xi32>
    %swap3A_451 = vector.shape_cast %broadcast_in_dim3A_445 : vector<1x128xi32> to vector<1x1x128xi32>
    tpu.vector_store %arg8[%swap3A_446, %swap3A_447, %swap3A_448], %swap3A_451 {strides = array<i32>} : memref<1x32x128xi32, #tpu.memory_space<vmem>>, vector<1x1x128xi32>,
    %broadcast_in_dim3A_452 = vector.shape_cast %argmin3A_442 : vector<128xi32> to vector<128x1xi32>
    %eq3A_453 = vector.broadcast %broadcast_in_dim3A_452 : vector<128x1xi32> to vector<128x2048xi32>
    %eq3A_454 = arith.cmpi eq, %iota3A, %eq3A_453 : vector<128x2048xi32>
    %jit3A_455 = arith.constant 0x7F800000 : f32
    %broadcast_in_dim3A_456 = vector.broadcast %jit3A_455 : f32 to vector<128x2048xf32>
    %select_n3A_457 = arith.select %eq3A_454, %broadcast_in_dim3A_456, %select_n3A_441 : vector<128x2048xi1>, vector<128x2048xf32>
    %argmin3A_458 = tpu.reduce_index %select_n3A_457 {axis = 1 : i32, kind = #tpu.reduction_kind<arg_min>} : vector<128x2048xf32> -> vector<128xi32>
    %add3A_459 = vector.broadcast %mul3A_46 : i32 to vector<128xi32>
    %add3A_460 = arith.addi %argmin3A_458, %add3A_459 : vector<128xi32>
    %broadcast_in_dim3A_461 = vector.shape_cast %add3A_460 : vector<128xi32> to vector<1x128xi32>
    %swap3A_462 = arith.constant 0 : index
    %swap3A_463 = arith.constant 26 : index
    %swap3A_464 = arith.constant 0 : index
    %swap3A_465 = vector.load %arg8[%swap3A_462, %swap3A_463, %swap3A_464] : memref<1x32x128xi32, #tpu.memory_space<vmem>>, vector<1x1x128xi32>
    %swap3A_466 = vector.shape_cast %swap3A_465 : vector<1x1x128xi32> to vector<1x128xi32>
    %swap3A_467 = vector.shape_cast %broadcast_in_dim3A_461 : vector<1x128xi32> to vector<1x1x128xi32>
    tpu.vector_store %arg8[%swap3A_462, %swap3A_463, %swap3A_464], %swap3A_467 {strides = array<i32>} : memref<1x32x128xi32, #tpu.memory_space<vmem>>, vector<1x1x128xi32>,
    %broadcast_in_dim3A_468 = vector.shape_cast %argmin3A_458 : vector<128xi32> to vector<128x1xi32>
    %eq3A_469 = vector.broadcast %broadcast_in_dim3A_468 : vector<128x1xi32> to vector<128x2048xi32>
    %eq3A_470 = arith.cmpi eq, %iota3A, %eq3A_469 : vector<128x2048xi32>
    %jit3A_471 = arith.constant 0x7F800000 : f32
    %broadcast_in_dim3A_472 = vector.broadcast %jit3A_471 : f32 to vector<128x2048xf32>
    %select_n3A_473 = arith.select %eq3A_470, %broadcast_in_dim3A_472, %select_n3A_457 : vector<128x2048xi1>, vector<128x2048xf32>
    %argmin3A_474 = tpu.reduce_index %select_n3A_473 {axis = 1 : i32, kind = #tpu.reduction_kind<arg_min>} : vector<128x2048xf32> -> vector<128xi32>
    %add3A_475 = vector.broadcast %mul3A_46 : i32 to vector<128xi32>
    %add3A_476 = arith.addi %argmin3A_474, %add3A_475 : vector<128xi32>
    %broadcast_in_dim3A_477 = vector.shape_cast %add3A_476 : vector<128xi32> to vector<1x128xi32>
    %swap3A_478 = arith.constant 0 : index
    %swap3A_479 = arith.constant 27 : index
    %swap3A_480 = arith.constant 0 : index
    %swap3A_481 = vector.load %arg8[%swap3A_478, %swap3A_479, %swap3A_480] : memref<1x32x128xi32, #tpu.memory_space<vmem>>, vector<1x1x128xi32>
    %swap3A_482 = vector.shape_cast %swap3A_481 : vector<1x1x128xi32> to vector<1x128xi32>
    %swap3A_483 = vector.shape_cast %broadcast_in_dim3A_477 : vector<1x128xi32> to vector<1x1x128xi32>
    tpu.vector_store %arg8[%swap3A_478, %swap3A_479, %swap3A_480], %swap3A_483 {strides = array<i32>} : memref<1x32x128xi32, #tpu.memory_space<vmem>>, vector<1x1x128xi32>,
    %broadcast_in_dim3A_484 = vector.shape_cast %argmin3A_474 : vector<128xi32> to vector<128x1xi32>
    %eq3A_485 = vector.broadcast %broadcast_in_dim3A_484 : vector<128x1xi32> to vector<128x2048xi32>
    %eq3A_486 = arith.cmpi eq, %iota3A, %eq3A_485 : vector<128x2048xi32>
    %jit3A_487 = arith.constant 0x7F800000 : f32
    %broadcast_in_dim3A_488 = vector.broadcast %jit3A_487 : f32 to vector<128x2048xf32>
    %select_n3A_489 = arith.select %eq3A_486, %broadcast_in_dim3A_488, %select_n3A_473 : vector<128x2048xi1>, vector<128x2048xf32>
    %argmin3A_490 = tpu.reduce_index %select_n3A_489 {axis = 1 : i32, kind = #tpu.reduction_kind<arg_min>} : vector<128x2048xf32> -> vector<128xi32>
    %add3A_491 = vector.broadcast %mul3A_46 : i32 to vector<128xi32>
    %add3A_492 = arith.addi %argmin3A_490, %add3A_491 : vector<128xi32>
    %broadcast_in_dim3A_493 = vector.shape_cast %add3A_492 : vector<128xi32> to vector<1x128xi32>
    %swap3A_494 = arith.constant 0 : index
    %swap3A_495 = arith.constant 28 : index
    %swap3A_496 = arith.constant 0 : index
    %swap3A_497 = vector.load %arg8[%swap3A_494, %swap3A_495, %swap3A_496] : memref<1x32x128xi32, #tpu.memory_space<vmem>>, vector<1x1x128xi32>
    %swap3A_498 = vector.shape_cast %swap3A_497 : vector<1x1x128xi32> to vector<1x128xi32>
    %swap3A_499 = vector.shape_cast %broadcast_in_dim3A_493 : vector<1x128xi32> to vector<1x1x128xi32>
    tpu.vector_store %arg8[%swap3A_494, %swap3A_495, %swap3A_496], %swap3A_499 {strides = array<i32>} : memref<1x32x128xi32, #tpu.memory_space<vmem>>, vector<1x1x128xi32>,
    %broadcast_in_dim3A_500 = vector.shape_cast %argmin3A_490 : vector<128xi32> to vector<128x1xi32>
    %eq3A_501 = vector.broadcast %broadcast_in_dim3A_500 : vector<128x1xi32> to vector<128x2048xi32>
    %eq3A_502 = arith.cmpi eq, %iota3A, %eq3A_501 : vector<128x2048xi32>
    %jit3A_503 = arith.constant 0x7F800000 : f32
    %broadcast_in_dim3A_504 = vector.broadcast %jit3A_503 : f32 to vector<128x2048xf32>
    %select_n3A_505 = arith.select %eq3A_502, %broadcast_in_dim3A_504, %select_n3A_489 : vector<128x2048xi1>, vector<128x2048xf32>
    %argmin3A_506 = tpu.reduce_index %select_n3A_505 {axis = 1 : i32, kind = #tpu.reduction_kind<arg_min>} : vector<128x2048xf32> -> vector<128xi32>
    %add3A_507 = vector.broadcast %mul3A_46 : i32 to vector<128xi32>
    %add3A_508 = arith.addi %argmin3A_506, %add3A_507 : vector<128xi32>
    %broadcast_in_dim3A_509 = vector.shape_cast %add3A_508 : vector<128xi32> to vector<1x128xi32>
    %swap3A_510 = arith.constant 0 : index
    %swap3A_511 = arith.constant 29 : index
    %swap3A_512 = arith.constant 0 : index
    %swap3A_513 = vector.load %arg8[%swap3A_510, %swap3A_511, %swap3A_512] : memref<1x32x128xi32, #tpu.memory_space<vmem>>, vector<1x1x128xi32>
    %swap3A_514 = vector.shape_cast %swap3A_513 : vector<1x1x128xi32> to vector<1x128xi32>
    %swap3A_515 = vector.shape_cast %broadcast_in_dim3A_509 : vector<1x128xi32> to vector<1x1x128xi32>
    tpu.vector_store %arg8[%swap3A_510, %swap3A_511, %swap3A_512], %swap3A_515 {strides = array<i32>} : memref<1x32x128xi32, #tpu.memory_space<vmem>>, vector<1x1x128xi32>,
    %broadcast_in_dim3A_516 = vector.shape_cast %argmin3A_506 : vector<128xi32> to vector<128x1xi32>
    %eq3A_517 = vector.broadcast %broadcast_in_dim3A_516 : vector<128x1xi32> to vector<128x2048xi32>
    %eq3A_518 = arith.cmpi eq, %iota3A, %eq3A_517 : vector<128x2048xi32>
    %jit3A_519 = arith.constant 0x7F800000 : f32
    %broadcast_in_dim3A_520 = vector.broadcast %jit3A_519 : f32 to vector<128x2048xf32>
    %select_n3A_521 = arith.select %eq3A_518, %broadcast_in_dim3A_520, %select_n3A_505 : vector<128x2048xi1>, vector<128x2048xf32>
    %argmin3A_522 = tpu.reduce_index %select_n3A_521 {axis = 1 : i32, kind = #tpu.reduction_kind<arg_min>} : vector<128x2048xf32> -> vector<128xi32>
    %add3A_523 = vector.broadcast %mul3A_46 : i32 to vector<128xi32>
    %add3A_524 = arith.addi %argmin3A_522, %add3A_523 : vector<128xi32>
    %broadcast_in_dim3A_525 = vector.shape_cast %add3A_524 : vector<128xi32> to vector<1x128xi32>
    %swap3A_526 = arith.constant 0 : index
    %swap3A_527 = arith.constant 30 : index
    %swap3A_528 = arith.constant 0 : index
    %swap3A_529 = vector.load %arg8[%swap3A_526, %swap3A_527, %swap3A_528] : memref<1x32x128xi32, #tpu.memory_space<vmem>>, vector<1x1x128xi32>
    %swap3A_530 = vector.shape_cast %swap3A_529 : vector<1x1x128xi32> to vector<1x128xi32>
    %swap3A_531 = vector.shape_cast %broadcast_in_dim3A_525 : vector<1x128xi32> to vector<1x1x128xi32>
    tpu.vector_store %arg8[%swap3A_526, %swap3A_527, %swap3A_528], %swap3A_531 {strides = array<i32>} : memref<1x32x128xi32, #tpu.memory_space<vmem>>, vector<1x1x128xi32>,
    %broadcast_in_dim3A_532 = vector.shape_cast %argmin3A_522 : vector<128xi32> to vector<128x1xi32>
    %eq3A_533 = vector.broadcast %broadcast_in_dim3A_532 : vector<128x1xi32> to vector<128x2048xi32>
    %eq3A_534 = arith.cmpi eq, %iota3A, %eq3A_533 : vector<128x2048xi32>
    %jit3A_535 = arith.constant 0x7F800000 : f32
    %broadcast_in_dim3A_536 = vector.broadcast %jit3A_535 : f32 to vector<128x2048xf32>
    %select_n3A_537 = arith.select %eq3A_534, %broadcast_in_dim3A_536, %select_n3A_521 : vector<128x2048xi1>, vector<128x2048xf32>
    %argmin3A_538 = tpu.reduce_index %select_n3A_537 {axis = 1 : i32, kind = #tpu.reduction_kind<arg_min>} : vector<128x2048xf32> -> vector<128xi32>
    %add3A_539 = vector.broadcast %mul3A_46 : i32 to vector<128xi32>
    %add3A_540 = arith.addi %argmin3A_538, %add3A_539 : vector<128xi32>
    %broadcast_in_dim3A_541 = vector.shape_cast %add3A_540 : vector<128xi32> to vector<1x128xi32>
    %swap3A_542 = arith.constant 0 : index
    %swap3A_543 = arith.constant 31 : index
    %swap3A_544 = arith.constant 0 : index
    %swap3A_545 = vector.load %arg8[%swap3A_542, %swap3A_543, %swap3A_544] : memref<1x32x128xi32, #tpu.memory_space<vmem>>, vector<1x1x128xi32>
    %swap3A_546 = vector.shape_cast %swap3A_545 : vector<1x1x128xi32> to vector<1x128xi32>
    %swap3A_547 = vector.shape_cast %broadcast_in_dim3A_541 : vector<1x128xi32> to vector<1x1x128xi32>
    tpu.vector_store %arg8[%swap3A_542, %swap3A_543, %swap3A_544], %swap3A_547 {strides = array<i32>} : memref<1x32x128xi32, #tpu.memory_space<vmem>>, vector<1x1x128xi32>,
    return
  }
  func.func @transform_0(%arg0: i32, %arg1: i32) -> (i32, i32, i32) {
    %c0_i32 = arith.constant 0 : i32
    %c0_i32_0 = arith.constant 0 : i32
    %c0_i32_1 = arith.constant 0 : i32
    return %arg0, %c0_i32, %c0_i32_0 : i32, i32, i32
  }
  func.func @transform_1(%arg0: i32, %arg1: i32) -> (i32, i32, i32) {
    %c0_i32 = arith.constant 0 : i32
    %c0_i32_0 = arith.constant 0 : i32
    %c0_i32_1 = arith.constant 0 : i32
    return %arg0, %c0_i32, %c0_i32_0 : i32, i32, i32
  }
  func.func @transform_2(%arg0: i32, %arg1: i32) -> (i32, i32, i32) {
    %c0_i32 = arith.constant 0 : i32
    %c0_i32_0 = arith.constant 0 : i32
    %c0_i32_1 = arith.constant 0 : i32
    return %arg0, %c0_i32, %c0_i32_0 : i32, i32, i32
  }
  func.func @transform_3(%arg0: i32, %arg1: i32) -> (i32, i32, i32) {
    %c0_i32 = arith.constant 0 : i32
    %c0_i32_0 = arith.constant 0 : i32
    return %arg0, %c0_i32, %arg1 : i32, i32, i32
  }
  func.func @transform_4(%arg0: i32, %arg1: i32) -> (i32, i32, i32) {
    %c0_i32 = arith.constant 0 : i32
    %c0_i32_0 = arith.constant 0 : i32
    return %arg0, %c0_i32, %arg1 : i32, i32, i32
  }
  func.func @transform_5(%arg0: i32, %arg1: i32) -> (i32, i32, i32) {
    %c0_i32 = arith.constant 0 : i32
    %c0_i32_0 = arith.constant 0 : i32
    return %arg0, %c0_i32, %arg1 : i32, i32, i32
  }
  func.func @transform_6(%arg0: i32, %arg1: i32) -> (i32, i32, i32) {
    %c0_i32 = arith.constant 0 : i32
    %c0_i32_0 = arith.constant 0 : i32
    return %arg0, %c0_i32, %arg1 : i32, i32, i32
  }
}

module attributes {stable_mosaic.version = 14 : i64} {
  func.func @_proj_body(%arg0: i32, %arg1: memref<2048x3xf32, #tpu.memory_space<vmem>>, %arg2: memref<2048x32xf32, #tpu.memory_space<vmem>>, %arg3: memref<32x128xf32, #tpu.memory_space<vmem>>, %arg4: memref<3x128xf32, #tpu.memory_space<vmem>>, %arg5: memref<2048x128xf32, #tpu.memory_space<vmem>>) attributes {dimension_semantics = [#tpu.dimension_semantics<arbitrary>], iteration_bounds = array<i64: 8>, scalar_prefetch = 0 : i64, scratch_operands = 0 : i64, tpu.core_type = #tpu.core_type<tc>, window_params = [{transform_indices = @transform_0, window_bounds = array<i64: 2048, 3>}, {transform_indices = @transform_1, window_bounds = array<i64: 2048, 32>}, {pipeline_mode = #tpu.pipeline_mode<synchronous>, transform_indices = @transform_2, window_bounds = array<i64: 32, 128>}, {pipeline_mode = #tpu.pipeline_mode<synchronous>, transform_indices = @transform_3, window_bounds = array<i64: 3, 128>}, {transform_indices = @transform_4, window_bounds = array<i64: 2048, 128>}]} {
    %get3A = arith.constant 0 : index
    %get3A_0 = arith.constant 0 : index
    %get3A_1 = vector.load %arg2[%get3A, %get3A_0] : memref<2048x32xf32, #tpu.memory_space<vmem>>, vector<2048x32xf32>
    %get3A_2 = arith.constant 0 : index
    %get3A_3 = arith.constant 0 : index
    %get3A_4 = vector.load %arg3[%get3A_2, %get3A_3] : memref<32x128xf32, #tpu.memory_space<vmem>>, vector<32x128xf32>
    %dot_general3A = arith.constant dense<0.000000e+00> : vector<2048x128xf32>
    %dot_general3A_5 = tpu.matmul %get3A_1, %get3A_4, %dot_general3A {dimension_numbers = #tpu.dot_dimension_numbers<[1], [0], [0], [1], [0, 0, 1, 1], [], []>, transpose_lhs_hint = false} : vector<2048x32xf32>, vector<32x128xf32>, vector<2048x128xf32> -> vector<2048x128xf32>
    %get3A_6 = arith.constant 0 : index
    %get3A_7 = arith.constant 0 : index
    %get3A_8 = vector.load %arg1[%get3A_6, %get3A_7] : memref<2048x3xf32, #tpu.memory_space<vmem>>, vector<2048x3xf32>
    %get3A_9 = arith.constant 0 : index
    %get3A_10 = arith.constant 0 : index
    %get3A_11 = vector.load %arg4[%get3A_9, %get3A_10] : memref<3x128xf32, #tpu.memory_space<vmem>>, vector<3x128xf32>
    %slice3A = vector.extract_strided_slice %get3A_8 {offsets = [0, 0], sizes = [2048, 1], strides = [1, 1]} : vector<2048x3xf32> to vector<2048x1xf32>
    %slice3A_12 = vector.extract_strided_slice %get3A_11 {offsets = [0, 0], sizes = [1, 128], strides = [1, 1]} : vector<3x128xf32> to vector<1x128xf32>
    %mul3A = vector.broadcast %slice3A : vector<2048x1xf32> to vector<2048x128xf32>
    %mul3A_13 = vector.broadcast %slice3A_12 : vector<1x128xf32> to vector<2048x128xf32>
    %mul3A_14 = arith.mulf %mul3A, %mul3A_13 : vector<2048x128xf32>
    %add3A = arith.addf %dot_general3A_5, %mul3A_14 : vector<2048x128xf32>
    %slice3A_15 = vector.extract_strided_slice %get3A_8 {offsets = [0, 1], sizes = [2048, 1], strides = [1, 1]} : vector<2048x3xf32> to vector<2048x1xf32>
    %slice3A_16 = vector.extract_strided_slice %get3A_11 {offsets = [1, 0], sizes = [1, 128], strides = [1, 1]} : vector<3x128xf32> to vector<1x128xf32>
    %mul3A_17 = vector.broadcast %slice3A_15 : vector<2048x1xf32> to vector<2048x128xf32>
    %mul3A_18 = vector.broadcast %slice3A_16 : vector<1x128xf32> to vector<2048x128xf32>
    %mul3A_19 = arith.mulf %mul3A_17, %mul3A_18 : vector<2048x128xf32>
    %add3A_20 = arith.addf %add3A, %mul3A_19 : vector<2048x128xf32>
    %slice3A_21 = vector.extract_strided_slice %get3A_8 {offsets = [0, 2], sizes = [2048, 1], strides = [1, 1]} : vector<2048x3xf32> to vector<2048x1xf32>
    %slice3A_22 = vector.extract_strided_slice %get3A_11 {offsets = [2, 0], sizes = [1, 128], strides = [1, 1]} : vector<3x128xf32> to vector<1x128xf32>
    %mul3A_23 = vector.broadcast %slice3A_21 : vector<2048x1xf32> to vector<2048x128xf32>
    %mul3A_24 = vector.broadcast %slice3A_22 : vector<1x128xf32> to vector<2048x128xf32>
    %mul3A_25 = arith.mulf %mul3A_23, %mul3A_24 : vector<2048x128xf32>
    %add3A_26 = arith.addf %add3A_20, %mul3A_25 : vector<2048x128xf32>
    %swap3A = arith.constant 0 : index
    %swap3A_27 = arith.constant 0 : index
    %swap3A_28 = vector.load %arg5[%swap3A, %swap3A_27] : memref<2048x128xf32, #tpu.memory_space<vmem>>, vector<2048x128xf32>
    tpu.vector_store %arg5[%swap3A, %swap3A_27], %add3A_26 {strides = array<i32>} : memref<2048x128xf32, #tpu.memory_space<vmem>>, vector<2048x128xf32>,
    return
  }
  func.func @transform_0(%arg0: i32) -> (i32, i32) {
    %c0_i32 = arith.constant 0 : i32
    %c0_i32_0 = arith.constant 0 : i32
    return %arg0, %c0_i32 : i32, i32
  }
  func.func @transform_1(%arg0: i32) -> (i32, i32) {
    %c0_i32 = arith.constant 0 : i32
    %c0_i32_0 = arith.constant 0 : i32
    return %arg0, %c0_i32 : i32, i32
  }
  func.func @transform_2(%arg0: i32) -> (i32, i32) {
    %c0_i32 = arith.constant 0 : i32
    %c0_i32_0 = arith.constant 0 : i32
    %c0_i32_1 = arith.constant 0 : i32
    return %c0_i32, %c0_i32_0 : i32, i32
  }
  func.func @transform_3(%arg0: i32) -> (i32, i32) {
    %c0_i32 = arith.constant 0 : i32
    %c0_i32_0 = arith.constant 0 : i32
    %c0_i32_1 = arith.constant 0 : i32
    return %c0_i32, %c0_i32_0 : i32, i32
  }
  func.func @transform_4(%arg0: i32) -> (i32, i32) {
    %c0_i32 = arith.constant 0 : i32
    %c0_i32_0 = arith.constant 0 : i32
    return %arg0, %c0_i32 : i32, i32
  }
}

module attributes {stable_mosaic.version = 14 : i64} {
  func.func @_mlp_l0_body(%arg0: i32, %arg1: memref<256x32x128xf32, #tpu.memory_space<vmem>>, %arg2: memref<256x3xf32, #tpu.memory_space<vmem>>, %arg3: memref<3x128xf32, #tpu.memory_space<vmem>>, %arg4: memref<4096x64xf32, #tpu.memory_space<vmem>>, %arg5: memref<8192x64xf32, #tpu.memory_space<vmem>>, %arg6: memref<2x64xf32, #tpu.memory_space<vmem>>, %arg7: memref<2x64xf32, #tpu.memory_space<vmem>>) attributes {dimension_semantics = [#tpu.dimension_semantics<arbitrary>], iteration_bounds = array<i64: 16>, scalar_prefetch = 0 : i64, scratch_operands = 0 : i64, tpu.core_type = #tpu.core_type<tc>, window_params = [{transform_indices = @transform_0, window_bounds = array<i64: 256, 32, 128>}, {transform_indices = @transform_1, window_bounds = array<i64: 256, 3>}, {pipeline_mode = #tpu.pipeline_mode<synchronous>, transform_indices = @transform_2, window_bounds = array<i64: 3, 128>}, {transform_indices = @transform_3, window_bounds = array<i64: 4096, 64>}, {transform_indices = @transform_4, window_bounds = array<i64: 8192, 64>}, {pipeline_mode = #tpu.pipeline_mode<synchronous>, transform_indices = @transform_5, window_bounds = array<i64: 2, 64>}, {pipeline_mode = #tpu.pipeline_mode<synchronous>, transform_indices = @transform_6, window_bounds = array<i64: 2, 64>}]} {
    %get3A = arith.constant 0 : index
    %get3A_0 = arith.constant 0 : index
    %get3A_1 = arith.constant 0 : index
    %get3A_2 = vector.load %arg1[%get3A, %get3A_0, %get3A_1] : memref<256x32x128xf32, #tpu.memory_space<vmem>>, vector<256x32x128xf32>
    %get3A_3 = arith.constant 0 : index
    %get3A_4 = arith.constant 0 : index
    %get3A_5 = vector.load %arg2[%get3A_3, %get3A_4] : memref<256x3xf32, #tpu.memory_space<vmem>>, vector<256x3xf32>
    %get3A_6 = arith.constant 0 : index
    %get3A_7 = arith.constant 0 : index
    %get3A_8 = vector.load %arg3[%get3A_6, %get3A_7] : memref<3x128xf32, #tpu.memory_space<vmem>>, vector<3x128xf32>
    %slice3A = vector.extract_strided_slice %get3A_5 {offsets = [0, 0], sizes = [256, 1], strides = [1, 1]} : vector<256x3xf32> to vector<256x1xf32>
    %slice3A_9 = vector.extract_strided_slice %get3A_8 {offsets = [0, 0], sizes = [1, 128], strides = [1, 1]} : vector<3x128xf32> to vector<1x128xf32>
    %mul3A = vector.broadcast %slice3A : vector<256x1xf32> to vector<256x128xf32>
    %mul3A_10 = vector.broadcast %slice3A_9 : vector<1x128xf32> to vector<256x128xf32>
    %mul3A_11 = arith.mulf %mul3A, %mul3A_10 : vector<256x128xf32>
    %slice3A_12 = vector.extract_strided_slice %get3A_5 {offsets = [0, 1], sizes = [256, 1], strides = [1, 1]} : vector<256x3xf32> to vector<256x1xf32>
    %slice3A_13 = vector.extract_strided_slice %get3A_8 {offsets = [1, 0], sizes = [1, 128], strides = [1, 1]} : vector<3x128xf32> to vector<1x128xf32>
    %mul3A_14 = vector.broadcast %slice3A_12 : vector<256x1xf32> to vector<256x128xf32>
    %mul3A_15 = vector.broadcast %slice3A_13 : vector<1x128xf32> to vector<256x128xf32>
    %mul3A_16 = arith.mulf %mul3A_14, %mul3A_15 : vector<256x128xf32>
    %add3A = arith.addf %mul3A_11, %mul3A_16 : vector<256x128xf32>
    %slice3A_17 = vector.extract_strided_slice %get3A_5 {offsets = [0, 2], sizes = [256, 1], strides = [1, 1]} : vector<256x3xf32> to vector<256x1xf32>
    %slice3A_18 = vector.extract_strided_slice %get3A_8 {offsets = [2, 0], sizes = [1, 128], strides = [1, 1]} : vector<3x128xf32> to vector<1x128xf32>
    %mul3A_19 = vector.broadcast %slice3A_17 : vector<256x1xf32> to vector<256x128xf32>
    %mul3A_20 = vector.broadcast %slice3A_18 : vector<1x128xf32> to vector<256x128xf32>
    %mul3A_21 = arith.mulf %mul3A_19, %mul3A_20 : vector<256x128xf32>
    %add3A_22 = arith.addf %add3A, %mul3A_21 : vector<256x128xf32>
    %broadcast_in_dim3A = vector.shape_cast %add3A_22 : vector<256x128xf32> to vector<256x1x128xf32>
    %sub3A = vector.broadcast %broadcast_in_dim3A : vector<256x1x128xf32> to vector<256x32x128xf32>
    %sub3A_23 = arith.subf %get3A_2, %sub3A : vector<256x32x128xf32>
    %slice3A_24 = vector.extract_strided_slice %sub3A_23 {offsets = [0, 0, 0], sizes = [256, 16, 64], strides = [1, 1, 1]} : vector<256x32x128xf32> to vector<256x16x64xf32>
    %reshape3A = vector.shape_cast %slice3A_24 : vector<256x16x64xf32> to vector<4096x64xf32>
    %slice3A_25 = vector.extract_strided_slice %sub3A_23 {offsets = [0, 0, 64], sizes = [256, 32, 64], strides = [1, 1, 1]} : vector<256x32x128xf32> to vector<256x32x64xf32>
    %reshape3A_26 = vector.shape_cast %slice3A_25 : vector<256x32x64xf32> to vector<8192x64xf32>
    %eq3A = arith.constant 0 : i32
    %eq3A_27 = arith.cmpi eq, %arg0, %eq3A : i32
    %convert_element_type3A = arith.extui %eq3A_27 : i1 to i32
    %cond3A = arith.constant 0 : i32
    %cond3A_28 = arith.cmpi ne, %convert_element_type3A, %cond3A : i32
    scf.if %cond3A_28 {
      %broadcast_in_dim3A_62 = arith.constant 0.000000e+00 : f32
      %broadcast_in_dim3A_63 = vector.broadcast %broadcast_in_dim3A_62 : f32 to vector<2x64xf32>
      %swap3A_64 = arith.constant 0 : index
      %swap3A_65 = arith.constant 0 : index
      %swap3A_66 = vector.load %arg6[%swap3A_64, %swap3A_65] : memref<2x64xf32, #tpu.memory_space<vmem>>, vector<2x64xf32>
      tpu.vector_store %arg6[%swap3A_64, %swap3A_65], %broadcast_in_dim3A_63 {strides = array<i32>} : memref<2x64xf32, #tpu.memory_space<vmem>>, vector<2x64xf32>,
      %broadcast_in_dim3A_67 = arith.constant 0.000000e+00 : f32
      %broadcast_in_dim3A_68 = vector.broadcast %broadcast_in_dim3A_67 : f32 to vector<2x64xf32>
      %swap3A_69 = arith.constant 0 : index
      %swap3A_70 = arith.constant 0 : index
      %swap3A_71 = vector.load %arg7[%swap3A_69, %swap3A_70] : memref<2x64xf32, #tpu.memory_space<vmem>>, vector<2x64xf32>
      tpu.vector_store %arg7[%swap3A_69, %swap3A_70], %broadcast_in_dim3A_68 {strides = array<i32>} : memref<2x64xf32, #tpu.memory_space<vmem>>, vector<2x64xf32>,
    } else {
    }
    %get3A_29 = arith.constant 0 : index
    %get3A_30 = arith.constant 0 : index
    %get3A_31 = vector.load %arg6[%get3A_29, %get3A_30] : memref<2x64xf32, #tpu.memory_space<vmem>>, vector<2x64xf32>
    %reduce_sum3A = arith.constant dense<0.000000e+00> : vector<64xf32>
    %reduce_sum3A_32 = vector.multi_reduction <add>, %reshape3A, %reduce_sum3A [0] : vector<4096x64xf32> to vector<64xf32>
    %broadcast_in_dim3A_33 = vector.shape_cast %reduce_sum3A_32 : vector<64xf32> to vector<1x64xf32>
    %mul3A_34 = arith.mulf %reshape3A, %reshape3A : vector<4096x64xf32>
    %reduce_sum3A_35 = arith.constant dense<0.000000e+00> : vector<64xf32>
    %reduce_sum3A_36 = vector.multi_reduction <add>, %mul3A_34, %reduce_sum3A_35 [0] : vector<4096x64xf32> to vector<64xf32>
    %broadcast_in_dim3A_37 = vector.shape_cast %reduce_sum3A_36 : vector<64xf32> to vector<1x64xf32>
    %concatenate3A = tpu.concatenate %broadcast_in_dim3A_33, %broadcast_in_dim3A_37 in 0 : vector<1x64xf32>, vector<1x64xf32> -> vector<2x64xf32>
    %add3A_38 = arith.addf %get3A_31, %concatenate3A : vector<2x64xf32>
    %swap3A = arith.constant 0 : index
    %swap3A_39 = arith.constant 0 : index
    %swap3A_40 = vector.load %arg6[%swap3A, %swap3A_39] : memref<2x64xf32, #tpu.memory_space<vmem>>, vector<2x64xf32>
    tpu.vector_store %arg6[%swap3A, %swap3A_39], %add3A_38 {strides = array<i32>} : memref<2x64xf32, #tpu.memory_space<vmem>>, vector<2x64xf32>,
    %get3A_41 = arith.constant 0 : index
    %get3A_42 = arith.constant 0 : index
    %get3A_43 = vector.load %arg7[%get3A_41, %get3A_42] : memref<2x64xf32, #tpu.memory_space<vmem>>, vector<2x64xf32>
    %reduce_sum3A_44 = arith.constant dense<0.000000e+00> : vector<64xf32>
    %reduce_sum3A_45 = vector.multi_reduction <add>, %reshape3A_26, %reduce_sum3A_44 [0] : vector<8192x64xf32> to vector<64xf32>
    %broadcast_in_dim3A_46 = vector.shape_cast %reduce_sum3A_45 : vector<64xf32> to vector<1x64xf32>
    %mul3A_47 = arith.mulf %reshape3A_26, %reshape3A_26 : vector<8192x64xf32>
    %reduce_sum3A_48 = arith.constant dense<0.000000e+00> : vector<64xf32>
    %reduce_sum3A_49 = vector.multi_reduction <add>, %mul3A_47, %reduce_sum3A_48 [0] : vector<8192x64xf32> to vector<64xf32>
    %broadcast_in_dim3A_50 = vector.shape_cast %reduce_sum3A_49 : vector<64xf32> to vector<1x64xf32>
    %concatenate3A_51 = tpu.concatenate %broadcast_in_dim3A_46, %broadcast_in_dim3A_50 in 0 : vector<1x64xf32>, vector<1x64xf32> -> vector<2x64xf32>
    %add3A_52 = arith.addf %get3A_43, %concatenate3A_51 : vector<2x64xf32>
    %swap3A_53 = arith.constant 0 : index
    %swap3A_54 = arith.constant 0 : index
    %swap3A_55 = vector.load %arg7[%swap3A_53, %swap3A_54] : memref<2x64xf32, #tpu.memory_space<vmem>>, vector<2x64xf32>
    tpu.vector_store %arg7[%swap3A_53, %swap3A_54], %add3A_52 {strides = array<i32>} : memref<2x64xf32, #tpu.memory_space<vmem>>, vector<2x64xf32>,
    %swap3A_56 = arith.constant 0 : index
    %swap3A_57 = arith.constant 0 : index
    %swap3A_58 = vector.load %arg4[%swap3A_56, %swap3A_57] : memref<4096x64xf32, #tpu.memory_space<vmem>>, vector<4096x64xf32>
    tpu.vector_store %arg4[%swap3A_56, %swap3A_57], %reshape3A {strides = array<i32>} : memref<4096x64xf32, #tpu.memory_space<vmem>>, vector<4096x64xf32>,
    %swap3A_59 = arith.constant 0 : index
    %swap3A_60 = arith.constant 0 : index
    %swap3A_61 = vector.load %arg5[%swap3A_59, %swap3A_60] : memref<8192x64xf32, #tpu.memory_space<vmem>>, vector<8192x64xf32>
    tpu.vector_store %arg5[%swap3A_59, %swap3A_60], %reshape3A_26 {strides = array<i32>} : memref<8192x64xf32, #tpu.memory_space<vmem>>, vector<8192x64xf32>,
    return
  }
  func.func @transform_0(%arg0: i32) -> (i32, i32, i32) {
    %c0_i32 = arith.constant 0 : i32
    %c0_i32_0 = arith.constant 0 : i32
    %c0_i32_1 = arith.constant 0 : i32
    return %arg0, %c0_i32, %c0_i32_0 : i32, i32, i32
  }
  func.func @transform_1(%arg0: i32) -> (i32, i32) {
    %c0_i32 = arith.constant 0 : i32
    %c0_i32_0 = arith.constant 0 : i32
    return %arg0, %c0_i32 : i32, i32
  }
  func.func @transform_2(%arg0: i32) -> (i32, i32) {
    %c0_i32 = arith.constant 0 : i32
    %c0_i32_0 = arith.constant 0 : i32
    %c0_i32_1 = arith.constant 0 : i32
    return %c0_i32, %c0_i32_0 : i32, i32
  }
  func.func @transform_3(%arg0: i32) -> (i32, i32) {
    %c0_i32 = arith.constant 0 : i32
    %c0_i32_0 = arith.constant 0 : i32
    return %arg0, %c0_i32 : i32, i32
  }
  func.func @transform_4(%arg0: i32) -> (i32, i32) {
    %c0_i32 = arith.constant 0 : i32
    %c0_i32_0 = arith.constant 0 : i32
    return %arg0, %c0_i32 : i32, i32
  }
  func.func @transform_5(%arg0: i32) -> (i32, i32) {
    %c0_i32 = arith.constant 0 : i32
    %c0_i32_0 = arith.constant 0 : i32
    %c0_i32_1 = arith.constant 0 : i32
    return %c0_i32, %c0_i32_0 : i32, i32
  }
  func.func @transform_6(%arg0: i32) -> (i32, i32) {
    %c0_i32 = arith.constant 0 : i32
    %c0_i32_0 = arith.constant 0 : i32
    %c0_i32_1 = arith.constant 0 : i32
    return %c0_i32, %c0_i32_0 : i32, i32
  }
}

module attributes {stable_mosaic.version = 14 : i64} {
  func.func @_mlp_mid2_body(%arg0: i32, %arg1: memref<4096x64xf32, #tpu.memory_space<vmem>>, %arg2: memref<8192x64xf32, #tpu.memory_space<vmem>>, %arg3: memref<2x64xf32, #tpu.memory_space<vmem>>, %arg4: memref<2x64xf32, #tpu.memory_space<vmem>>, %arg5: memref<64x64xf32, #tpu.memory_space<vmem>>, %arg6: memref<64x96xf32, #tpu.memory_space<vmem>>, %arg7: memref<4096x64xf32, #tpu.memory_space<vmem>>, %arg8: memref<8192x96xf32, #tpu.memory_space<vmem>>, %arg9: memref<2x64xf32, #tpu.memory_space<vmem>>, %arg10: memref<2x96xf32, #tpu.memory_space<vmem>>) attributes {dimension_semantics = [#tpu.dimension_semantics<arbitrary>], iteration_bounds = array<i64: 16>, scalar_prefetch = 0 : i64, scratch_operands = 0 : i64, tpu.core_type = #tpu.core_type<tc>, window_params = [{transform_indices = @transform_0, window_bounds = array<i64: 4096, 64>}, {transform_indices = @transform_1, window_bounds = array<i64: 8192, 64>}, {pipeline_mode = #tpu.pipeline_mode<synchronous>, transform_indices = @transform_2, window_bounds = array<i64: 2, 64>}, {pipeline_mode = #tpu.pipeline_mode<synchronous>, transform_indices = @transform_3, window_bounds = array<i64: 2, 64>}, {pipeline_mode = #tpu.pipeline_mode<synchronous>, transform_indices = @transform_4, window_bounds = array<i64: 64, 64>}, {pipeline_mode = #tpu.pipeline_mode<synchronous>, transform_indices = @transform_5, window_bounds = array<i64: 64, 96>}, {transform_indices = @transform_6, window_bounds = array<i64: 4096, 64>}, {transform_indices = @transform_7, window_bounds = array<i64: 8192, 96>}, {pipeline_mode = #tpu.pipeline_mode<synchronous>, transform_indices = @transform_8, window_bounds = array<i64: 2, 64>}, {pipeline_mode = #tpu.pipeline_mode<synchronous>, transform_indices = @transform_9, window_bounds = array<i64: 2, 96>}]} {
    %get3A = arith.constant 0 : index
    %get3A_0 = arith.constant 0 : index
    %get3A_1 = vector.load %arg1[%get3A, %get3A_0] : memref<4096x64xf32, #tpu.memory_space<vmem>>, vector<4096x64xf32>
    %get3A_2 = arith.constant 0 : index
    %get3A_3 = arith.constant 0 : index
    %get3A_4 = vector.load %arg3[%get3A_2, %get3A_3] : memref<2x64xf32, #tpu.memory_space<vmem>>, vector<2x64xf32>
    %slice3A = vector.extract_strided_slice %get3A_4 {offsets = [0, 0], sizes = [1, 64], strides = [1, 1]} : vector<2x64xf32> to vector<1x64xf32>
    %div3A = arith.constant 6.553600e+04 : f32
    %div3A_5 = vector.broadcast %div3A : f32 to vector<1x64xf32>
    %div3A_6 = arith.divf %slice3A, %div3A_5 : vector<1x64xf32>
    %slice3A_7 = vector.extract_strided_slice %get3A_4 {offsets = [1, 0], sizes = [1, 64], strides = [1, 1]} : vector<2x64xf32> to vector<1x64xf32>
    %div3A_8 = arith.constant 6.553600e+04 : f32
    %div3A_9 = vector.broadcast %div3A_8 : f32 to vector<1x64xf32>
    %div3A_10 = arith.divf %slice3A_7, %div3A_9 : vector<1x64xf32>
    %mul3A = arith.mulf %div3A_6, %div3A_6 : vector<1x64xf32>
    %sub3A = arith.subf %div3A_10, %mul3A : vector<1x64xf32>
    %add3A = arith.constant 9.99999974E-6 : f32
    %add3A_11 = vector.broadcast %add3A : f32 to vector<1x64xf32>
    %add3A_12 = arith.addf %sub3A, %add3A_11 : vector<1x64xf32>
    %rsqrt3A = math.rsqrt %add3A_12 : vector<1x64xf32>
    %sub3A_13 = vector.broadcast %div3A_6 : vector<1x64xf32> to vector<4096x64xf32>
    %sub3A_14 = arith.subf %get3A_1, %sub3A_13 : vector<4096x64xf32>
    %mul3A_15 = vector.broadcast %rsqrt3A : vector<1x64xf32> to vector<4096x64xf32>
    %mul3A_16 = arith.mulf %sub3A_14, %mul3A_15 : vector<4096x64xf32>
    %max3A = arith.constant 0.000000e+00 : f32
    %max3A_17 = vector.broadcast %max3A : f32 to vector<4096x64xf32>
    %max3A_18 = arith.maximumf %mul3A_16, %max3A_17 : vector<4096x64xf32>
    %get3A_19 = arith.constant 0 : index
    %get3A_20 = arith.constant 0 : index
    %get3A_21 = vector.load %arg5[%get3A_19, %get3A_20] : memref<64x64xf32, #tpu.memory_space<vmem>>, vector<64x64xf32>
    %dot_general3A = arith.constant dense<0.000000e+00> : vector<4096x64xf32>
    %dot_general3A_22 = tpu.matmul %max3A_18, %get3A_21, %dot_general3A {dimension_numbers = #tpu.dot_dimension_numbers<[1], [0], [0], [1], [0, 0, 1, 1], [], []>, transpose_lhs_hint = false} : vector<4096x64xf32>, vector<64x64xf32>, vector<4096x64xf32> -> vector<4096x64xf32>
    %get3A_23 = arith.constant 0 : index
    %get3A_24 = arith.constant 0 : index
    %get3A_25 = vector.load %arg2[%get3A_23, %get3A_24] : memref<8192x64xf32, #tpu.memory_space<vmem>>, vector<8192x64xf32>
    %get3A_26 = arith.constant 0 : index
    %get3A_27 = arith.constant 0 : index
    %get3A_28 = vector.load %arg4[%get3A_26, %get3A_27] : memref<2x64xf32, #tpu.memory_space<vmem>>, vector<2x64xf32>
    %slice3A_29 = vector.extract_strided_slice %get3A_28 {offsets = [0, 0], sizes = [1, 64], strides = [1, 1]} : vector<2x64xf32> to vector<1x64xf32>
    %div3A_30 = arith.constant 1.310720e+05 : f32
    %div3A_31 = vector.broadcast %div3A_30 : f32 to vector<1x64xf32>
    %div3A_32 = arith.divf %slice3A_29, %div3A_31 : vector<1x64xf32>
    %slice3A_33 = vector.extract_strided_slice %get3A_28 {offsets = [1, 0], sizes = [1, 64], strides = [1, 1]} : vector<2x64xf32> to vector<1x64xf32>
    %div3A_34 = arith.constant 1.310720e+05 : f32
    %div3A_35 = vector.broadcast %div3A_34 : f32 to vector<1x64xf32>
    %div3A_36 = arith.divf %slice3A_33, %div3A_35 : vector<1x64xf32>
    %mul3A_37 = arith.mulf %div3A_32, %div3A_32 : vector<1x64xf32>
    %sub3A_38 = arith.subf %div3A_36, %mul3A_37 : vector<1x64xf32>
    %add3A_39 = arith.constant 9.99999974E-6 : f32
    %add3A_40 = vector.broadcast %add3A_39 : f32 to vector<1x64xf32>
    %add3A_41 = arith.addf %sub3A_38, %add3A_40 : vector<1x64xf32>
    %rsqrt3A_42 = math.rsqrt %add3A_41 : vector<1x64xf32>
    %sub3A_43 = vector.broadcast %div3A_32 : vector<1x64xf32> to vector<8192x64xf32>
    %sub3A_44 = arith.subf %get3A_25, %sub3A_43 : vector<8192x64xf32>
    %mul3A_45 = vector.broadcast %rsqrt3A_42 : vector<1x64xf32> to vector<8192x64xf32>
    %mul3A_46 = arith.mulf %sub3A_44, %mul3A_45 : vector<8192x64xf32>
    %max3A_47 = arith.constant 0.000000e+00 : f32
    %max3A_48 = vector.broadcast %max3A_47 : f32 to vector<8192x64xf32>
    %max3A_49 = arith.maximumf %mul3A_46, %max3A_48 : vector<8192x64xf32>
    %get3A_50 = arith.constant 0 : index
    %get3A_51 = arith.constant 0 : index
    %get3A_52 = vector.load %arg6[%get3A_50, %get3A_51] : memref<64x96xf32, #tpu.memory_space<vmem>>, vector<64x96xf32>
    %dot_general3A_53 = arith.constant dense<0.000000e+00> : vector<8192x96xf32>
    %dot_general3A_54 = tpu.matmul %max3A_49, %get3A_52, %dot_general3A_53 {dimension_numbers = #tpu.dot_dimension_numbers<[1], [0], [0], [1], [0, 0, 1, 1], [], []>, transpose_lhs_hint = false} : vector<8192x64xf32>, vector<64x96xf32>, vector<8192x96xf32> -> vector<8192x96xf32>
    %eq3A = arith.constant 0 : i32
    %eq3A_55 = arith.cmpi eq, %arg0, %eq3A : i32
    %convert_element_type3A = arith.extui %eq3A_55 : i1 to i32
    %cond3A = arith.constant 0 : i32
    %cond3A_56 = arith.cmpi ne, %convert_element_type3A, %cond3A : i32
    scf.if %cond3A_56 {
      %broadcast_in_dim3A_89 = arith.constant 0.000000e+00 : f32
      %broadcast_in_dim3A_90 = vector.broadcast %broadcast_in_dim3A_89 : f32 to vector<2x64xf32>
      %swap3A_91 = arith.constant 0 : index
      %swap3A_92 = arith.constant 0 : index
      %swap3A_93 = vector.load %arg9[%swap3A_91, %swap3A_92] : memref<2x64xf32, #tpu.memory_space<vmem>>, vector<2x64xf32>
      tpu.vector_store %arg9[%swap3A_91, %swap3A_92], %broadcast_in_dim3A_90 {strides = array<i32>} : memref<2x64xf32, #tpu.memory_space<vmem>>, vector<2x64xf32>,
      %broadcast_in_dim3A_94 = arith.constant 0.000000e+00 : f32
      %broadcast_in_dim3A_95 = vector.broadcast %broadcast_in_dim3A_94 : f32 to vector<2x96xf32>
      %swap3A_96 = arith.constant 0 : index
      %swap3A_97 = arith.constant 0 : index
      %swap3A_98 = vector.load %arg10[%swap3A_96, %swap3A_97] : memref<2x96xf32, #tpu.memory_space<vmem>>, vector<2x96xf32>
      tpu.vector_store %arg10[%swap3A_96, %swap3A_97], %broadcast_in_dim3A_95 {strides = array<i32>} : memref<2x96xf32, #tpu.memory_space<vmem>>, vector<2x96xf32>,
    } else {
    }
    %get3A_57 = arith.constant 0 : index
    %get3A_58 = arith.constant 0 : index
    %get3A_59 = vector.load %arg9[%get3A_57, %get3A_58] : memref<2x64xf32, #tpu.memory_space<vmem>>, vector<2x64xf32>
    %reduce_sum3A = arith.constant dense<0.000000e+00> : vector<64xf32>
    %reduce_sum3A_60 = vector.multi_reduction <add>, %dot_general3A_22, %reduce_sum3A [0] : vector<4096x64xf32> to vector<64xf32>
    %broadcast_in_dim3A = vector.shape_cast %reduce_sum3A_60 : vector<64xf32> to vector<1x64xf32>
    %mul3A_61 = arith.mulf %dot_general3A_22, %dot_general3A_22 : vector<4096x64xf32>
    %reduce_sum3A_62 = arith.constant dense<0.000000e+00> : vector<64xf32>
    %reduce_sum3A_63 = vector.multi_reduction <add>, %mul3A_61, %reduce_sum3A_62 [0] : vector<4096x64xf32> to vector<64xf32>
    %broadcast_in_dim3A_64 = vector.shape_cast %reduce_sum3A_63 : vector<64xf32> to vector<1x64xf32>
    %concatenate3A = tpu.concatenate %broadcast_in_dim3A, %broadcast_in_dim3A_64 in 0 : vector<1x64xf32>, vector<1x64xf32> -> vector<2x64xf32>
    %add3A_65 = arith.addf %get3A_59, %concatenate3A : vector<2x64xf32>
    %swap3A = arith.constant 0 : index
    %swap3A_66 = arith.constant 0 : index
    %swap3A_67 = vector.load %arg9[%swap3A, %swap3A_66] : memref<2x64xf32, #tpu.memory_space<vmem>>, vector<2x64xf32>
    tpu.vector_store %arg9[%swap3A, %swap3A_66], %add3A_65 {strides = array<i32>} : memref<2x64xf32, #tpu.memory_space<vmem>>, vector<2x64xf32>,
    %get3A_68 = arith.constant 0 : index
    %get3A_69 = arith.constant 0 : index
    %get3A_70 = vector.load %arg10[%get3A_68, %get3A_69] : memref<2x96xf32, #tpu.memory_space<vmem>>, vector<2x96xf32>
    %reduce_sum3A_71 = arith.constant dense<0.000000e+00> : vector<96xf32>
    %reduce_sum3A_72 = vector.multi_reduction <add>, %dot_general3A_54, %reduce_sum3A_71 [0] : vector<8192x96xf32> to vector<96xf32>
    %broadcast_in_dim3A_73 = vector.shape_cast %reduce_sum3A_72 : vector<96xf32> to vector<1x96xf32>
    %mul3A_74 = arith.mulf %dot_general3A_54, %dot_general3A_54 : vector<8192x96xf32>
    %reduce_sum3A_75 = arith.constant dense<0.000000e+00> : vector<96xf32>
    %reduce_sum3A_76 = vector.multi_reduction <add>, %mul3A_74, %reduce_sum3A_75 [0] : vector<8192x96xf32> to vector<96xf32>
    %broadcast_in_dim3A_77 = vector.shape_cast %reduce_sum3A_76 : vector<96xf32> to vector<1x96xf32>
    %concatenate3A_78 = tpu.concatenate %broadcast_in_dim3A_73, %broadcast_in_dim3A_77 in 0 : vector<1x96xf32>, vector<1x96xf32> -> vector<2x96xf32>
    %add3A_79 = arith.addf %get3A_70, %concatenate3A_78 : vector<2x96xf32>
    %swap3A_80 = arith.constant 0 : index
    %swap3A_81 = arith.constant 0 : index
    %swap3A_82 = vector.load %arg10[%swap3A_80, %swap3A_81] : memref<2x96xf32, #tpu.memory_space<vmem>>, vector<2x96xf32>
    tpu.vector_store %arg10[%swap3A_80, %swap3A_81], %add3A_79 {strides = array<i32>} : memref<2x96xf32, #tpu.memory_space<vmem>>, vector<2x96xf32>,
    %swap3A_83 = arith.constant 0 : index
    %swap3A_84 = arith.constant 0 : index
    %swap3A_85 = vector.load %arg7[%swap3A_83, %swap3A_84] : memref<4096x64xf32, #tpu.memory_space<vmem>>, vector<4096x64xf32>
    tpu.vector_store %arg7[%swap3A_83, %swap3A_84], %dot_general3A_22 {strides = array<i32>} : memref<4096x64xf32, #tpu.memory_space<vmem>>, vector<4096x64xf32>,
    %swap3A_86 = arith.constant 0 : index
    %swap3A_87 = arith.constant 0 : index
    %swap3A_88 = vector.load %arg8[%swap3A_86, %swap3A_87] : memref<8192x96xf32, #tpu.memory_space<vmem>>, vector<8192x96xf32>
    tpu.vector_store %arg8[%swap3A_86, %swap3A_87], %dot_general3A_54 {strides = array<i32>} : memref<8192x96xf32, #tpu.memory_space<vmem>>, vector<8192x96xf32>,
    return
  }
  func.func @transform_0(%arg0: i32) -> (i32, i32) {
    %c0_i32 = arith.constant 0 : i32
    %c0_i32_0 = arith.constant 0 : i32
    return %arg0, %c0_i32 : i32, i32
  }
  func.func @transform_1(%arg0: i32) -> (i32, i32) {
    %c0_i32 = arith.constant 0 : i32
    %c0_i32_0 = arith.constant 0 : i32
    return %arg0, %c0_i32 : i32, i32
  }
  func.func @transform_2(%arg0: i32) -> (i32, i32) {
    %c0_i32 = arith.constant 0 : i32
    %c0_i32_0 = arith.constant 0 : i32
    %c0_i32_1 = arith.constant 0 : i32
    return %c0_i32, %c0_i32_0 : i32, i32
  }
  func.func @transform_3(%arg0: i32) -> (i32, i32) {
    %c0_i32 = arith.constant 0 : i32
    %c0_i32_0 = arith.constant 0 : i32
    %c0_i32_1 = arith.constant 0 : i32
    return %c0_i32, %c0_i32_0 : i32, i32
  }
  func.func @transform_4(%arg0: i32) -> (i32, i32) {
    %c0_i32 = arith.constant 0 : i32
    %c0_i32_0 = arith.constant 0 : i32
    %c0_i32_1 = arith.constant 0 : i32
    return %c0_i32, %c0_i32_0 : i32, i32
  }
  func.func @transform_5(%arg0: i32) -> (i32, i32) {
    %c0_i32 = arith.constant 0 : i32
    %c0_i32_0 = arith.constant 0 : i32
    %c0_i32_1 = arith.constant 0 : i32
    return %c0_i32, %c0_i32_0 : i32, i32
  }
  func.func @transform_6(%arg0: i32) -> (i32, i32) {
    %c0_i32 = arith.constant 0 : i32
    %c0_i32_0 = arith.constant 0 : i32
    return %arg0, %c0_i32 : i32, i32
  }
  func.func @transform_7(%arg0: i32) -> (i32, i32) {
    %c0_i32 = arith.constant 0 : i32
    %c0_i32_0 = arith.constant 0 : i32
    return %arg0, %c0_i32 : i32, i32
  }
  func.func @transform_8(%arg0: i32) -> (i32, i32) {
    %c0_i32 = arith.constant 0 : i32
    %c0_i32_0 = arith.constant 0 : i32
    %c0_i32_1 = arith.constant 0 : i32
    return %c0_i32, %c0_i32_0 : i32, i32
  }
  func.func @transform_9(%arg0: i32) -> (i32, i32) {
    %c0_i32 = arith.constant 0 : i32
    %c0_i32_0 = arith.constant 0 : i32
    %c0_i32_1 = arith.constant 0 : i32
    return %c0_i32, %c0_i32_0 : i32, i32
  }
}

module attributes {stable_mosaic.version = 14 : i64} {
  func.func @_mlp_mid2_body(%arg0: i32, %arg1: memref<4096x64xf32, #tpu.memory_space<vmem>>, %arg2: memref<8192x96xf32, #tpu.memory_space<vmem>>, %arg3: memref<2x64xf32, #tpu.memory_space<vmem>>, %arg4: memref<2x96xf32, #tpu.memory_space<vmem>>, %arg5: memref<64x128xf32, #tpu.memory_space<vmem>>, %arg6: memref<96x128xf32, #tpu.memory_space<vmem>>, %arg7: memref<4096x128xf32, #tpu.memory_space<vmem>>, %arg8: memref<8192x128xf32, #tpu.memory_space<vmem>>, %arg9: memref<2x128xf32, #tpu.memory_space<vmem>>, %arg10: memref<2x128xf32, #tpu.memory_space<vmem>>) attributes {dimension_semantics = [#tpu.dimension_semantics<arbitrary>], iteration_bounds = array<i64: 16>, scalar_prefetch = 0 : i64, scratch_operands = 0 : i64, tpu.core_type = #tpu.core_type<tc>, window_params = [{transform_indices = @transform_0, window_bounds = array<i64: 4096, 64>}, {transform_indices = @transform_1, window_bounds = array<i64: 8192, 96>}, {pipeline_mode = #tpu.pipeline_mode<synchronous>, transform_indices = @transform_2, window_bounds = array<i64: 2, 64>}, {pipeline_mode = #tpu.pipeline_mode<synchronous>, transform_indices = @transform_3, window_bounds = array<i64: 2, 96>}, {pipeline_mode = #tpu.pipeline_mode<synchronous>, transform_indices = @transform_4, window_bounds = array<i64: 64, 128>}, {pipeline_mode = #tpu.pipeline_mode<synchronous>, transform_indices = @transform_5, window_bounds = array<i64: 96, 128>}, {transform_indices = @transform_6, window_bounds = array<i64: 4096, 128>}, {transform_indices = @transform_7, window_bounds = array<i64: 8192, 128>}, {pipeline_mode = #tpu.pipeline_mode<synchronous>, transform_indices = @transform_8, window_bounds = array<i64: 2, 128>}, {pipeline_mode = #tpu.pipeline_mode<synchronous>, transform_indices = @transform_9, window_bounds = array<i64: 2, 128>}]} {
    %get3A = arith.constant 0 : index
    %get3A_0 = arith.constant 0 : index
    %get3A_1 = vector.load %arg1[%get3A, %get3A_0] : memref<4096x64xf32, #tpu.memory_space<vmem>>, vector<4096x64xf32>
    %get3A_2 = arith.constant 0 : index
    %get3A_3 = arith.constant 0 : index
    %get3A_4 = vector.load %arg3[%get3A_2, %get3A_3] : memref<2x64xf32, #tpu.memory_space<vmem>>, vector<2x64xf32>
    %slice3A = vector.extract_strided_slice %get3A_4 {offsets = [0, 0], sizes = [1, 64], strides = [1, 1]} : vector<2x64xf32> to vector<1x64xf32>
    %div3A = arith.constant 6.553600e+04 : f32
    %div3A_5 = vector.broadcast %div3A : f32 to vector<1x64xf32>
    %div3A_6 = arith.divf %slice3A, %div3A_5 : vector<1x64xf32>
    %slice3A_7 = vector.extract_strided_slice %get3A_4 {offsets = [1, 0], sizes = [1, 64], strides = [1, 1]} : vector<2x64xf32> to vector<1x64xf32>
    %div3A_8 = arith.constant 6.553600e+04 : f32
    %div3A_9 = vector.broadcast %div3A_8 : f32 to vector<1x64xf32>
    %div3A_10 = arith.divf %slice3A_7, %div3A_9 : vector<1x64xf32>
    %mul3A = arith.mulf %div3A_6, %div3A_6 : vector<1x64xf32>
    %sub3A = arith.subf %div3A_10, %mul3A : vector<1x64xf32>
    %add3A = arith.constant 9.99999974E-6 : f32
    %add3A_11 = vector.broadcast %add3A : f32 to vector<1x64xf32>
    %add3A_12 = arith.addf %sub3A, %add3A_11 : vector<1x64xf32>
    %rsqrt3A = math.rsqrt %add3A_12 : vector<1x64xf32>
    %sub3A_13 = vector.broadcast %div3A_6 : vector<1x64xf32> to vector<4096x64xf32>
    %sub3A_14 = arith.subf %get3A_1, %sub3A_13 : vector<4096x64xf32>
    %mul3A_15 = vector.broadcast %rsqrt3A : vector<1x64xf32> to vector<4096x64xf32>
    %mul3A_16 = arith.mulf %sub3A_14, %mul3A_15 : vector<4096x64xf32>
    %max3A = arith.constant 0.000000e+00 : f32
    %max3A_17 = vector.broadcast %max3A : f32 to vector<4096x64xf32>
    %max3A_18 = arith.maximumf %mul3A_16, %max3A_17 : vector<4096x64xf32>
    %get3A_19 = arith.constant 0 : index
    %get3A_20 = arith.constant 0 : index
    %get3A_21 = vector.load %arg5[%get3A_19, %get3A_20] : memref<64x128xf32, #tpu.memory_space<vmem>>, vector<64x128xf32>
    %dot_general3A = arith.constant dense<0.000000e+00> : vector<4096x128xf32>
    %dot_general3A_22 = tpu.matmul %max3A_18, %get3A_21, %dot_general3A {dimension_numbers = #tpu.dot_dimension_numbers<[1], [0], [0], [1], [0, 0, 1, 1], [], []>, transpose_lhs_hint = false} : vector<4096x64xf32>, vector<64x128xf32>, vector<4096x128xf32> -> vector<4096x128xf32>
    %get3A_23 = arith.constant 0 : index
    %get3A_24 = arith.constant 0 : index
    %get3A_25 = vector.load %arg2[%get3A_23, %get3A_24] : memref<8192x96xf32, #tpu.memory_space<vmem>>, vector<8192x96xf32>
    %get3A_26 = arith.constant 0 : index
    %get3A_27 = arith.constant 0 : index
    %get3A_28 = vector.load %arg4[%get3A_26, %get3A_27] : memref<2x96xf32, #tpu.memory_space<vmem>>, vector<2x96xf32>
    %slice3A_29 = vector.extract_strided_slice %get3A_28 {offsets = [0, 0], sizes = [1, 96], strides = [1, 1]} : vector<2x96xf32> to vector<1x96xf32>
    %div3A_30 = arith.constant 1.310720e+05 : f32
    %div3A_31 = vector.broadcast %div3A_30 : f32 to vector<1x96xf32>
    %div3A_32 = arith.divf %slice3A_29, %div3A_31 : vector<1x96xf32>
    %slice3A_33 = vector.extract_strided_slice %get3A_28 {offsets = [1, 0], sizes = [1, 96], strides = [1, 1]} : vector<2x96xf32> to vector<1x96xf32>
    %div3A_34 = arith.constant 1.310720e+05 : f32
    %div3A_35 = vector.broadcast %div3A_34 : f32 to vector<1x96xf32>
    %div3A_36 = arith.divf %slice3A_33, %div3A_35 : vector<1x96xf32>
    %mul3A_37 = arith.mulf %div3A_32, %div3A_32 : vector<1x96xf32>
    %sub3A_38 = arith.subf %div3A_36, %mul3A_37 : vector<1x96xf32>
    %add3A_39 = arith.constant 9.99999974E-6 : f32
    %add3A_40 = vector.broadcast %add3A_39 : f32 to vector<1x96xf32>
    %add3A_41 = arith.addf %sub3A_38, %add3A_40 : vector<1x96xf32>
    %rsqrt3A_42 = math.rsqrt %add3A_41 : vector<1x96xf32>
    %sub3A_43 = vector.broadcast %div3A_32 : vector<1x96xf32> to vector<8192x96xf32>
    %sub3A_44 = arith.subf %get3A_25, %sub3A_43 : vector<8192x96xf32>
    %mul3A_45 = vector.broadcast %rsqrt3A_42 : vector<1x96xf32> to vector<8192x96xf32>
    %mul3A_46 = arith.mulf %sub3A_44, %mul3A_45 : vector<8192x96xf32>
    %max3A_47 = arith.constant 0.000000e+00 : f32
    %max3A_48 = vector.broadcast %max3A_47 : f32 to vector<8192x96xf32>
    %max3A_49 = arith.maximumf %mul3A_46, %max3A_48 : vector<8192x96xf32>
    %get3A_50 = arith.constant 0 : index
    %get3A_51 = arith.constant 0 : index
    %get3A_52 = vector.load %arg6[%get3A_50, %get3A_51] : memref<96x128xf32, #tpu.memory_space<vmem>>, vector<96x128xf32>
    %dot_general3A_53 = arith.constant dense<0.000000e+00> : vector<8192x128xf32>
    %dot_general3A_54 = tpu.matmul %max3A_49, %get3A_52, %dot_general3A_53 {dimension_numbers = #tpu.dot_dimension_numbers<[1], [0], [0], [1], [0, 0, 1, 1], [], []>, transpose_lhs_hint = false} : vector<8192x96xf32>, vector<96x128xf32>, vector<8192x128xf32> -> vector<8192x128xf32>
    %eq3A = arith.constant 0 : i32
    %eq3A_55 = arith.cmpi eq, %arg0, %eq3A : i32
    %convert_element_type3A = arith.extui %eq3A_55 : i1 to i32
    %cond3A = arith.constant 0 : i32
    %cond3A_56 = arith.cmpi ne, %convert_element_type3A, %cond3A : i32
    scf.if %cond3A_56 {
      %broadcast_in_dim3A_89 = arith.constant 0.000000e+00 : f32
      %broadcast_in_dim3A_90 = vector.broadcast %broadcast_in_dim3A_89 : f32 to vector<2x128xf32>
      %swap3A_91 = arith.constant 0 : index
      %swap3A_92 = arith.constant 0 : index
      %swap3A_93 = vector.load %arg9[%swap3A_91, %swap3A_92] : memref<2x128xf32, #tpu.memory_space<vmem>>, vector<2x128xf32>
      tpu.vector_store %arg9[%swap3A_91, %swap3A_92], %broadcast_in_dim3A_90 {strides = array<i32>} : memref<2x128xf32, #tpu.memory_space<vmem>>, vector<2x128xf32>,
      %broadcast_in_dim3A_94 = arith.constant 0.000000e+00 : f32
      %broadcast_in_dim3A_95 = vector.broadcast %broadcast_in_dim3A_94 : f32 to vector<2x128xf32>
      %swap3A_96 = arith.constant 0 : index
      %swap3A_97 = arith.constant 0 : index
      %swap3A_98 = vector.load %arg10[%swap3A_96, %swap3A_97] : memref<2x128xf32, #tpu.memory_space<vmem>>, vector<2x128xf32>
      tpu.vector_store %arg10[%swap3A_96, %swap3A_97], %broadcast_in_dim3A_95 {strides = array<i32>} : memref<2x128xf32, #tpu.memory_space<vmem>>, vector<2x128xf32>,
    } else {
    }
    %get3A_57 = arith.constant 0 : index
    %get3A_58 = arith.constant 0 : index
    %get3A_59 = vector.load %arg9[%get3A_57, %get3A_58] : memref<2x128xf32, #tpu.memory_space<vmem>>, vector<2x128xf32>
    %reduce_sum3A = arith.constant dense<0.000000e+00> : vector<128xf32>
    %reduce_sum3A_60 = vector.multi_reduction <add>, %dot_general3A_22, %reduce_sum3A [0] : vector<4096x128xf32> to vector<128xf32>
    %broadcast_in_dim3A = vector.shape_cast %reduce_sum3A_60 : vector<128xf32> to vector<1x128xf32>
    %mul3A_61 = arith.mulf %dot_general3A_22, %dot_general3A_22 : vector<4096x128xf32>
    %reduce_sum3A_62 = arith.constant dense<0.000000e+00> : vector<128xf32>
    %reduce_sum3A_63 = vector.multi_reduction <add>, %mul3A_61, %reduce_sum3A_62 [0] : vector<4096x128xf32> to vector<128xf32>
    %broadcast_in_dim3A_64 = vector.shape_cast %reduce_sum3A_63 : vector<128xf32> to vector<1x128xf32>
    %concatenate3A = tpu.concatenate %broadcast_in_dim3A, %broadcast_in_dim3A_64 in 0 : vector<1x128xf32>, vector<1x128xf32> -> vector<2x128xf32>
    %add3A_65 = arith.addf %get3A_59, %concatenate3A : vector<2x128xf32>
    %swap3A = arith.constant 0 : index
    %swap3A_66 = arith.constant 0 : index
    %swap3A_67 = vector.load %arg9[%swap3A, %swap3A_66] : memref<2x128xf32, #tpu.memory_space<vmem>>, vector<2x128xf32>
    tpu.vector_store %arg9[%swap3A, %swap3A_66], %add3A_65 {strides = array<i32>} : memref<2x128xf32, #tpu.memory_space<vmem>>, vector<2x128xf32>,
    %get3A_68 = arith.constant 0 : index
    %get3A_69 = arith.constant 0 : index
    %get3A_70 = vector.load %arg10[%get3A_68, %get3A_69] : memref<2x128xf32, #tpu.memory_space<vmem>>, vector<2x128xf32>
    %reduce_sum3A_71 = arith.constant dense<0.000000e+00> : vector<128xf32>
    %reduce_sum3A_72 = vector.multi_reduction <add>, %dot_general3A_54, %reduce_sum3A_71 [0] : vector<8192x128xf32> to vector<128xf32>
    %broadcast_in_dim3A_73 = vector.shape_cast %reduce_sum3A_72 : vector<128xf32> to vector<1x128xf32>
    %mul3A_74 = arith.mulf %dot_general3A_54, %dot_general3A_54 : vector<8192x128xf32>
    %reduce_sum3A_75 = arith.constant dense<0.000000e+00> : vector<128xf32>
    %reduce_sum3A_76 = vector.multi_reduction <add>, %mul3A_74, %reduce_sum3A_75 [0] : vector<8192x128xf32> to vector<128xf32>
    %broadcast_in_dim3A_77 = vector.shape_cast %reduce_sum3A_76 : vector<128xf32> to vector<1x128xf32>
    %concatenate3A_78 = tpu.concatenate %broadcast_in_dim3A_73, %broadcast_in_dim3A_77 in 0 : vector<1x128xf32>, vector<1x128xf32> -> vector<2x128xf32>
    %add3A_79 = arith.addf %get3A_70, %concatenate3A_78 : vector<2x128xf32>
    %swap3A_80 = arith.constant 0 : index
    %swap3A_81 = arith.constant 0 : index
    %swap3A_82 = vector.load %arg10[%swap3A_80, %swap3A_81] : memref<2x128xf32, #tpu.memory_space<vmem>>, vector<2x128xf32>
    tpu.vector_store %arg10[%swap3A_80, %swap3A_81], %add3A_79 {strides = array<i32>} : memref<2x128xf32, #tpu.memory_space<vmem>>, vector<2x128xf32>,
    %swap3A_83 = arith.constant 0 : index
    %swap3A_84 = arith.constant 0 : index
    %swap3A_85 = vector.load %arg7[%swap3A_83, %swap3A_84] : memref<4096x128xf32, #tpu.memory_space<vmem>>, vector<4096x128xf32>
    tpu.vector_store %arg7[%swap3A_83, %swap3A_84], %dot_general3A_22 {strides = array<i32>} : memref<4096x128xf32, #tpu.memory_space<vmem>>, vector<4096x128xf32>,
    %swap3A_86 = arith.constant 0 : index
    %swap3A_87 = arith.constant 0 : index
    %swap3A_88 = vector.load %arg8[%swap3A_86, %swap3A_87] : memref<8192x128xf32, #tpu.memory_space<vmem>>, vector<8192x128xf32>
    tpu.vector_store %arg8[%swap3A_86, %swap3A_87], %dot_general3A_54 {strides = array<i32>} : memref<8192x128xf32, #tpu.memory_space<vmem>>, vector<8192x128xf32>,
    return
  }
  func.func @transform_0(%arg0: i32) -> (i32, i32) {
    %c0_i32 = arith.constant 0 : i32
    %c0_i32_0 = arith.constant 0 : i32
    return %arg0, %c0_i32 : i32, i32
  }
  func.func @transform_1(%arg0: i32) -> (i32, i32) {
    %c0_i32 = arith.constant 0 : i32
    %c0_i32_0 = arith.constant 0 : i32
    return %arg0, %c0_i32 : i32, i32
  }
  func.func @transform_2(%arg0: i32) -> (i32, i32) {
    %c0_i32 = arith.constant 0 : i32
    %c0_i32_0 = arith.constant 0 : i32
    %c0_i32_1 = arith.constant 0 : i32
    return %c0_i32, %c0_i32_0 : i32, i32
  }
  func.func @transform_3(%arg0: i32) -> (i32, i32) {
    %c0_i32 = arith.constant 0 : i32
    %c0_i32_0 = arith.constant 0 : i32
    %c0_i32_1 = arith.constant 0 : i32
    return %c0_i32, %c0_i32_0 : i32, i32
  }
  func.func @transform_4(%arg0: i32) -> (i32, i32) {
    %c0_i32 = arith.constant 0 : i32
    %c0_i32_0 = arith.constant 0 : i32
    %c0_i32_1 = arith.constant 0 : i32
    return %c0_i32, %c0_i32_0 : i32, i32
  }
  func.func @transform_5(%arg0: i32) -> (i32, i32) {
    %c0_i32 = arith.constant 0 : i32
    %c0_i32_0 = arith.constant 0 : i32
    %c0_i32_1 = arith.constant 0 : i32
    return %c0_i32, %c0_i32_0 : i32, i32
  }
  func.func @transform_6(%arg0: i32) -> (i32, i32) {
    %c0_i32 = arith.constant 0 : i32
    %c0_i32_0 = arith.constant 0 : i32
    return %arg0, %c0_i32 : i32, i32
  }
  func.func @transform_7(%arg0: i32) -> (i32, i32) {
    %c0_i32 = arith.constant 0 : i32
    %c0_i32_0 = arith.constant 0 : i32
    return %arg0, %c0_i32 : i32, i32
  }
  func.func @transform_8(%arg0: i32) -> (i32, i32) {
    %c0_i32 = arith.constant 0 : i32
    %c0_i32_0 = arith.constant 0 : i32
    %c0_i32_1 = arith.constant 0 : i32
    return %c0_i32, %c0_i32_0 : i32, i32
  }
  func.func @transform_9(%arg0: i32) -> (i32, i32) {
    %c0_i32 = arith.constant 0 : i32
    %c0_i32_0 = arith.constant 0 : i32
    %c0_i32_1 = arith.constant 0 : i32
    return %c0_i32, %c0_i32_0 : i32, i32
  }
}

module attributes {stable_mosaic.version = 14 : i64} {
  func.func @_mlp_final2_body(%arg0: i32, %arg1: memref<4096x128xf32, #tpu.memory_space<vmem>>, %arg2: memref<8192x128xf32, #tpu.memory_space<vmem>>, %arg3: memref<2x128xf32, #tpu.memory_space<vmem>>, %arg4: memref<2x128xf32, #tpu.memory_space<vmem>>, %arg5: memref<256x256xf32, #tpu.memory_space<vmem>>) attributes {dimension_semantics = [#tpu.dimension_semantics<arbitrary>], iteration_bounds = array<i64: 16>, scalar_prefetch = 0 : i64, scratch_operands = 0 : i64, tpu.core_type = #tpu.core_type<tc>, window_params = [{transform_indices = @transform_0, window_bounds = array<i64: 4096, 128>}, {transform_indices = @transform_1, window_bounds = array<i64: 8192, 128>}, {pipeline_mode = #tpu.pipeline_mode<synchronous>, transform_indices = @transform_2, window_bounds = array<i64: 2, 128>}, {pipeline_mode = #tpu.pipeline_mode<synchronous>, transform_indices = @transform_3, window_bounds = array<i64: 2, 128>}, {transform_indices = @transform_4, window_bounds = array<i64: 256, 256>}]} {
    %get3A = arith.constant 0 : index
    %get3A_0 = arith.constant 0 : index
    %get3A_1 = vector.load %arg1[%get3A, %get3A_0] : memref<4096x128xf32, #tpu.memory_space<vmem>>, vector<4096x128xf32>
    %get3A_2 = arith.constant 0 : index
    %get3A_3 = arith.constant 0 : index
    %get3A_4 = vector.load %arg3[%get3A_2, %get3A_3] : memref<2x128xf32, #tpu.memory_space<vmem>>, vector<2x128xf32>
    %slice3A = vector.extract_strided_slice %get3A_4 {offsets = [0, 0], sizes = [1, 128], strides = [1, 1]} : vector<2x128xf32> to vector<1x128xf32>
    %div3A = arith.constant 6.553600e+04 : f32
    %div3A_5 = vector.broadcast %div3A : f32 to vector<1x128xf32>
    %div3A_6 = arith.divf %slice3A, %div3A_5 : vector<1x128xf32>
    %slice3A_7 = vector.extract_strided_slice %get3A_4 {offsets = [1, 0], sizes = [1, 128], strides = [1, 1]} : vector<2x128xf32> to vector<1x128xf32>
    %div3A_8 = arith.constant 6.553600e+04 : f32
    %div3A_9 = vector.broadcast %div3A_8 : f32 to vector<1x128xf32>
    %div3A_10 = arith.divf %slice3A_7, %div3A_9 : vector<1x128xf32>
    %mul3A = arith.mulf %div3A_6, %div3A_6 : vector<1x128xf32>
    %sub3A = arith.subf %div3A_10, %mul3A : vector<1x128xf32>
    %add3A = arith.constant 9.99999974E-6 : f32
    %add3A_11 = vector.broadcast %add3A : f32 to vector<1x128xf32>
    %add3A_12 = arith.addf %sub3A, %add3A_11 : vector<1x128xf32>
    %rsqrt3A = math.rsqrt %add3A_12 : vector<1x128xf32>
    %sub3A_13 = vector.broadcast %div3A_6 : vector<1x128xf32> to vector<4096x128xf32>
    %sub3A_14 = arith.subf %get3A_1, %sub3A_13 : vector<4096x128xf32>
    %mul3A_15 = vector.broadcast %rsqrt3A : vector<1x128xf32> to vector<4096x128xf32>
    %mul3A_16 = arith.mulf %sub3A_14, %mul3A_15 : vector<4096x128xf32>
    %max3A = arith.constant 0.000000e+00 : f32
    %max3A_17 = vector.broadcast %max3A : f32 to vector<4096x128xf32>
    %max3A_18 = arith.maximumf %mul3A_16, %max3A_17 : vector<4096x128xf32>
    %get3A_19 = arith.constant 0 : index
    %get3A_20 = arith.constant 0 : index
    %get3A_21 = vector.load %arg2[%get3A_19, %get3A_20] : memref<8192x128xf32, #tpu.memory_space<vmem>>, vector<8192x128xf32>
    %get3A_22 = arith.constant 0 : index
    %get3A_23 = arith.constant 0 : index
    %get3A_24 = vector.load %arg4[%get3A_22, %get3A_23] : memref<2x128xf32, #tpu.memory_space<vmem>>, vector<2x128xf32>
    %slice3A_25 = vector.extract_strided_slice %get3A_24 {offsets = [0, 0], sizes = [1, 128], strides = [1, 1]} : vector<2x128xf32> to vector<1x128xf32>
    %div3A_26 = arith.constant 1.310720e+05 : f32
    %div3A_27 = vector.broadcast %div3A_26 : f32 to vector<1x128xf32>
    %div3A_28 = arith.divf %slice3A_25, %div3A_27 : vector<1x128xf32>
    %slice3A_29 = vector.extract_strided_slice %get3A_24 {offsets = [1, 0], sizes = [1, 128], strides = [1, 1]} : vector<2x128xf32> to vector<1x128xf32>
    %div3A_30 = arith.constant 1.310720e+05 : f32
    %div3A_31 = vector.broadcast %div3A_30 : f32 to vector<1x128xf32>
    %div3A_32 = arith.divf %slice3A_29, %div3A_31 : vector<1x128xf32>
    %mul3A_33 = arith.mulf %div3A_28, %div3A_28 : vector<1x128xf32>
    %sub3A_34 = arith.subf %div3A_32, %mul3A_33 : vector<1x128xf32>
    %add3A_35 = arith.constant 9.99999974E-6 : f32
    %add3A_36 = vector.broadcast %add3A_35 : f32 to vector<1x128xf32>
    %add3A_37 = arith.addf %sub3A_34, %add3A_36 : vector<1x128xf32>
    %rsqrt3A_38 = math.rsqrt %add3A_37 : vector<1x128xf32>
    %sub3A_39 = vector.broadcast %div3A_28 : vector<1x128xf32> to vector<8192x128xf32>
    %sub3A_40 = arith.subf %get3A_21, %sub3A_39 : vector<8192x128xf32>
    %mul3A_41 = vector.broadcast %rsqrt3A_38 : vector<1x128xf32> to vector<8192x128xf32>
    %mul3A_42 = arith.mulf %sub3A_40, %mul3A_41 : vector<8192x128xf32>
    %max3A_43 = arith.constant 0.000000e+00 : f32
    %max3A_44 = vector.broadcast %max3A_43 : f32 to vector<8192x128xf32>
    %max3A_45 = arith.maximumf %mul3A_42, %max3A_44 : vector<8192x128xf32>
    %reshape3A = vector.shape_cast %max3A_18 : vector<4096x128xf32> to vector<256x16x128xf32>
    %reduce_max3A = arith.constant dense<0xFF800000> : vector<256x128xf32>
    %reduce_max3A_46 = vector.multi_reduction <maximumf>, %reshape3A, %reduce_max3A [1] : vector<256x16x128xf32> to vector<256x128xf32>
    %reshape3A_47 = vector.shape_cast %max3A_45 : vector<8192x128xf32> to vector<256x32x128xf32>
    %reduce_max3A_48 = arith.constant dense<0xFF800000> : vector<256x128xf32>
    %reduce_max3A_49 = vector.multi_reduction <maximumf>, %reshape3A_47, %reduce_max3A_48 [1] : vector<256x32x128xf32> to vector<256x128xf32>
    %concatenate3A = tpu.concatenate %reduce_max3A_46, %reduce_max3A_49 in 1 : vector<256x128xf32>, vector<256x128xf32> -> vector<256x256xf32>
    %swap3A = arith.constant 0 : index
    %swap3A_50 = arith.constant 0 : index
    %swap3A_51 = vector.load %arg5[%swap3A, %swap3A_50] : memref<256x256xf32, #tpu.memory_space<vmem>>, vector<256x256xf32>
    tpu.vector_store %arg5[%swap3A, %swap3A_50], %concatenate3A {strides = array<i32>} : memref<256x256xf32, #tpu.memory_space<vmem>>, vector<256x256xf32>,
    return
  }
  func.func @transform_0(%arg0: i32) -> (i32, i32) {
    %c0_i32 = arith.constant 0 : i32
    %c0_i32_0 = arith.constant 0 : i32
    return %arg0, %c0_i32 : i32, i32
  }
  func.func @transform_1(%arg0: i32) -> (i32, i32) {
    %c0_i32 = arith.constant 0 : i32
    %c0_i32_0 = arith.constant 0 : i32
    return %arg0, %c0_i32 : i32, i32
  }
  func.func @transform_2(%arg0: i32) -> (i32, i32) {
    %c0_i32 = arith.constant 0 : i32
    %c0_i32_0 = arith.constant 0 : i32
    %c0_i32_1 = arith.constant 0 : i32
    return %c0_i32, %c0_i32_0 : i32, i32
  }
  func.func @transform_3(%arg0: i32) -> (i32, i32) {
    %c0_i32 = arith.constant 0 : i32
    %c0_i32_0 = arith.constant 0 : i32
    %c0_i32_1 = arith.constant 0 : i32
    return %c0_i32, %c0_i32_0 : i32, i32
  }
  func.func @transform_4(%arg0: i32) -> (i32, i32) {
    %c0_i32 = arith.constant 0 : i32
    %c0_i32_0 = arith.constant 0 : i32
    return %arg0, %c0_i32 : i32, i32
  }
}

</mosaic_0001>

<sc_bundles>
// kernel: kernel.10.cloned.1.call-start
scs
__scs_entry_jumppad:
0x0: {  	(pc) =	sbr.rel $0x88, $3  }
0x1: {  	(tag) =	ssettag $0x0;
	lr =	simm.s32 $0x1  }
0x2: {  	[smem:$0x3F99] =	sst lr;
	_ =	strace $0xD0000000  }
0x3: {  	_ = 	snop  }
0x4: {  	_ = 	snop  }
0x5: {  	_ = 	snop  }
0x6: {  	_ = 	snop  }
0x7: {  	_ = 	snop  }
__scs_overlays_trampoline_lowered:
0x8: {  	[smem:$0x3FA8] =	sst s0  }
0x9: {  	[smem:$0x3FA9] =	sst s1  }
0xa: {  	[smem:$0x3FAA] =	sst s2  }
0xb: {  	[smem:$0x3FAB] =	sst s3  }
0xc: {  	[smem:$0x3FAC] =	sst s4  }
0xd: {  	[smem:$0x3FAD] =	sst s5  }
0xe: {  	[smem:$0x3FAE] =	sst s6  }
0xf: {  	[smem:$0x3FAF] =	sst s7  }
0x10: {  	[smem:$0x3FB0] =	sst s8  }
0x11: {  	[smem:$0x3FB1] =	sst s9;
	s0 =	simm.s32 @!p0 $0x0  }
0x12: {  	s1 =	sld [smem:$0x3F97];
	s0 =	simm.s32 @p0 $0x1  }
0x13: {  	[smem:$0x3FB2] =	sst s0;
	s0 =	simm.s32 @!p1 $0x0  }
0x14: {  	s2 =	sld [smem:$0x3F96];
	s0 =	simm.s32 @p1 $0x1  }
0x15: {  	[smem:$0x3FB3] =	sst s0;
	s0 =	simm.s32 @!p2 $0x0  }
0x16: {  	s3 =	sld [smem:$0x3FDB];
	s0 =	simm.s32 @p2 $0x1  }
0x17: {  	s4 =	simm.s32 $0x1BF5;
	[smem:$0x3FB5] =	sst s0  }
0x18: {  	s0 =	sld [smem:$0x3F98];
	_ =	swait.ge [sflag:s4], $0x0  }
0x19: {  	s7 =	sld [smem:$0x3F99]  }
0x1a: {  	s8 =	sadd.s32 $0xFFFFE003, lr  }
0x1b: {  	s9 =	sadd.s32 $0xFFFFFEF7, lr;
	s5 =	simm.s32 $0xFFFFFFFF;
	p2 =	slt.u32 s8, $0xFFFFF086  }
0x1c: {  	p1 =	slt.u32 s9, $0xF7A;
	s5 =	simm.s32 @!p2 $0x0  }
0x1d: {  	s5 =	simm.s32 @p1 $0x1;
	p0 =	seq.s32 s7, s2  }
0x1e: {  	s7 =	smul.u32 @!p0 $0xF7A, s2;
	p2 =	seq.s32 @!p0 s5, $0x0  }
0x1f: {  	s9 =	smul.u32 $0xF7A, s1;
	s8 =	simm.s32 @!p0 $0x1BF5;
	p2 =	por !p2, p0  }
0x20: {  	[sflag:s8] =	ssyncset.s32 @!p0 $0xFFFFF086;
	s6 =	sadd.s32 @!p0 s3, s7;
	s7 =	simm.s32 @!p0 $0x108  }
0x21: {  	s3 =	sadd.s32 s3, s9;
	s6 =	sadd.s32 @!p0 $0x88, s6;
	s7 =	simm.s32 @p2 $0x1082  }
0x22: {  	[simem:s7], [sflag:s8] =	dma.local @!p0 [hbm:s6], $0xF7A  }
0x23: {  	s9 =	sor.u32 $0xD0000000, s2;
	s6 =	simm.s32 $0x108;
	_ =	swait.ge @!p0 [sflag:s8], $0x0  }
0x24: {  	s3 =	sadd.s32 $0x88, s3;
	s6 =	simm.s32 @!p1 $0x1082;
	[sflag:s4] =	ssyncset.s32 $0xFFFFF086  }
0x25: {  	[simem:s6], [sflag:s4] =	dma.local [hbm:s3], $0xF7A  }
0x26: {  	[smem:$0x3F99] =	sst s1;
	(tag) =	ssettag s2;
	_ =	strace s9  }
0x27: {  	s1 =	sld [smem:$0x3FA9]  }
0x28: {  	s2 =	sld [smem:$0x3FAA]  }
0x29: {  	s4 =	sld [smem:$0x3FAC]  }
0x2a: {  	p0 =	seq.s32 s5, $0x0;
	s5 =	sld [smem:$0x3FAD]  }
0x2b: {  	s6 =	sld [smem:$0x3FAE]  }
0x2c: {  	s7 =	sld [smem:$0x3FAF]  }
0x2d: {  	s3 =	simm.s32 $0x108;
	s8 =	sld [smem:$0x3FB0]  }
0x2e: {  	s3 =	simm.s32 @!p0 $0x1082;
	s9 =	sld [smem:$0x3FB1]  }
0x2f: {  	lr =	sadd.s32 s0, s3;
	s0 =	sld [smem:$0x3FA8]  }
0x30: {  	s3 =	sld [smem:$0x3FAB]  }
0x31: {  	[smem:$0x3FB4] =	sst s10  }
0x32: {  	s10 =	sld [smem:$0x3FB2];
	_ =	sdelay $0x3  }
0x33: {  	p0 =	seq.s32 s10, $0x1;
	s10 =	sld [smem:$0x3FB4];
	_ =	sdelay $0x3  }
0x34: {  	[smem:$0x3FB4] =	sst s10  }
0x35: {  	s10 =	sld [smem:$0x3FB3];
	_ =	sdelay $0x3  }
0x36: {  	p1 =	seq.s32 s10, $0x1;
	s10 =	sld [smem:$0x3FB4];
	_ =	sdelay $0x3  }
0x37: {  	[smem:$0x3FB4] =	sst s10  }
0x38: {  	s10 =	sld [smem:$0x3FB5]  }
0x39: {  	_ = 	snop;
	(pc) =	sbr.ind lr, $3  }
0x3a: {  	_ = 	snop  }
0x3b: {  	_ = 	snop  }
0x3c: {  	p2 =	seq.s32 s10, $0x1;
	s10 =	sld [smem:$0x3FB4]  }
0x3d: {  	_ =	shalt  }
0x3e: {  	_ =	shalt  }
0x3f: {  	_ =	shalt  }
0x40: {  	_ =	shalt  }
0x41: {  	_ =	shalt  }
0x42: {  	_ =	shalt  }
0x43: {  	_ =	shalt  }
0x44: {  	_ =	shalt  }
0x45: {  	_ =	shalt  }
0x46: {  	_ =	shalt  }
0x47: {  	_ =	shalt  }
0x48: {  	_ =	shalt  }
0x49: {  	_ =	shalt  }
0x4a: {  	_ =	shalt  }
0x4b: {  	_ =	shalt  }
0x4c: {  	_ =	shalt  }
0x4d: {  	_ =	shalt  }
0x4e: {  	_ =	shalt  }
0x4f: {  	_ =	shalt  }
0x50: {  	_ =	shalt  }
0x51: {  	_ =	shalt  }
0x52: {  	_ =	shalt  }
0x53: {  	_ =	shalt  }
0x54: {  	_ =	shalt  }
0x55: {  	_ =	shalt  }
0x56: {  	_ =	shalt  }
0x57: {  	_ =	shalt  }
0x58: {  	_ =	shalt  }
0x59: {  	_ =	shalt  }
0x5a: {  	_ =	shalt  }
0x5b: {  	_ =	shalt  }
0x5c: {  	_ =	shalt  }
0x5d: {  	_ =	shalt  }
0x5e: {  	_ =	shalt  }
0x5f: {  	_ =	shalt  }
0x60: {  	_ =	shalt  }
0x61: {  	_ =	shalt  }
0x62: {  	_ =	shalt  }
0x63: {  	_ =	shalt  }
0x64: {  	_ =	shalt  }
0x65: {  	_ =	shalt  }
0x66: {  	_ =	shalt  }
0x67: {  	_ =	shalt  }
0x68: {  	_ =	shalt  }
0x69: {  	_ =	shalt  }
0x6a: {  	_ =	shalt  }
0x6b: {  	_ =	shalt  }
0x6c: {  	_ =	shalt  }
0x6d: {  	_ =	shalt  }
0x6e: {  	_ =	shalt  }
0x6f: {  	_ =	shalt  }
0x70: {  	_ =	shalt  }
0x71: {  	_ =	shalt  }
0x72: {  	_ =	shalt  }
0x73: {  	_ =	shalt  }
0x74: {  	_ =	shalt  }
0x75: {  	_ =	shalt  }
0x76: {  	_ =	shalt  }
0x77: {  	_ =	shalt  }
0x78: {  	_ =	shalt  }
0x79: {  	_ =	shalt  }
0x7a: {  	_ =	shalt  }
0x7b: {  	_ =	shalt  }
0x7c: {  	_ =	shalt  }
0x7d: {  	_ =	shalt  }
0x7e: {  	_ =	shalt  }
0x7f: {  	_ =	shalt  }
0x80: {  	_ =	shalt  }
0x81: {  	_ =	shalt  }
0x82: {  	_ =	shalt  }
0x83: {  	_ =	shalt  }
0x84: {  	_ =	shalt  }
0x85: {  	_ =	shalt  }
0x86: {  	_ =	shalt  }
0x87: {  	_ =	shalt  }
.Lfunc_end0:
.L_simem_size_0:
called_computation_lowered:
.L_overlay_start_0:
0x88: {  	s2 =	sld [smem:$0x3FD9]  }
0x89: {  	s3 =	sld [smem:$0x3FFE];
	_ =	sdelay $0x1  }
0x8a: {  	s1 =	srdreg.scid  }
0x8b: {  	s0 =	sand.u32 $0x1, s1  }
0x8c: {  	s14 =	sshll.u32 s0, $0xA;
	s2 =	sadd.s32 s3, s2  }
0x8d: {  	s2 =	sadd.s32 s2, s14  }
0x8e: {  	[smem:$0x3FC0] =	sst s2  }
0x8f: {  	_ = 	snop  }
0x90: {  	s2 =	sld [smem:$0x3FD0];
	_ =	sdelay $0x2  }
0x91: {  	s15 =	simm.s32 $0xA;
	s4 =	simm.s32 $0x10  }
0x92: {  	[smem:s4], [sflag:s15] =	dma.local [hbm:s2], $0x1  }
0x93: {  	_ =	swait.eq [sflag:s15], $0x1  }
0x94: {  	[sflag:s15] =	ssyncset.done $0x0  }
0x95: {  	[sflag:s15] =	ssyncadd.s32 $0xFFFFFFFF  }
0x96: {  	s16 =	sld [smem:$0x11];
	(tm) =	ssettm $0x1  }
0x97: {  	s17 =	sld [smem:$0x3FFB];
	_ =	sdelay $0x3  }
0x98: {  	_ =	strace s17  }
0x99: {  	s3 =	sld [smem:$0x3FFC];
	_ =	sdelay $0x3  }
0x9a: {  	_ =	strace s3  }
0x9b: {  	s3 =	sld [smem:$0x3FFD];
	_ =	sdelay $0x3  }
0x9c: {  	_ =	strace s3  }
0x9d: {  	_ =	strace $0x8FFFFFFF  }
0x9e: {  	s18 =	sld [smem:$0x3FDB];
	_ =	sdelay $0x1  }
0x9f: {  	s19 =	simm.s32 $_scs_section_size  }
0xa0: {  	s5 =	simm.s32 $_size__tile_overlayer_lowered;
	s6 =	simm.s32 $_tile_overlayer_lowered  }
0xa1: {  	s22 =	simm.s32 $0x1BFF;
	s21 =	sshll.u32 s6, $0x1;
	s3 =	sadd.s32 s19, s18  }
0xa2: {  	s7 =	simm.s32 $0x0;
	s20 =	sshll.u32 s5, $0x1;
	s5 =	sadd.s32 s21, s3  }
0xa3: {  	[timem:s7], [sflag:s22] =	dma.local [hbm:s5], s20  }
0xa4: {  	_ =	swait.ge [sflag:s22], s20  }
0xa5: {  	s4 =	ssub.s32 $0x0, s20;
	[sflag:s22] =	ssyncset.done $0x0  }
0xa6: {  	[sflag:s22] =	ssyncadd.s32 s4;
	_ =	sdelay $0x1  }
0xa7: {  	s23 =	simm.s32 $0x1B8B  }
0xa8: {  	_ =	swait.ge [sflag:s23], $0x1  }
0xa9: {  	[sflag:s23] =	ssyncset.done $0x0  }
0xaa: {  	s25 =	simm.s32 $0x1B8E;
	s24 =	sld [smem:$0x3FFE];
	[sflag:s23] =	ssyncadd.s32 $0xFFFFFFFF  }
0xab: {  	s26 =	simm.s32 $execute0_lowered;
	[smem:$0x3FD2] =	sst s25  }
0xac: {  	s5 =	sshll.u32 s26, $0x1;
	_ =	strace $0x80000046;
	[dreg:$0x1] =	wrdreg $0xFFFFFFFF  }
0xad: {  	s28 =	simm.s32 $_size_execute0_lowered;
	s3 =	sadd.s32 s3, s5;
	[dreg:$0x0] =	wrdreg $0x0  }
0xae: {  	s5 =	sshll.u32 s28, $0x1;
	[dreg:$0x2] =	wrdreg s3  }
0xaf: {  	[dreg:$0x3] =	wrdreg s5  }
0xb0: {  	[dreg:$0x4] =	wrdreg $0xC0  }
0xb1: {  	_ =	task [dreg:s7], $0x5FFFF  }
0xb2: {  	[dreg:$0x1] =	wrdreg $0xFFFFFFFF  }
0xb3: {  	[dreg:$0x0] =	wrdreg $0x60  }
0xb4: {  	[dreg:$0x2] =	wrdreg s24  }
0xb5: {  	[dreg:$0x3] =	wrdreg s16  }
0xb6: {  	[dreg:$0x4] =	wrdreg $0x9  }
0xb7: {  	_ =	task.clear_ibuf [dreg:s7], $0x5FFFF;
	_ =	strace $0x90000046  }
0xb8: {  	s29 =	simm.s32 $0x9;
	_ =	strace $0x80000048  }
0xb9: {  	_ =	swait.ge [sflag:s29], $0x1  }
0xba: {  	[sflag:s29] =	ssyncadd.s32 $0xFFFFFFFF  }
0xbb: {  	_ =	strace $0x90000048  }
0xbc: {  	_ =	sfence  }
0xbd: {  	s30 =	sld [smem:$0x0];
	_ =	sdelay $0x2  }
0xbe: {  	s31 =	sshll.u32 s1, $0xD;
	s1 =	sshrl.u32 s1, $0x2  }
0xbf: {  	s3 =	sand.u32 $0x4000, s31;
	s1 =	sadd.s32 s1, s30  }
0xc0: {  	s0 =	sor.u32 s3, s0;
	s1 =	sshll.u32 s1, $0x11  }
0xc1: {  	s0 =	sor.u32 s1, s0  }
0xc2: {  	s0 =	sadd.s32 $0x8F2B, s0  }
0xc3: {  	[sflag:s0] =	ssyncadd.remote.s32 $0x1  }
0xc4: {  	_ =	sfence.sel $0xFFFF  }
0xc5: {  	[dreg:$0x0] =	wrdreg $0xFFFFFFFF;
	(pc) =	sbr.abs _section_cstart, $3  }
0xc6: {  	[dreg:$0x1] =	wrdreg $0xFFFFFFFF  }
0xc7: {  	_ =	task.clear_ibuf [dreg:s7], $0x2FFFF;
	_ =	strace $0x9FFFFFFF  }
0xc8: {  	(tm) =	ssettm $0x7FFFFFFF  }
0xc9: {  	_ =	shalt  }
tec
execute0_lowered:
.L_overlay_start_1:
0x0: {  	(tag) =	ssettag $0x1  }
0x1: {  	s4 =	rddreg [dreg:$0x0]  }
0x2: {  	s1 =	srdreg.scid;
	s29 =	rddreg [dreg:$0x1];
	s2 =	simm.s32 $0x0  }
0x3: {  	s0 =	stileid.u32;
	s1 =	sand.u32 $0x1, s1;
	[smem:$0x7FF] =	sst s2  }
0x4: {  	s3 =	sshll.u32 s0, $0xD;
	[dreg:$0xe] =	wrdreg s1;
	s5 =	sshll.u32 s1, $0xC  }
0x5: {  	s31 =	sadd.s32 $0x41C00, s4;
	s30 =	sor.u32 s5, s3;
	_ =	strace $0x80000047  }
0x6: {  	s3 =	sshrl.u32 s30, $0x3;
	s5 =	sor.u32 $0x100, s30;
	s6 =	sshll.u32 s30, $0x4  }
0x7: {  	s7 =	sor.u32 $0x200, s30;
	s10 =	sor.u32 $0x400, s30;
	s3 =	sadd.s32 s29, s3  }
0x8: {  	s23 =	sshrl.u32 s5, $0x3;
	s24 =	sadd.s32 s31, s6;
	[dreg:$0x3] =	wrdreg s3  }
0x9: {  	s25 =	sshrl.u32 s7, $0x3;
	s3 =	sadd.s32 s29, s23;
	[dreg:$0x5] =	wrdreg s24  }
0xa: {  	s5 =	sshll.u32 s5, $0x4;
	s26 =	sadd.s32 s29, s25;
	[dreg:$0x4] =	wrdreg s3  }
0xb: {  	s9 =	sshll.u32 s7, $0x4;
	s0 =	sadd.s32 s31, s5;
	[dreg:$0x6] =	wrdreg s26  }
0xc: {  	s12 =	sshrl.u32 s10, $0x3;
	s11 =	sadd.s32 s31, s9;
	[dreg:$0x7] =	wrdreg s0  }
0xd: {  	s1 =	sor.u32 $0x300, s30;
	s13 =	sadd.s32 s29, s12;
	[dreg:$0x9] =	wrdreg s11  }
0xe: {  	s8 =	sshrl.u32 s1, $0x3;
	s16 =	sshll.u32 s10, $0x4;
	[dreg:$0xa] =	wrdreg s13  }
0xf: {  	s5 =	sshll.u32 s1, $0x4;
	s18 =	sadd.s32 s31, s16;
	s17 =	rddreg [dreg:$0x3]  }
0x10: {  	s3 =	sadd.s32 s29, s8;
	s11 =	sor.u32 $0x500, s30;
	[dreg:$0xd] =	wrdreg s18  }
0x11: {  	s14 =	sadd.s32 s31, s5;
	[dreg:$0x8] =	wrdreg s3;
	s15 =	sshrl.u32 s11, $0x3  }
0x12: {  	[tilespmem:s2], [sflag:$0x3] =	stream.linear.gather [hbm4b:s17+s2], $0x100, $0x38;
	[tilespmem:$0x10200] =	vst v63  }
0x13: {  	[dreg:$0xb] =	wrdreg s14;
	s3 =	sadd.s32 s29, s15  }
0x14: {  	[dreg:$0xc] =	wrdreg s3;
	s3 =	simm.s32 $0x3  }
0x15: {  	_ =	swait.ge [sflag:s3], $0x100  }
0x16: {  	s4 =	sadd.s32 $0x1C00, s4;
	[sflag:s3] =	ssyncset.done $0x0  }
0x17: {  	s6 =	simm.s32 $0x200;
	s5 =	simm.s32 $0x100;
	[sflag:s3] =	ssyncadd.s32 $0xFFFFFF00  }
0x18: {  	[tilespmem:s6], [sflag:$0x1] =	stream.indirect.gather [hbm4b:s4+s5], $0x80, s2, s5, $0xb8;
	[tilespmem:$0x10200] =	vst v63  }
0x19: {  	s19 =	rddreg [dreg:$0x4]  }
0x1a: {  	[tilespmem:s5], [sflag:$0x3] =	stream.linear.gather [hbm4b:s19+s2], $0x100, $0x38;
	[tilespmem:$0x10200] =	vst v63  }
0x1b: {  	_ =	swait.ge [sflag:s3], $0x100  }
0x1c: {  	[sflag:s3] =	ssyncset.done $0x0  }
0x1d: {  	s7 =	simm.s32 $0x8200;
	s8 =	simm.s32 $0x1;
	[sflag:s3] =	ssyncadd.s32 $0xFFFFFF00  }
0x1e: {  	[tilespmem:s7], [sflag:$0x2] =	stream.indirect.gather [hbm4b:s4+s5], $0x80, s5, s5, $0xb8;
	[tilespmem:$0x10200] =	vst v63  }
0x1f: {  	_ =	swait.ge [sflag:s8], $0x8000  }
0x20: {  	[sflag:s8] =	ssyncset.done $0x0  }
0x21: {  	s9 =	rddreg [dreg:$0x5];
	[sflag:s8] =	ssyncadd.s32 $0xFFFF8000  }
0x22: {  	[hbm4b:s9+s2] =	stream.linear.scatter [tilespmem:s6], [sflag:$0x3], $0x8000, $0x38;
	[tilespmem:$0x10200] =	vst v63  }
0x23: {  	_ =	swait.ge [sflag:s3], $0x8000  }
0x24: {  	[sflag:s3] =	ssyncset.done $0x0  }
0x25: {  	s20 =	rddreg [dreg:$0x6];
	[sflag:s3] =	ssyncadd.s32 $0xFFFF8000  }
0x26: {  	[tilespmem:s2], [sflag:$0x3] =	stream.linear.gather [hbm4b:s20+s2], $0x100, $0x38;
	[tilespmem:$0x10200] =	vst v63  }
0x27: {  	_ =	swait.ge [sflag:s3], $0x100  }
0x28: {  	[sflag:s3] =	ssyncset.done $0x0  }
0x29: {  	s9 =	simm.s32 $0x2;
	[sflag:s3] =	ssyncadd.s32 $0xFFFFFF00  }
0x2a: {  	[tilespmem:s6], [sflag:$0x1] =	stream.indirect.gather [hbm4b:s4+s5], $0x80, s2, s5, $0xb8;
	[tilespmem:$0x10200] =	vst v63  }
0x2b: {  	_ =	swait.ge [sflag:s9], $0x8000  }
0x2c: {  	[sflag:s9] =	ssyncset.done $0x0  }
0x2d: {  	s10 =	rddreg [dreg:$0x7];
	[sflag:s9] =	ssyncadd.s32 $0xFFFF8000  }
0x2e: {  	[hbm4b:s10+s2] =	stream.linear.scatter [tilespmem:s7], [sflag:$0x3], $0x8000, $0x38;
	[tilespmem:$0x10200] =	vst v63  }
0x2f: {  	_ =	swait.ge [sflag:s3], $0x8000  }
0x30: {  	[sflag:s3] =	ssyncset.done $0x0  }
0x31: {  	s21 =	rddreg [dreg:$0x8];
	[sflag:s3] =	ssyncadd.s32 $0xFFFF8000  }
0x32: {  	[tilespmem:s5], [sflag:$0x3] =	stream.linear.gather [hbm4b:s21+s2], $0x100, $0x38;
	[tilespmem:$0x10200] =	vst v63  }
0x33: {  	_ =	swait.ge [sflag:s3], $0x100  }
0x34: {  	[sflag:s3] =	ssyncset.done $0x0  }
0x35: {  	[sflag:s3] =	ssyncadd.s32 $0xFFFFFF00  }
0x36: {  	[tilespmem:s7], [sflag:$0x2] =	stream.indirect.gather [hbm4b:s4+s5], $0x80, s5, s5, $0xb8;
	[tilespmem:$0x10200] =	vst v63  }
0x37: {  	_ =	swait.ge [sflag:s8], $0x8000  }
0x38: {  	[sflag:s8] =	ssyncset.done $0x0  }
0x39: {  	s22 =	rddreg [dreg:$0x9];
	[sflag:s8] =	ssyncadd.s32 $0xFFFF8000  }
0x3a: {  	[hbm4b:s22+s2] =	stream.linear.scatter [tilespmem:s6], [sflag:$0x3], $0x8000, $0x38;
	[tilespmem:$0x10200] =	vst v63  }
0x3b: {  	_ =	swait.ge [sflag:s3], $0x8000  }
0x3c: {  	[sflag:s3] =	ssyncset.done $0x0  }
0x3d: {  	s23 =	rddreg [dreg:$0xa];
	[sflag:s3] =	ssyncadd.s32 $0xFFFF8000  }
0x3e: {  	[tilespmem:s2], [sflag:$0x3] =	stream.linear.gather [hbm4b:s23+s2], $0x100, $0x38;
	[tilespmem:$0x10200] =	vst v63  }
0x3f: {  	_ =	swait.ge [sflag:s3], $0x100  }
0x40: {  	[sflag:s3] =	ssyncset.done $0x0  }
0x41: {  	[sflag:s3] =	ssyncadd.s32 $0xFFFFFF00  }
0x42: {  	[tilespmem:s6], [sflag:$0x1] =	stream.indirect.gather [hbm4b:s4+s5], $0x80, s2, s5, $0xb8;
	[tilespmem:$0x10200] =	vst v63  }
0x43: {  	_ =	swait.ge [sflag:s9], $0x8000  }
0x44: {  	[sflag:s9] =	ssyncset.done $0x0  }
0x45: {  	s24 =	rddreg [dreg:$0xb];
	[sflag:s9] =	ssyncadd.s32 $0xFFFF8000  }
0x46: {  	[hbm4b:s24+s2] =	stream.linear.scatter [tilespmem:s7], [sflag:$0x3], $0x8000, $0x38;
	[tilespmem:$0x10200] =	vst v63  }
0x47: {  	_ =	swait.ge [sflag:s3], $0x8000  }
0x48: {  	[sflag:s3] =	ssyncset.done $0x0  }
0x49: {  	s25 =	rddreg [dreg:$0xc];
	[sflag:s3] =	ssyncadd.s32 $0xFFFF8000  }
0x4a: {  	[tilespmem:s5], [sflag:$0x3] =	stream.linear.gather [hbm4b:s25+s2], $0x100, $0x38;
	[tilespmem:$0x10200] =	vst v63  }
0x4b: {  	_ =	swait.ge [sflag:s3], $0x100  }
0x4c: {  	[sflag:s3] =	ssyncset.done $0x0  }
0x4d: {  	[sflag:s3] =	ssyncadd.s32 $0xFFFFFF00  }
0x4e: {  	[tilespmem:s7], [sflag:$0x2] =	stream.indirect.gather [hbm4b:s4+s5], $0x80, s5, s5, $0xb8;
	[tilespmem:$0x10200] =	vst v63  }
0x4f: {  	_ =	swait.ge [sflag:s8], $0x8000  }
0x50: {  	[sflag:s8] =	ssyncset.done $0x0  }
0x51: {  	s26 =	rddreg [dreg:$0xd];
	[sflag:s8] =	ssyncadd.s32 $0xFFFF8000  }
0x52: {  	[hbm4b:s26+s2] =	stream.linear.scatter [tilespmem:s6], [sflag:$0x3], $0x8000, $0x38;
	[tilespmem:$0x10200] =	vst v63  }
0x53: {  	s13 =	sor.u32 $0x600, s30;
	_ =	swait.ge [sflag:s3], $0x8000  }
0x54: {  	s0 =	sshrl.u32 s13, $0x3;
	[sflag:s3] =	ssyncset.done $0x0  }
0x55: {  	s10 =	sadd.s32 s29, s0;
	[sflag:s3] =	ssyncadd.s32 $0xFFFF8000  }
0x56: {  	[tilespmem:s2], [sflag:$0x3] =	stream.linear.gather [hbm4b:s10+s2], $0x100, $0x38;
	[tilespmem:$0x10200] =	vst v63  }
0x57: {  	_ =	swait.ge [sflag:s3], $0x100  }
0x58: {  	[sflag:s3] =	ssyncset.done $0x0  }
0x59: {  	[sflag:s3] =	ssyncadd.s32 $0xFFFFFF00  }
0x5a: {  	[tilespmem:s6], [sflag:$0x1] =	stream.indirect.gather [hbm4b:s4+s5], $0x80, s2, s5, $0xb8;
	[tilespmem:$0x10200] =	vst v63  }
0x5b: {  	_ =	swait.ge [sflag:s9], $0x8000  }
0x5c: {  	s11 =	sshll.u32 s11, $0x4;
	[sflag:s9] =	ssyncset.done $0x0  }
0x5d: {  	s11 =	sadd.s32 s31, s11;
	[sflag:s9] =	ssyncadd.s32 $0xFFFF8000  }
0x5e: {  	[hbm4b:s11+s2] =	stream.linear.scatter [tilespmem:s7], [sflag:$0x3], $0x8000, $0x38;
	[tilespmem:$0x10200] =	vst v63  }
0x5f: {  	s15 =	sor.u32 $0x700, s30;
	_ =	swait.ge [sflag:s3], $0x8000  }
0x60: {  	s12 =	sshrl.u32 s15, $0x3;
	[sflag:s3] =	ssyncset.done $0x0  }
0x61: {  	s12 =	sadd.s32 s29, s12;
	[sflag:s3] =	ssyncadd.s32 $0xFFFF8000  }
0x62: {  	[tilespmem:s5], [sflag:$0x3] =	stream.linear.gather [hbm4b:s12+s2], $0x100, $0x38;
	[tilespmem:$0x10200] =	vst v63  }
0x63: {  	_ =	swait.ge [sflag:s3], $0x100  }
0x64: {  	[sflag:s3] =	ssyncset.done $0x0  }
0x65: {  	[sflag:s3] =	ssyncadd.s32 $0xFFFFFF00  }
0x66: {  	[tilespmem:s7], [sflag:$0x2] =	stream.indirect.gather [hbm4b:s4+s5], $0x80, s5, s5, $0xb8;
	[tilespmem:$0x10200] =	vst v63  }
0x67: {  	_ =	swait.ge [sflag:s8], $0x8000  }
0x68: {  	s13 =	sshll.u32 s13, $0x4;
	[sflag:s8] =	ssyncset.done $0x0  }
0x69: {  	s13 =	sadd.s32 s31, s13;
	[sflag:s8] =	ssyncadd.s32 $0xFFFF8000  }
0x6a: {  	[hbm4b:s13+s2] =	stream.linear.scatter [tilespmem:s6], [sflag:$0x3], $0x8000, $0x38;
	[tilespmem:$0x10200] =	vst v63  }
0x6b: {  	s17 =	sor.u32 $0x800, s30;
	_ =	swait.ge [sflag:s3], $0x8000  }
0x6c: {  	s14 =	sshrl.u32 s17, $0x3;
	[sflag:s3] =	ssyncset.done $0x0  }
0x6d: {  	s14 =	sadd.s32 s29, s14;
	[sflag:s3] =	ssyncadd.s32 $0xFFFF8000  }
0x6e: {  	[tilespmem:s2], [sflag:$0x3] =	stream.linear.gather [hbm4b:s14+s2], $0x100, $0x38;
	[tilespmem:$0x10200] =	vst v63  }
0x6f: {  	_ =	swait.ge [sflag:s3], $0x100  }
0x70: {  	[sflag:s3] =	ssyncset.done $0x0  }
0x71: {  	[sflag:s3] =	ssyncadd.s32 $0xFFFFFF00  }
0x72: {  	[tilespmem:s6], [sflag:$0x1] =	stream.indirect.gather [hbm4b:s4+s5], $0x80, s2, s5, $0xb8;
	[tilespmem:$0x10200] =	vst v63  }
0x73: {  	_ =	swait.ge [sflag:s9], $0x8000  }
0x74: {  	s15 =	sshll.u32 s15, $0x4;
	[sflag:s9] =	ssyncset.done $0x0  }
0x75: {  	s15 =	sadd.s32 s31, s15;
	[sflag:s9] =	ssyncadd.s32 $0xFFFF8000  }
0x76: {  	[hbm4b:s15+s2] =	stream.linear.scatter [tilespmem:s7], [sflag:$0x3], $0x8000, $0x38;
	[tilespmem:$0x10200] =	vst v63  }
0x77: {  	s19 =	sor.u32 $0x900, s30;
	_ =	swait.ge [sflag:s3], $0x8000  }
0x78: {  	s16 =	sshrl.u32 s19, $0x3;
	[sflag:s3] =	ssyncset.done $0x0  }
0x79: {  	s16 =	sadd.s32 s29, s16;
	[sflag:s3] =	ssyncadd.s32 $0xFFFF8000  }
0x7a: {  	[tilespmem:s5], [sflag:$0x3] =	stream.linear.gather [hbm4b:s16+s2], $0x100, $0x38;
	[tilespmem:$0x10200] =	vst v63  }
0x7b: {  	_ =	swait.ge [sflag:s3], $0x100  }
0x7c: {  	[sflag:s3] =	ssyncset.done $0x0  }
0x7d: {  	[sflag:s3] =	ssyncadd.s32 $0xFFFFFF00  }
0x7e: {  	[tilespmem:s7], [sflag:$0x2] =	stream.indirect.gather [hbm4b:s4+s5], $0x80, s5, s5, $0xb8;
	[tilespmem:$0x10200] =	vst v63  }
0x7f: {  	_ =	swait.ge [sflag:s8], $0x8000  }
0x80: {  	s17 =	sshll.u32 s17, $0x4;
	[sflag:s8] =	ssyncset.done $0x0  }
0x81: {  	s17 =	sadd.s32 s31, s17;
	[sflag:s8] =	ssyncadd.s32 $0xFFFF8000  }
0x82: {  	[hbm4b:s17+s2] =	stream.linear.scatter [tilespmem:s6], [sflag:$0x3], $0x8000, $0x38;
	[tilespmem:$0x10200] =	vst v63  }
0x83: {  	s21 =	sor.u32 $0xA00, s30;
	_ =	swait.ge [sflag:s3], $0x8000  }
0x84: {  	s18 =	sshrl.u32 s21, $0x3;
	[sflag:s3] =	ssyncset.done $0x0  }
0x85: {  	s18 =	sadd.s32 s29, s18;
	[sflag:s3] =	ssyncadd.s32 $0xFFFF8000  }
0x86: {  	[tilespmem:s2], [sflag:$0x3] =	stream.linear.gather [hbm4b:s18+s2], $0x100, $0x38;
	[tilespmem:$0x10200] =	vst v63  }
0x87: {  	_ =	swait.ge [sflag:s3], $0x100  }
0x88: {  	[sflag:s3] =	ssyncset.done $0x0  }
0x89: {  	[sflag:s3] =	ssyncadd.s32 $0xFFFFFF00  }
0x8a: {  	[tilespmem:s6], [sflag:$0x1] =	stream.indirect.gather [hbm4b:s4+s5], $0x80, s2, s5, $0xb8;
	[tilespmem:$0x10200] =	vst v63  }
0x8b: {  	_ =	swait.ge [sflag:s9], $0x8000  }
0x8c: {  	s19 =	sshll.u32 s19, $0x4;
	[sflag:s9] =	ssyncset.done $0x0  }
0x8d: {  	s19 =	sadd.s32 s31, s19;
	[sflag:s9] =	ssyncadd.s32 $0xFFFF8000  }
0x8e: {  	[hbm4b:s19+s2] =	stream.linear.scatter [tilespmem:s7], [sflag:$0x3], $0x8000, $0x38;
	[tilespmem:$0x10200] =	vst v63  }
0x8f: {  	s23 =	sor.u32 $0xB00, s30;
	_ =	swait.ge [sflag:s3], $0x8000  }
0x90: {  	s20 =	sshrl.u32 s23, $0x3;
	[sflag:s3] =	ssyncset.done $0x0  }
0x91: {  	s20 =	sadd.s32 s29, s20;
	[sflag:s3] =	ssyncadd.s32 $0xFFFF8000  }
0x92: {  	[tilespmem:s5], [sflag:$0x3] =	stream.linear.gather [hbm4b:s20+s2], $0x100, $0x38;
	[tilespmem:$0x10200] =	vst v63  }
0x93: {  	_ =	swait.ge [sflag:s3], $0x100  }
0x94: {  	[sflag:s3] =	ssyncset.done $0x0  }
0x95: {  	[sflag:s3] =	ssyncadd.s32 $0xFFFFFF00  }
0x96: {  	[tilespmem:s7], [sflag:$0x2] =	stream.indirect.gather [hbm4b:s4+s5], $0x80, s5, s5, $0xb8;
	[tilespmem:$0x10200] =	vst v63  }
0x97: {  	_ =	swait.ge [sflag:s8], $0x8000  }
0x98: {  	s21 =	sshll.u32 s21, $0x4;
	[sflag:s8] =	ssyncset.done $0x0  }
0x99: {  	s21 =	sadd.s32 s31, s21;
	[sflag:s8] =	ssyncadd.s32 $0xFFFF8000  }
0x9a: {  	[hbm4b:s21+s2] =	stream.linear.scatter [tilespmem:s6], [sflag:$0x3], $0x8000, $0x38;
	[tilespmem:$0x10200] =	vst v63  }
0x9b: {  	s25 =	sor.u32 $0xC00, s30;
	_ =	swait.ge [sflag:s3], $0x8000  }
0x9c: {  	s22 =	sshrl.u32 s25, $0x3;
	[sflag:s3] =	ssyncset.done $0x0  }
0x9d: {  	s22 =	sadd.s32 s29, s22;
	[sflag:s3] =	ssyncadd.s32 $0xFFFF8000  }
0x9e: {  	[tilespmem:s2], [sflag:$0x3] =	stream.linear.gather [hbm4b:s22+s2], $0x100, $0x38;
	[tilespmem:$0x10200] =	vst v63  }
0x9f: {  	_ =	swait.ge [sflag:s3], $0x100  }
0xa0: {  	[sflag:s3] =	ssyncset.done $0x0  }
0xa1: {  	[sflag:s3] =	ssyncadd.s32 $0xFFFFFF00  }
0xa2: {  	[tilespmem:s6], [sflag:$0x1] =	stream.indirect.gather [hbm4b:s4+s5], $0x80, s2, s5, $0xb8;
	[tilespmem:$0x10200] =	vst v63  }
0xa3: {  	_ =	swait.ge [sflag:s9], $0x8000  }
0xa4: {  	s23 =	sshll.u32 s23, $0x4;
	[sflag:s9] =	ssyncset.done $0x0  }
0xa5: {  	s23 =	sadd.s32 s31, s23;
	[sflag:s9] =	ssyncadd.s32 $0xFFFF8000  }
0xa6: {  	[hbm4b:s23+s2] =	stream.linear.scatter [tilespmem:s7], [sflag:$0x3], $0x8000, $0x38;
	[tilespmem:$0x10200] =	vst v63  }
0xa7: {  	s28 =	sor.u32 $0xD00, s30;
	_ =	swait.ge [sflag:s3], $0x8000  }
0xa8: {  	s24 =	sshrl.u32 s28, $0x3;
	[sflag:s3] =	ssyncset.done $0x0  }
0xa9: {  	s24 =	sadd.s32 s29, s24;
	[sflag:s3] =	ssyncadd.s32 $0xFFFF8000  }
0xaa: {  	[tilespmem:s5], [sflag:$0x3] =	stream.linear.gather [hbm4b:s24+s2], $0x100, $0x38;
	[tilespmem:$0x10200] =	vst v63  }
0xab: {  	_ =	swait.ge [sflag:s3], $0x100  }
0xac: {  	[sflag:s3] =	ssyncset.done $0x0  }
0xad: {  	[sflag:s3] =	ssyncadd.s32 $0xFFFFFF00  }
0xae: {  	[tilespmem:s7], [sflag:$0x2] =	stream.indirect.gather [hbm4b:s4+s5], $0x80, s5, s5, $0xb8;
	[tilespmem:$0x10200] =	vst v63  }
0xaf: {  	_ =	swait.ge [sflag:s8], $0x8000  }
0xb0: {  	s25 =	sshll.u32 s25, $0x4;
	[sflag:s8] =	ssyncset.done $0x0  }
0xb1: {  	s25 =	sadd.s32 s31, s25;
	[sflag:s8] =	ssyncadd.s32 $0xFFFF8000  }
0xb2: {  	[hbm4b:s25+s2] =	stream.linear.scatter [tilespmem:s6], [sflag:$0x3], $0x8000, $0x38;
	[tilespmem:$0x10200] =	vst v63  }
0xb3: {  	s1 =	sor.u32 $0xE00, s30;
	_ =	swait.ge [sflag:s3], $0x8000  }
0xb4: {  	s26 =	sshrl.u32 s1, $0x3;
	[sflag:s3] =	ssyncset.done $0x0  }
0xb5: {  	s26 =	sadd.s32 s29, s26;
	[sflag:s3] =	ssyncadd.s32 $0xFFFF8000  }
0xb6: {  	[tilespmem:s2], [sflag:$0x3] =	stream.linear.gather [hbm4b:s26+s2], $0x100, $0x38;
	[tilespmem:$0x10200] =	vst v63  }
0xb7: {  	_ =	swait.ge [sflag:s3], $0x100  }
0xb8: {  	[sflag:s3] =	ssyncset.done $0x0  }
0xb9: {  	[sflag:s3] =	ssyncadd.s32 $0xFFFFFF00  }
0xba: {  	[tilespmem:s6], [sflag:$0x1] =	stream.indirect.gather [hbm4b:s4+s5], $0x80, s2, s5, $0xb8;
	[tilespmem:$0x10200] =	vst v63  }
0xbb: {  	_ =	swait.ge [sflag:s9], $0x8000  }
0xbc: {  	s28 =	sshll.u32 s28, $0x4;
	[sflag:s9] =	ssyncset.done $0x0  }
0xbd: {  	s28 =	sadd.s32 s31, s28;
	[dreg:$0xf] =	wrdreg s31;
	[sflag:s9] =	ssyncadd.s32 $0xFFFF8000  }
0xbe: {  	[hbm4b:s28+s2] =	stream.linear.scatter [tilespmem:s7], [sflag:$0x3], $0x8000, $0x38;
	[tilespmem:$0x10200] =	vst v63  }
0xbf: {  	s0 =	sor.u32 $0xF00, s30;
	_ =	swait.ge [sflag:s3], $0x8000  }
0xc0: {  	s30 =	sshrl.u32 s0, $0x3;
	[sflag:s3] =	ssyncset.done $0x0  }
0xc1: {  	s29 =	sadd.s32 s29, s30;
	[sflag:s3] =	ssyncadd.s32 $0xFFFF8000  }
0xc2: {  	[tilespmem:s5], [sflag:$0x3] =	stream.linear.gather [hbm4b:s29+s2], $0x100, $0x38;
	[tilespmem:$0x10200] =	vst v63  }
0xc3: {  	_ =	swait.ge [sflag:s3], $0x100  }
0xc4: {  	[sflag:s3] =	ssyncset.done $0x0  }
0xc5: {  	[sflag:s3] =	ssyncadd.s32 $0xFFFFFF00  }
0xc6: {  	[tilespmem:s7], [sflag:$0x2] =	stream.indirect.gather [hbm4b:s4+s5], $0x80, s5, s5, $0xb8;
	[tilespmem:$0x10200] =	vst v63  }
0xc7: {  	_ =	swait.ge [sflag:s8], $0x8000  }
0xc8: {  	s1 =	sshll.u32 s1, $0x4;
	[sflag:s8] =	ssyncset.done $0x0  }
0xc9: {  	s30 =	sadd.s32 s31, s1;
	[sflag:s8] =	ssyncadd.s32 $0xFFFF8000  }
0xca: {  	[hbm4b:s30+s2] =	stream.linear.scatter [tilespmem:s6], [sflag:$0x3], $0x8000, $0x38;
	[tilespmem:$0x10200] =	vst v63  }
0xcb: {  	_ =	swait.ge [sflag:s3], $0x8000  }
0xcc: {  	s1 =	rddreg [dreg:$0xe]  }
0xcd: {  	s1 =	ssub.s32 $0x2, s1  }
0xce: {  	s31 =	sshrl.u32 s1, $0x1  }
0xcf: {  	s1 =	ssub.s32 s1, s31  }
0xd0: {  	[sflag:s3] =	ssyncset.done $0x0;
	s1 =	smax.u32 s1, $0x1  }
0xd1: {  	[sflag:s3] =	ssyncadd.s32 $0xFFFF8000;
	p0 =	sne.s32 s1, $0x1  }
.Ltmp0:
0xd2: {  	_ =	swait.ge [sflag:s9], $0x8000;
	(pc) =	sbr.rel @!p0 .LBB2_2-.Ltmp0, $4  }
0xd3: {  	s0 =	sshll.u32 s0, $0x4;
	[sflag:s9] =	ssyncset.done $0x0;
	s31 =	rddreg [dreg:$0xf]  }
0xd4: {  	s31 =	sadd.s32 s31, s0;
	[sflag:s9] =	ssyncadd.s32 $0xFFFF8000  }
0xd5: {  	[hbm4b:s31+s2] =	stream.linear.scatter [tilespmem:s7], [sflag:$0x3], $0x8000, $0x38;
	[tilespmem:$0x10200] =	vst v63  }
0xd6: {  	s1 =	sadd.s32 $0xFFFFFFFF, s1;
	_ =	swait.ge [sflag:s3], $0x8000  }
.LBB2_1:
0xd7: {  	[sflag:s3] =	ssyncset.done $0x0  }
0xd8: {  	s0 =	rddreg [dreg:$0x3];
	[sflag:s3] =	ssyncadd.s32 $0xFFFF8000  }
0xd9: {  	[tilespmem:s2], [sflag:$0x3] =	stream.linear.gather [hbm4b:s0+s2], $0x100, $0x38;
	[tilespmem:$0x10200] =	vst v63  }
0xda: {  	_ =	swait.ge [sflag:s3], $0x100  }
0xdb: {  	[sflag:s3] =	ssyncset.done $0x0  }
0xdc: {  	[sflag:s3] =	ssyncadd.s32 $0xFFFFFF00  }
0xdd: {  	[tilespmem:s6], [sflag:$0x1] =	stream.indirect.gather [hbm4b:s4+s5], $0x80, s2, s5, $0xb8;
	[tilespmem:$0x10200] =	vst v63  }
0xde: {  	s0 =	rddreg [dreg:$0x4]  }
0xdf: {  	[tilespmem:s5], [sflag:$0x3] =	stream.linear.gather [hbm4b:s0+s2], $0x100, $0x38;
	[tilespmem:$0x10200] =	vst v63  }
0xe0: {  	_ =	swait.ge [sflag:s3], $0x100  }
0xe1: {  	[sflag:s3] =	ssyncset.done $0x0  }
0xe2: {  	[sflag:s3] =	ssyncadd.s32 $0xFFFFFF00  }
0xe3: {  	[tilespmem:s7], [sflag:$0x2] =	stream.indirect.gather [hbm4b:s4+s5], $0x80, s5, s5, $0xb8;
	[tilespmem:$0x10200] =	vst v63  }
0xe4: {  	_ =	swait.ge [sflag:s8], $0x8000  }
0xe5: {  	[sflag:s8] =	ssyncset.done $0x0  }
0xe6: {  	s0 =	rddreg [dreg:$0x5];
	[sflag:s8] =	ssyncadd.s32 $0xFFFF8000  }
0xe7: {  	[hbm4b:s0+s2] =	stream.linear.scatter [tilespmem:s6], [sflag:$0x3], $0x8000, $0x38;
	[tilespmem:$0x10200] =	vst v63  }
0xe8: {  	_ =	swait.ge [sflag:s3], $0x8000  }
0xe9: {  	[sflag:s3] =	ssyncset.done $0x0  }
0xea: {  	s0 =	rddreg [dreg:$0x6];
	[sflag:s3] =	ssyncadd.s32 $0xFFFF8000  }
0xeb: {  	[tilespmem:s2], [sflag:$0x3] =	stream.linear.gather [hbm4b:s0+s2], $0x100, $0x38;
	[tilespmem:$0x10200] =	vst v63  }
0xec: {  	_ =	swait.ge [sflag:s3], $0x100  }
0xed: {  	[sflag:s3] =	ssyncset.done $0x0  }
0xee: {  	[sflag:s3] =	ssyncadd.s32 $0xFFFFFF00  }
0xef: {  	[tilespmem:s6], [sflag:$0x1] =	stream.indirect.gather [hbm4b:s4+s5], $0x80, s2, s5, $0xb8;
	[tilespmem:$0x10200] =	vst v63  }
0xf0: {  	_ =	swait.ge [sflag:s9], $0x8000  }
0xf1: {  	[sflag:s9] =	ssyncset.done $0x0  }
0xf2: {  	s0 =	rddreg [dreg:$0x7];
	[sflag:s9] =	ssyncadd.s32 $0xFFFF8000  }
0xf3: {  	[hbm4b:s0+s2] =	stream.linear.scatter [tilespmem:s7], [sflag:$0x3], $0x8000, $0x38;
	[tilespmem:$0x10200] =	vst v63  }
0xf4: {  	_ =	swait.ge [sflag:s3], $0x8000  }
0xf5: {  	[sflag:s3] =	ssyncset.done $0x0  }
0xf6: {  	s0 =	rddreg [dreg:$0x8];
	[sflag:s3] =	ssyncadd.s32 $0xFFFF8000  }
0xf7: {  	[tilespmem:s5], [sflag:$0x3] =	stream.linear.gather [hbm4b:s0+s2], $0x100, $0x38;
	[tilespmem:$0x10200] =	vst v63  }
0xf8: {  	_ =	swait.ge [sflag:s3], $0x100  }
0xf9: {  	[sflag:s3] =	ssyncset.done $0x0  }
0xfa: {  	[sflag:s3] =	ssyncadd.s32 $0xFFFFFF00  }
0xfb: {  	[tilespmem:s7], [sflag:$0x2] =	stream.indirect.gather [hbm4b:s4+s5], $0x80, s5, s5, $0xb8;
	[tilespmem:$0x10200] =	vst v63  }
0xfc: {  	_ =	swait.ge [sflag:s8], $0x8000  }
0xfd: {  	[sflag:s8] =	ssyncset.done $0x0  }
0xfe: {  	s0 =	rddreg [dreg:$0x9];
	[sflag:s8] =	ssyncadd.s32 $0xFFFF8000  }
0xff: {  	[hbm4b:s0+s2] =	stream.linear.scatter [tilespmem:s6], [sflag:$0x3], $0x8000, $0x38;
	[tilespmem:$0x10200] =	vst v63  }
0x100: {  	_ =	swait.ge [sflag:s3], $0x8000  }
0x101: {  	[sflag:s3] =	ssyncset.done $0x0  }
0x102: {  	s0 =	rddreg [dreg:$0xa];
	[sflag:s3] =	ssyncadd.s32 $0xFFFF8000  }
0x103: {  	[tilespmem:s2], [sflag:$0x3] =	stream.linear.gather [hbm4b:s0+s2], $0x100, $0x38;
	[tilespmem:$0x10200] =	vst v63  }
0x104: {  	_ =	swait.ge [sflag:s3], $0x100  }
0x105: {  	[sflag:s3] =	ssyncset.done $0x0  }
0x106: {  	[sflag:s3] =	ssyncadd.s32 $0xFFFFFF00  }
0x107: {  	[tilespmem:s6], [sflag:$0x1] =	stream.indirect.gather [hbm4b:s4+s5], $0x80, s2, s5, $0xb8;
	[tilespmem:$0x10200] =	vst v63  }
0x108: {  	_ =	swait.ge [sflag:s9], $0x8000  }
0x109: {  	[sflag:s9] =	ssyncset.done $0x0  }
0x10a: {  	s0 =	rddreg [dreg:$0xb];
	[sflag:s9] =	ssyncadd.s32 $0xFFFF8000  }
0x10b: {  	[hbm4b:s0+s2] =	stream.linear.scatter [tilespmem:s7], [sflag:$0x3], $0x8000, $0x38;
	[tilespmem:$0x10200] =	vst v63  }
0x10c: {  	_ =	swait.ge [sflag:s3], $0x8000  }
0x10d: {  	[sflag:s3] =	ssyncset.done $0x0  }
0x10e: {  	s0 =	rddreg [dreg:$0xc];
	[sflag:s3] =	ssyncadd.s32 $0xFFFF8000  }
0x10f: {  	[tilespmem:s5], [sflag:$0x3] =	stream.linear.gather [hbm4b:s0+s2], $0x100, $0x38;
	[tilespmem:$0x10200] =	vst v63  }
0x110: {  	_ =	swait.ge [sflag:s3], $0x100  }
0x111: {  	[sflag:s3] =	ssyncset.done $0x0  }
0x112: {  	[sflag:s3] =	ssyncadd.s32 $0xFFFFFF00  }
0x113: {  	[tilespmem:s7], [sflag:$0x2] =	stream.indirect.gather [hbm4b:s4+s5], $0x80, s5, s5, $0xb8;
	[tilespmem:$0x10200] =	vst v63  }
0x114: {  	_ =	swait.ge [sflag:s8], $0x8000  }
0x115: {  	[sflag:s8] =	ssyncset.done $0x0  }
0x116: {  	s0 =	rddreg [dreg:$0xd];
	[sflag:s8] =	ssyncadd.s32 $0xFFFF8000  }
0x117: {  	[hbm4b:s0+s2] =	stream.linear.scatter [tilespmem:s6], [sflag:$0x3], $0x8000, $0x38;
	[tilespmem:$0x10200] =	vst v63  }
0x118: {  	_ =	swait.ge [sflag:s3], $0x8000  }
0x119: {  	[sflag:s3] =	ssyncset.done $0x0  }
0x11a: {  	[sflag:s3] =	ssyncadd.s32 $0xFFFF8000  }
0x11b: {  	[tilespmem:s2], [sflag:$0x3] =	stream.linear.gather [hbm4b:s10+s2], $0x100, $0x38;
	[tilespmem:$0x10200] =	vst v63  }
0x11c: {  	_ =	swait.ge [sflag:s3], $0x100  }
0x11d: {  	[sflag:s3] =	ssyncset.done $0x0  }
0x11e: {  	[sflag:s3] =	ssyncadd.s32 $0xFFFFFF00  }
0x11f: {  	[tilespmem:s6], [sflag:$0x1] =	stream.indirect.gather [hbm4b:s4+s5], $0x80, s2, s5, $0xb8;
	[tilespmem:$0x10200] =	vst v63  }
0x120: {  	_ =	swait.ge [sflag:s9], $0x8000  }
0x121: {  	[sflag:s9] =	ssyncset.done $0x0  }
0x122: {  	[sflag:s9] =	ssyncadd.s32 $0xFFFF8000  }
0x123: {  	[hbm4b:s11+s2] =	stream.linear.scatter [tilespmem:s7], [sflag:$0x3], $0x8000, $0x38;
	[tilespmem:$0x10200] =	vst v63  }
0x124: {  	_ =	swait.ge [sflag:s3], $0x8000  }
0x125: {  	[sflag:s3] =	ssyncset.done $0x0  }
0x126: {  	[sflag:s3] =	ssyncadd.s32 $0xFFFF8000  }
0x127: {  	[tilespmem:s5], [sflag:$0x3] =	stream.linear.gather [hbm4b:s12+s2], $0x100, $0x38;
	[tilespmem:$0x10200] =	vst v63  }
0x128: {  	_ =	swait.ge [sflag:s3], $0x100  }
0x129: {  	[sflag:s3] =	ssyncset.done $0x0  }
0x12a: {  	[sflag:s3] =	ssyncadd.s32 $0xFFFFFF00  }
0x12b: {  	[tilespmem:s7], [sflag:$0x2] =	stream.indirect.gather [hbm4b:s4+s5], $0x80, s5, s5, $0xb8;
	[tilespmem:$0x10200] =	vst v63  }
0x12c: {  	_ =	swait.ge [sflag:s8], $0x8000  }
0x12d: {  	[sflag:s8] =	ssyncset.done $0x0  }
0x12e: {  	[sflag:s8] =	ssyncadd.s32 $0xFFFF8000  }
0x12f: {  	[hbm4b:s13+s2] =	stream.linear.scatter [tilespmem:s6], [sflag:$0x3], $0x8000, $0x38;
	[tilespmem:$0x10200] =	vst v63  }
0x130: {  	_ =	swait.ge [sflag:s3], $0x8000  }
0x131: {  	[sflag:s3] =	ssyncset.done $0x0  }
0x132: {  	[sflag:s3] =	ssyncadd.s32 $0xFFFF8000  }
0x133: {  	[tilespmem:s2], [sflag:$0x3] =	stream.linear.gather [hbm4b:s14+s2], $0x100, $0x38;
	[tilespmem:$0x10200] =	vst v63  }
0x134: {  	_ =	swait.ge [sflag:s3], $0x100  }
0x135: {  	[sflag:s3] =	ssyncset.done $0x0  }
0x136: {  	[sflag:s3] =	ssyncadd.s32 $0xFFFFFF00  }
0x137: {  	[tilespmem:s6], [sflag:$0x1] =	stream.indirect.gather [hbm4b:s4+s5], $0x80, s2, s5, $0xb8;
	[tilespmem:$0x10200] =	vst v63  }
0x138: {  	_ =	swait.ge [sflag:s9], $0x8000  }
0x139: {  	[sflag:s9] =	ssyncset.done $0x0  }
0x13a: {  	[sflag:s9] =	ssyncadd.s32 $0xFFFF8000  }
0x13b: {  	[hbm4b:s15+s2] =	stream.linear.scatter [tilespmem:s7], [sflag:$0x3], $0x8000, $0x38;
	[tilespmem:$0x10200] =	vst v63  }
0x13c: {  	_ =	swait.ge [sflag:s3], $0x8000  }
0x13d: {  	[sflag:s3] =	ssyncset.done $0x0  }
0x13e: {  	[sflag:s3] =	ssyncadd.s32 $0xFFFF8000  }
0x13f: {  	[tilespmem:s5], [sflag:$0x3] =	stream.linear.gather [hbm4b:s16+s2], $0x100, $0x38;
	[tilespmem:$0x10200] =	vst v63  }
0x140: {  	_ =	swait.ge [sflag:s3], $0x100  }
0x141: {  	[sflag:s3] =	ssyncset.done $0x0  }
0x142: {  	[sflag:s3] =	ssyncadd.s32 $0xFFFFFF00  }
0x143: {  	[tilespmem:s7], [sflag:$0x2] =	stream.indirect.gather [hbm4b:s4+s5], $0x80, s5, s5, $0xb8;
	[tilespmem:$0x10200] =	vst v63  }
0x144: {  	_ =	swait.ge [sflag:s8], $0x8000  }
0x145: {  	[sflag:s8] =	ssyncset.done $0x0  }
0x146: {  	[sflag:s8] =	ssyncadd.s32 $0xFFFF8000  }
0x147: {  	[hbm4b:s17+s2] =	stream.linear.scatter [tilespmem:s6], [sflag:$0x3], $0x8000, $0x38;
	[tilespmem:$0x10200] =	vst v63  }
0x148: {  	_ =	swait.ge [sflag:s3], $0x8000  }
0x149: {  	[sflag:s3] =	ssyncset.done $0x0  }
0x14a: {  	[sflag:s3] =	ssyncadd.s32 $0xFFFF8000  }
0x14b: {  	[tilespmem:s2], [sflag:$0x3] =	stream.linear.gather [hbm4b:s18+s2], $0x100, $0x38;
	[tilespmem:$0x10200] =	vst v63  }
0x14c: {  	_ =	swait.ge [sflag:s3], $0x100  }
0x14d: {  	[sflag:s3] =	ssyncset.done $0x0  }
0x14e: {  	[sflag:s3] =	ssyncadd.s32 $0xFFFFFF00  }
0x14f: {  	[tilespmem:s6], [sflag:$0x1] =	stream.indirect.gather [hbm4b:s4+s5], $0x80, s2, s5, $0xb8;
	[tilespmem:$0x10200] =	vst v63  }
0x150: {  	_ =	swait.ge [sflag:s9], $0x8000  }
0x151: {  	[sflag:s9] =	ssyncset.done $0x0  }
0x152: {  	[sflag:s9] =	ssyncadd.s32 $0xFFFF8000  }
0x153: {  	[hbm4b:s19+s2] =	stream.linear.scatter [tilespmem:s7], [sflag:$0x3], $0x8000, $0x38;
	[tilespmem:$0x10200] =	vst v63  }
0x154: {  	_ =	swait.ge [sflag:s3], $0x8000  }
0x155: {  	[sflag:s3] =	ssyncset.done $0x0  }
0x156: {  	[sflag:s3] =	ssyncadd.s32 $0xFFFF8000  }
0x157: {  	[tilespmem:s5], [sflag:$0x3] =	stream.linear.gather [hbm4b:s20+s2], $0x100, $0x38;
	[tilespmem:$0x10200] =	vst v63  }
0x158: {  	_ =	swait.ge [sflag:s3], $0x100  }
0x159: {  	[sflag:s3] =	ssyncset.done $0x0  }
0x15a: {  	[sflag:s3] =	ssyncadd.s32 $0xFFFFFF00  }
0x15b: {  	[tilespmem:s7], [sflag:$0x2] =	stream.indirect.gather [hbm4b:s4+s5], $0x80, s5, s5, $0xb8;
	[tilespmem:$0x10200] =	vst v63  }
0x15c: {  	_ =	swait.ge [sflag:s8], $0x8000  }
0x15d: {  	[sflag:s8] =	ssyncset.done $0x0  }
0x15e: {  	[sflag:s8] =	ssyncadd.s32 $0xFFFF8000  }
0x15f: {  	[hbm4b:s21+s2] =	stream.linear.scatter [tilespmem:s6], [sflag:$0x3], $0x8000, $0x38;
	[tilespmem:$0x10200] =	vst v63  }
0x160: {  	_ =	swait.ge [sflag:s3], $0x8000  }
0x161: {  	[sflag:s3] =	ssyncset.done $0x0  }
0x162: {  	[sflag:s3] =	ssyncadd.s32 $0xFFFF8000  }
0x163: {  	[tilespmem:s2], [sflag:$0x3] =	stream.linear.gather [hbm4b:s22+s2], $0x100, $0x38;
	[tilespmem:$0x10200] =	vst v63  }
0x164: {  	_ =	swait.ge [sflag:s3], $0x100  }
0x165: {  	[sflag:s3] =	ssyncset.done $0x0  }
0x166: {  	[sflag:s3] =	ssyncadd.s32 $0xFFFFFF00  }
0x167: {  	[tilespmem:s6], [sflag:$0x1] =	stream.indirect.gather [hbm4b:s4+s5], $0x80, s2, s5, $0xb8;
	[tilespmem:$0x10200] =	vst v63  }
0x168: {  	_ =	swait.ge [sflag:s9], $0x8000  }
0x169: {  	[sflag:s9] =	ssyncset.done $0x0  }
0x16a: {  	[sflag:s9] =	ssyncadd.s32 $0xFFFF8000  }
0x16b: {  	[hbm4b:s23+s2] =	stream.linear.scatter [tilespmem:s7], [sflag:$0x3], $0x8000, $0x38;
	[tilespmem:$0x10200] =	vst v63  }
0x16c: {  	_ =	swait.ge [sflag:s3], $0x8000  }
0x16d: {  	[sflag:s3] =	ssyncset.done $0x0  }
0x16e: {  	[sflag:s3] =	ssyncadd.s32 $0xFFFF8000  }
0x16f: {  	[tilespmem:s5], [sflag:$0x3] =	stream.linear.gather [hbm4b:s24+s2], $0x100, $0x38;
	[tilespmem:$0x10200] =	vst v63  }
0x170: {  	_ =	swait.ge [sflag:s3], $0x100  }
0x171: {  	[sflag:s3] =	ssyncset.done $0x0  }
0x172: {  	[sflag:s3] =	ssyncadd.s32 $0xFFFFFF00  }
0x173: {  	[tilespmem:s7], [sflag:$0x2] =	stream.indirect.gather [hbm4b:s4+s5], $0x80, s5, s5, $0xb8;
	[tilespmem:$0x10200] =	vst v63  }
0x174: {  	_ =	swait.ge [sflag:s8], $0x8000  }
0x175: {  	[sflag:s8] =	ssyncset.done $0x0  }
0x176: {  	[sflag:s8] =	ssyncadd.s32 $0xFFFF8000  }
0x177: {  	[hbm4b:s25+s2] =	stream.linear.scatter [tilespmem:s6], [sflag:$0x3], $0x8000, $0x38;
	[tilespmem:$0x10200] =	vst v63  }
0x178: {  	_ =	swait.ge [sflag:s3], $0x8000  }
0x179: {  	[sflag:s3] =	ssyncset.done $0x0  }
0x17a: {  	[sflag:s3] =	ssyncadd.s32 $0xFFFF8000  }
0x17b: {  	[tilespmem:s2], [sflag:$0x3] =	stream.linear.gather [hbm4b:s26+s2], $0x100, $0x38;
	[tilespmem:$0x10200] =	vst v63  }
0x17c: {  	_ =	swait.ge [sflag:s3], $0x100  }
0x17d: {  	[sflag:s3] =	ssyncset.done $0x0  }
0x17e: {  	[sflag:s3] =	ssyncadd.s32 $0xFFFFFF00  }
0x17f: {  	[tilespmem:s6], [sflag:$0x1] =	stream.indirect.gather [hbm4b:s4+s5], $0x80, s2, s5, $0xb8;
	[tilespmem:$0x10200] =	vst v63  }
0x180: {  	_ =	swait.ge [sflag:s9], $0x8000  }
0x181: {  	[sflag:s9] =	ssyncset.done $0x0  }
0x182: {  	[sflag:s9] =	ssyncadd.s32 $0xFFFF8000  }
0x183: {  	[hbm4b:s28+s2] =	stream.linear.scatter [tilespmem:s7], [sflag:$0x3], $0x8000, $0x38;
	[tilespmem:$0x10200] =	vst v63  }
0x184: {  	_ =	swait.ge [sflag:s3], $0x8000  }
0x185: {  	[sflag:s3] =	ssyncset.done $0x0  }
0x186: {  	[sflag:s3] =	ssyncadd.s32 $0xFFFF8000  }
0x187: {  	[tilespmem:s5], [sflag:$0x3] =	stream.linear.gather [hbm4b:s29+s2], $0x100, $0x38;
	[tilespmem:$0x10200] =	vst v63  }
0x188: {  	_ =	swait.ge [sflag:s3], $0x100  }
0x189: {  	[sflag:s3] =	ssyncset.done $0x0  }
0x18a: {  	[sflag:s3] =	ssyncadd.s32 $0xFFFFFF00  }
0x18b: {  	[tilespmem:s7], [sflag:$0x2] =	stream.indirect.gather [hbm4b:s4+s5], $0x80, s5, s5, $0xb8;
	[tilespmem:$0x10200] =	vst v63  }
0x18c: {  	_ =	swait.ge [sflag:s8], $0x8000  }
0x18d: {  	[sflag:s8] =	ssyncset.done $0x0  }
0x18e: {  	[sflag:s8] =	ssyncadd.s32 $0xFFFF8000  }
0x18f: {  	[hbm4b:s30+s2] =	stream.linear.scatter [tilespmem:s6], [sflag:$0x3], $0x8000, $0x38;
	[tilespmem:$0x10200] =	vst v63  }
0x190: {  	_ =	swait.ge [sflag:s3], $0x8000  }
0x191: {  	[sflag:s3] =	ssyncset.done $0x0  }
0x192: {  	p0 =	sne.s32 s1, $0x1;
	[sflag:s3] =	ssyncadd.s32 $0xFFFF8000  }
.Ltmp1:
0x193: {  	_ =	swait.ge [sflag:s9], $0x8000;
	(pc) =	sbr.rel @p0 .LBB2_1-.Ltmp1, $4  }
0x194: {  	[sflag:s9] =	ssyncset.done $0x0  }
0x195: {  	[sflag:s9] =	ssyncadd.s32 $0xFFFF8000  }
0x196: {  	[hbm4b:s31+s2] =	stream.linear.scatter [tilespmem:s7], [sflag:$0x3], $0x8000, $0x38;
	[tilespmem:$0x10200] =	vst v63  }
0x197: {  	s1 =	sadd.s32 $0xFFFFFFFF, s1;
	_ =	swait.ge [sflag:s3], $0x8000  }
.LBB2_2:
0x198: {  	[sflag:s3] =	ssyncset.done $0x0  }
0x199: {  	[sflag:s3] =	ssyncadd.s32 $0xFFFF8000  }
0x19a: {  	_ =	sfence.sel $0x180000  }
0x19b: {  	[bflag:$0x0] =	sbarrier.arrive $0xFFFF  }
0x19c: {  	_ =	strace $0x90000047  }
0x19d: {  	s0 =	stileid.u32;
	[bflag:$0x2] =	sbarrier.arrive $0xFFFF  }
0x19e: {  	p0 =	sne.s32 s0, $0x0;
	s0 =	rddreg [dreg:$0x2]  }
0x19f: {  	s0 =	sadd.s32 @!p0 $0x100000, s0  }
0x1a0: {  	[sflag:s0] =	ssyncadd.tile.s32 @!p0 $0x1;
	_ =	shalt  }
.Lfunc_end2:
_tile_overlayer_lowered:
.L_overlay_start_2:
0x1a1: {  	(tag) =	ssettag $0x2  }
0x1a2: {  	s0 =	rddreg [dreg:$0x0];
	s2 =	stileid.u32  }
0x1a3: {  	s1 =	rddreg [dreg:$0x1];
	p0 =	sne.s32 s2, $0x0  }
0x1a4: {  	s3 =	rddreg [dreg:$0x2];
	[bflag:$0x3] =	sbarrier.arrive $0xFFFF;
	s2 =	simm.s32 @!p0 $0x1C03  }
0x1a5: {  	[timem:s3], [sflag:s2] =	dma.local @!p0 [hbm:s0], s1  }
0x1a6: {  	s0 =	simm.s32 @!p0 $0x3  }
0x1a7: {  	_ =	swait.ge @!p0 [sflag:s0], s1  }
0x1a8: {  	s1 =	ssub.s32 @!p0 $0x0, s1;
	[sflag:s0] =	ssyncset.done @!p0 $0x0  }
0x1a9: {  	[sflag:s0] =	ssyncadd.s32 @!p0 s1  }
0x1aa: {  	[bflag:$0x3] =	sbarrier.arrive $0xFFFF  }
0x1ab: {  	_ =	shalt  }

</sc_bundles>
